<compile_context>
chip_gen: v7x
topology: tpu7x:2x2x1
jax: 0.10.2.dev20260603
libtpu: 0.0.44.dev20260713+nightly
codegen_flags: <defaults>
</compile_context>

<pallas_src>
import functools

import jax
import jax.numpy as jnp
from jax import lax
from jax.experimental import pallas as pl
from jax.experimental.pallas import tpu as pltpu
from jax.experimental.pallas import tpu_sc as plsc

N_NODES = 100000
D = 512
B = 50000

NC = 2
NS = 16
NW = NC * NS
BPW = 1568
CH = 112
G = BPW // CH
LAST_BASE = (NW - 1) * BPW
LAST_N = B - LAST_BASE
TAIL = LAST_N - (G - 2) * CH

_mesh = plsc.VectorSubcoreMesh(core_axis_name="c", subcore_axis_name="s")


@functools.partial(
    pl.kernel,
    mesh=_mesh,
    out_type=jax.ShapeDtypeStruct((B, D), jnp.float32),
    scratch_types=[
        pltpu.VMEM((BPW,), jnp.int32),
        pltpu.VMEM((CH, D), jnp.float32),
        pltpu.VMEM((CH, D), jnp.float32),
        pltpu.SemaphoreType.DMA,
        pltpu.SemaphoreType.DMA,
        pltpu.SemaphoreType.DMA,
        pltpu.SemaphoreType.DMA,
    ],
)
def _sc_gather(nodes_hbm, table_hbm, out_hbm, idx_v, buf0, buf1,
               gsem0, gsem1, wsem0, wsem1):
    wid = lax.axis_index("s") * NC + lax.axis_index("c")
    base = wid * BPW
    is_last = wid == NW - 1

    @pl.when(jnp.logical_not(is_last))
    def _():
        pltpu.sync_copy(nodes_hbm.at[pl.ds(base, BPW)], idx_v)

    @pl.when(is_last)
    def _():
        pltpu.sync_copy(nodes_hbm.at[pl.ds(LAST_BASE, LAST_N)],
                        idx_v.at[pl.ds(0, LAST_N)])
        zeros = jnp.zeros((16,), jnp.int32)
        for i in range(LAST_N, BPW, 16):
            idx_v[pl.ds(i, 16)] = zeros

    bufs = (buf0, buf1)
    gsems = (gsem0, gsem1)
    wsems = (wsem0, wsem1)

    def start_gather(g):
        b = g % 2
        return pltpu.async_copy(
            table_hbm.at[idx_v.at[pl.ds(g * CH, CH)]], bufs[b], gsems[b])

    whandles = [None, None]
    h = start_gather(0)
    for g in range(G):
        b = g % 2
        nh = None
        if g + 1 < G:
            if whandles[1 - b] is not None:
                whandles[1 - b].wait()
                whandles[1 - b] = None
            nh = start_gather(g + 1)
        h.wait()
        row0 = base + g * CH
        if g < G - 2:
            whandles[b] = pltpu.async_copy(
                bufs[b], out_hbm.at[pl.ds(row0, CH)], wsems[b])
        elif g == G - 2:
            @pl.when(jnp.logical_not(is_last))
            def _():
                pltpu.async_copy(bufs[b], out_hbm.at[pl.ds(row0, CH)],
                                 wsems[b])

            @pl.when(is_last)
            def _():
                pltpu.async_copy(bufs[b].at[pl.ds(0, TAIL)],
                                 out_hbm.at[pl.ds(B - TAIL, TAIL)], wsems[b])
        else:
            @pl.when(jnp.logical_not(is_last))
            def _():
                pltpu.async_copy(bufs[b], out_hbm.at[pl.ds(row0, CH)],
                                 wsems[b])
        h = nh
    for wh in whandles:
        if wh is not None:
            wh.wait()

    b2 = (G - 2) % 2
    b1 = (G - 1) % 2
    row2 = base + (G - 2) * CH
    row1 = base + (G - 1) * CH

    @pl.when(jnp.logical_not(is_last))
    def _():
        pltpu.make_async_copy(bufs[b2], out_hbm.at[pl.ds(row2, CH)],
                              wsems[b2]).wait()
        pltpu.make_async_copy(bufs[b1], out_hbm.at[pl.ds(row1, CH)],
                              wsems[b1]).wait()

    @pl.when(is_last)
    def _():
        pltpu.make_async_copy(bufs[b2].at[pl.ds(0, TAIL)],
                              out_hbm.at[pl.ds(B - TAIL, TAIL)],
                              wsems[b2]).wait()


def kernel(nodes, table):
    return _sc_gather(nodes.astype(jnp.int32), table)

# --- scband reference (transcript-rebuilt; emitter-appended) ---
"""Pipeline reference for scband-si-gat-62981400429067 (READ-ONLY COPY).

The authoritative reference and input builder live on the scoring server;
editing this copy changes nothing except your own understanding.
"""

import jax, jax.numpy as jnp
import numpy as np

N_NODES = 100000
D = 512
BATCH = 50000

def setup_inputs(seed: int = 0) -> dict:
    key = jax.random.key(seed)
    k_idx, k_tab = jax.random.split(key)
    nodes = jax.random.randint(k_idx, (BATCH,), 0, N_NODES, dtype=jnp.int64 if jax.config.jax_enable_x64 else jnp.int32)
    table = jax.random.normal(k_tab, (N_NODES, D), dtype=jnp.float32) * 0.02
    return {"nodes": nodes, "table": table}

def reference(nodes, table):
    # SiGAT.forward(nodes) -> self.enc(nodes): embedding lookup (gather) producing
    # node embeddings of shape [BATCH, D].
    embeds = jnp.take(table, nodes, axis=0)
    return embeds

if __name__ == "__main__":
    import jax
    _d = setup_inputs()
    print(jax.jit(kernel)(*tuple(_d.values())))

</pallas_src>

<mosaic_0001>
#map = affine_map<(d0, d1) -> (0)>
#map1 = affine_map<(d0, d1) -> (0, 0)>
module attributes {stable_mosaic.version = 14 : i64} {
  func.func @_sc_gather(%arg0: i32, %arg1: i32, %arg2: memref<50000xi32, #tpu.memory_space<hbm>>, %arg3: memref<100000x512xf32, #tpu.memory_space<hbm>>, %arg4: memref<50000x512xf32, #tpu.memory_space<hbm>>, %arg5: memref<1568xi32, #tpu.memory_space<vmem>>, %arg6: memref<112x512xf32, #tpu.memory_space<vmem>>, %arg7: memref<112x512xf32, #tpu.memory_space<vmem>>, %arg8: memref<!tpu.dma_semaphore, #tpu.memory_space<semaphore_mem>>, %arg9: memref<!tpu.dma_semaphore, #tpu.memory_space<semaphore_mem>>, %arg10: memref<!tpu.dma_semaphore, #tpu.memory_space<semaphore_mem>>, %arg11: memref<!tpu.dma_semaphore, #tpu.memory_space<semaphore_mem>>) attributes {dimension_semantics = [#tpu.dimension_semantics<core_parallel>, #tpu.dimension_semantics<subcore_parallel>], iteration_bounds = array<i64: 2, 16>, scalar_prefetch = 0 : i64, scratch_operands = 7 : i64, tpu.core_type = #tpu.core_type<sc_vector_subcore>, window_params = [{transform_indices = #map}, {transform_indices = #map1}, {transform_indices = #map1}]} {
    %mul3A = arith.constant 2 : i32
    %mul3A_0 = arith.muli %arg1, %mul3A : i32
    %add3A = arith.addi %mul3A_0, %arg0 : i32
    %mul3A_1 = arith.constant 1568 : i32
    %mul3A_2 = arith.muli %add3A, %mul3A_1 : i32
    %eq3A = arith.constant 31 : i32
    %eq3A_3 = arith.cmpi eq, %add3A, %eq3A : i32
    %not3A = arith.constant true
    %not3A_4 = arith.xori %eq3A_3, %not3A : i1
    %convert_element_type3A = arith.extui %not3A_4 : i1 to i32
    %cond3A = arith.constant 0 : i32
    %cond3A_5 = arith.cmpi ne, %convert_element_type3A, %cond3A : i32
    scf.if %cond3A_5 {
      "tpu.region"() ({
        %run_scoped3A = tpu.sem_alloc : memref<!tpu.dma_semaphore, #tpu.memory_space<semaphore_mem>>
        %dma_start3A_296 = tpu.memref_slice %arg2[%mul3A_2] : memref<50000xi32, #tpu.memory_space<hbm>> -> memref<1568xi32, #tpu.memory_space<hbm>>
        %dma_start3A_297 = tpu.memref_slice %arg2[%mul3A_2] : memref<50000xi32, #tpu.memory_space<hbm>> -> memref<1568xi32, #tpu.memory_space<hbm>>
        tpu.enqueue_dma source(%dma_start3A_297 : memref<1568xi32, #tpu.memory_space<hbm>>) target(%arg5 : memref<1568xi32, #tpu.memory_space<vmem>>) target_semaphore(%run_scoped3A : memref<!tpu.dma_semaphore, #tpu.memory_space<semaphore_mem>>)
        %dma_wait3A_298 = tpu.memref_slice %arg2[%mul3A_2] : memref<50000xi32, #tpu.memory_space<hbm>> -> memref<1568xi32, #tpu.memory_space<hbm>>
        %dma_wait3A_299 = tpu.memref_slice %arg2[%mul3A_2] : memref<50000xi32, #tpu.memory_space<hbm>> -> memref<1568xi32, #tpu.memory_space<hbm>>
        tpu.wait_dma2 semaphore(%run_scoped3A : memref<!tpu.dma_semaphore, #tpu.memory_space<semaphore_mem>>) src(%dma_wait3A_299 : memref<1568xi32, #tpu.memory_space<hbm>>) dst(%arg5 : memref<1568xi32, #tpu.memory_space<vmem>>)
        tpu.yield
      }) : () -> ()
    } else {
    }
    %convert_element_type3A_6 = arith.extui %eq3A_3 : i1 to i32
    %cond3A_7 = arith.constant 0 : i32
    %cond3A_8 = arith.cmpi ne, %convert_element_type3A_6, %cond3A_7 : i32
    scf.if %cond3A_8 {
      "tpu.region"() ({
        %run_scoped3A = tpu.sem_alloc : memref<!tpu.dma_semaphore, #tpu.memory_space<semaphore_mem>>
        %dma_start3A_340 = arith.constant 0 : i32
        %dma_start3A_341 = tpu.memref_slice %arg5[%dma_start3A_340] : memref<1568xi32, #tpu.memory_space<vmem>> -> memref<1392xi32, #tpu.memory_space<vmem>>
        %dma_start3A_342 = arith.constant 48608 : i32
        %dma_start3A_343 = tpu.memref_slice %arg2[%dma_start3A_342] : memref<50000xi32, #tpu.memory_space<hbm>> -> memref<1392xi32, #tpu.memory_space<hbm>>
        %dma_start3A_344 = arith.constant 0 : i32
        %dma_start3A_345 = tpu.memref_slice %arg5[%dma_start3A_344] : memref<1568xi32, #tpu.memory_space<vmem>> -> memref<1392xi32, #tpu.memory_space<vmem>>
        %dma_start3A_346 = arith.constant 48608 : i32
        %dma_start3A_347 = tpu.memref_slice %arg2[%dma_start3A_346] : memref<50000xi32, #tpu.memory_space<hbm>> -> memref<1392xi32, #tpu.memory_space<hbm>>
        tpu.enqueue_dma source(%dma_start3A_347 : memref<1392xi32, #tpu.memory_space<hbm>>) target(%dma_start3A_345 : memref<1392xi32, #tpu.memory_space<vmem>>) target_semaphore(%run_scoped3A : memref<!tpu.dma_semaphore, #tpu.memory_space<semaphore_mem>>)
        %dma_wait3A_348 = arith.constant 0 : i32
        %dma_wait3A_349 = tpu.memref_slice %arg5[%dma_wait3A_348] : memref<1568xi32, #tpu.memory_space<vmem>> -> memref<1392xi32, #tpu.memory_space<vmem>>
        %dma_wait3A_350 = arith.constant 48608 : i32
        %dma_wait3A_351 = tpu.memref_slice %arg2[%dma_wait3A_350] : memref<50000xi32, #tpu.memory_space<hbm>> -> memref<1392xi32, #tpu.memory_space<hbm>>
        %dma_wait3A_352 = arith.constant 0 : i32
        %dma_wait3A_353 = tpu.memref_slice %arg5[%dma_wait3A_352] : memref<1568xi32, #tpu.memory_space<vmem>> -> memref<1392xi32, #tpu.memory_space<vmem>>
        %dma_wait3A_354 = arith.constant 48608 : i32
        %dma_wait3A_355 = tpu.memref_slice %arg2[%dma_wait3A_354] : memref<50000xi32, #tpu.memory_space<hbm>> -> memref<1392xi32, #tpu.memory_space<hbm>>
        tpu.wait_dma2 semaphore(%run_scoped3A : memref<!tpu.dma_semaphore, #tpu.memory_space<semaphore_mem>>) src(%dma_wait3A_355 : memref<1392xi32, #tpu.memory_space<hbm>>) dst(%dma_wait3A_353 : memref<1392xi32, #tpu.memory_space<vmem>>)
        tpu.yield
      }) : () -> ()
      %broadcast_in_dim3A = arith.constant 0 : i32
      %broadcast_in_dim3A_296 = vector.broadcast %broadcast_in_dim3A : i32 to vector<16xi32>
      %swap3A = arith.constant 1392 : index
      %swap3A_297 = tpu.vector_load %arg5[%swap3A] {strides = array<i32>} : memref<1568xi32, #tpu.memory_space<vmem>>, vector<16xi32>,
      %swap3A_298 = vector.shape_cast %swap3A_297 : vector<16xi32> to vector<16xi32>
      %swap3A_299 = vector.shape_cast %broadcast_in_dim3A_296 : vector<16xi32> to vector<16xi32>
      tpu.vector_store %arg5[%swap3A], %swap3A_299 {strides = array<i32>} : memref<1568xi32, #tpu.memory_space<vmem>>, vector<16xi32>,
      %swap3A_300 = arith.constant 1408 : index
      %swap3A_301 = tpu.vector_load %arg5[%swap3A_300] {strides = array<i32>} : memref<1568xi32, #tpu.memory_space<vmem>>, vector<16xi32>,
      %swap3A_302 = vector.shape_cast %swap3A_301 : vector<16xi32> to vector<16xi32>
      %swap3A_303 = vector.shape_cast %broadcast_in_dim3A_296 : vector<16xi32> to vector<16xi32>
      tpu.vector_store %arg5[%swap3A_300], %swap3A_303 {strides = array<i32>} : memref<1568xi32, #tpu.memory_space<vmem>>, vector<16xi32>,
      %swap3A_304 = arith.constant 1424 : index
      %swap3A_305 = tpu.vector_load %arg5[%swap3A_304] {strides = array<i32>} : memref<1568xi32, #tpu.memory_space<vmem>>, vector<16xi32>,
      %swap3A_306 = vector.shape_cast %swap3A_305 : vector<16xi32> to vector<16xi32>
      %swap3A_307 = vector.shape_cast %broadcast_in_dim3A_296 : vector<16xi32> to vector<16xi32>
      tpu.vector_store %arg5[%swap3A_304], %swap3A_307 {strides = array<i32>} : memref<1568xi32, #tpu.memory_space<vmem>>, vector<16xi32>,
      %swap3A_308 = arith.constant 1440 : index
      %swap3A_309 = tpu.vector_load %arg5[%swap3A_308] {strides = array<i32>} : memref<1568xi32, #tpu.memory_space<vmem>>, vector<16xi32>,
      %swap3A_310 = vector.shape_cast %swap3A_309 : vector<16xi32> to vector<16xi32>
      %swap3A_311 = vector.shape_cast %broadcast_in_dim3A_296 : vector<16xi32> to vector<16xi32>
      tpu.vector_store %arg5[%swap3A_308], %swap3A_311 {strides = array<i32>} : memref<1568xi32, #tpu.memory_space<vmem>>, vector<16xi32>,
      %swap3A_312 = arith.constant 1456 : index
      %swap3A_313 = tpu.vector_load %arg5[%swap3A_312] {strides = array<i32>} : memref<1568xi32, #tpu.memory_space<vmem>>, vector<16xi32>,
      %swap3A_314 = vector.shape_cast %swap3A_313 : vector<16xi32> to vector<16xi32>
      %swap3A_315 = vector.shape_cast %broadcast_in_dim3A_296 : vector<16xi32> to vector<16xi32>
      tpu.vector_store %arg5[%swap3A_312], %swap3A_315 {strides = array<i32>} : memref<1568xi32, #tpu.memory_space<vmem>>, vector<16xi32>,
      %swap3A_316 = arith.constant 1472 : index
      %swap3A_317 = tpu.vector_load %arg5[%swap3A_316] {strides = array<i32>} : memref<1568xi32, #tpu.memory_space<vmem>>, vector<16xi32>,
      %swap3A_318 = vector.shape_cast %swap3A_317 : vector<16xi32> to vector<16xi32>
      %swap3A_319 = vector.shape_cast %broadcast_in_dim3A_296 : vector<16xi32> to vector<16xi32>
      tpu.vector_store %arg5[%swap3A_316], %swap3A_319 {strides = array<i32>} : memref<1568xi32, #tpu.memory_space<vmem>>, vector<16xi32>,
      %swap3A_320 = arith.constant 1488 : index
      %swap3A_321 = tpu.vector_load %arg5[%swap3A_320] {strides = array<i32>} : memref<1568xi32, #tpu.memory_space<vmem>>, vector<16xi32>,
      %swap3A_322 = vector.shape_cast %swap3A_321 : vector<16xi32> to vector<16xi32>
      %swap3A_323 = vector.shape_cast %broadcast_in_dim3A_296 : vector<16xi32> to vector<16xi32>
      tpu.vector_store %arg5[%swap3A_320], %swap3A_323 {strides = array<i32>} : memref<1568xi32, #tpu.memory_space<vmem>>, vector<16xi32>,
      %swap3A_324 = arith.constant 1504 : index
      %swap3A_325 = tpu.vector_load %arg5[%swap3A_324] {strides = array<i32>} : memref<1568xi32, #tpu.memory_space<vmem>>, vector<16xi32>,
      %swap3A_326 = vector.shape_cast %swap3A_325 : vector<16xi32> to vector<16xi32>
      %swap3A_327 = vector.shape_cast %broadcast_in_dim3A_296 : vector<16xi32> to vector<16xi32>
      tpu.vector_store %arg5[%swap3A_324], %swap3A_327 {strides = array<i32>} : memref<1568xi32, #tpu.memory_space<vmem>>, vector<16xi32>,
      %swap3A_328 = arith.constant 1520 : index
      %swap3A_329 = tpu.vector_load %arg5[%swap3A_328] {strides = array<i32>} : memref<1568xi32, #tpu.memory_space<vmem>>, vector<16xi32>,
      %swap3A_330 = vector.shape_cast %swap3A_329 : vector<16xi32> to vector<16xi32>
      %swap3A_331 = vector.shape_cast %broadcast_in_dim3A_296 : vector<16xi32> to vector<16xi32>
      tpu.vector_store %arg5[%swap3A_328], %swap3A_331 {strides = array<i32>} : memref<1568xi32, #tpu.memory_space<vmem>>, vector<16xi32>,
      %swap3A_332 = arith.constant 1536 : index
      %swap3A_333 = tpu.vector_load %arg5[%swap3A_332] {strides = array<i32>} : memref<1568xi32, #tpu.memory_space<vmem>>, vector<16xi32>,
      %swap3A_334 = vector.shape_cast %swap3A_333 : vector<16xi32> to vector<16xi32>
      %swap3A_335 = vector.shape_cast %broadcast_in_dim3A_296 : vector<16xi32> to vector<16xi32>
      tpu.vector_store %arg5[%swap3A_332], %swap3A_335 {strides = array<i32>} : memref<1568xi32, #tpu.memory_space<vmem>>, vector<16xi32>,
      %swap3A_336 = arith.constant 1552 : index
      %swap3A_337 = tpu.vector_load %arg5[%swap3A_336] {strides = array<i32>} : memref<1568xi32, #tpu.memory_space<vmem>>, vector<16xi32>,
      %swap3A_338 = vector.shape_cast %swap3A_337 : vector<16xi32> to vector<16xi32>
      %swap3A_339 = vector.shape_cast %broadcast_in_dim3A_296 : vector<16xi32> to vector<16xi32>
      tpu.vector_store %arg5[%swap3A_336], %swap3A_339 {strides = array<i32>} : memref<1568xi32, #tpu.memory_space<vmem>>, vector<16xi32>,
    } else {
    }
    %dma_start3A = arith.constant 0 : i32
    %dma_start3A_9 = tpu.memref_slice %arg5[%dma_start3A] : memref<1568xi32, #tpu.memory_space<vmem>> -> memref<112xi32, #tpu.memory_space<vmem>>
    %dma_start3A_10 = arith.constant 0 : i32
    %dma_start3A_11 = arith.constant 0 : i32
    %dma_start3A_12 = tpu.memref_slice %arg3[%dma_start3A_10, %dma_start3A_11] : memref<100000x512xf32, #tpu.memory_space<hbm>> -> memref<100000x512xf32, #tpu.memory_space<hbm>>
    tpu.enqueue_indirect_dma source(%dma_start3A_12 : memref<100000x512xf32, #tpu.memory_space<hbm>>) target(%arg6 : memref<112x512xf32, #tpu.memory_space<vmem>>) offsets(%dma_start3A_9 : memref<112xi32, #tpu.memory_space<vmem>>) semaphore(%arg8 : memref<!tpu.dma_semaphore, #tpu.memory_space<semaphore_mem>>)
    %dma_start3A_13 = arith.constant 112 : i32
    %dma_start3A_14 = tpu.memref_slice %arg5[%dma_start3A_13] : memref<1568xi32, #tpu.memory_space<vmem>> -> memref<112xi32, #tpu.memory_space<vmem>>
    %dma_start3A_15 = arith.constant 0 : i32
    %dma_start3A_16 = arith.constant 0 : i32
    %dma_start3A_17 = tpu.memref_slice %arg3[%dma_start3A_15, %dma_start3A_16] : memref<100000x512xf32, #tpu.memory_space<hbm>> -> memref<100000x512xf32, #tpu.memory_space<hbm>>
    tpu.enqueue_indirect_dma source(%dma_start3A_17 : memref<100000x512xf32, #tpu.memory_space<hbm>>) target(%arg7 : memref<112x512xf32, #tpu.memory_space<vmem>>) offsets(%dma_start3A_14 : memref<112xi32, #tpu.memory_space<vmem>>) semaphore(%arg9 : memref<!tpu.dma_semaphore, #tpu.memory_space<semaphore_mem>>)
    %dma_wait3A = arith.constant 0 : i32
    %dma_wait3A_18 = tpu.memref_slice %arg5[%dma_wait3A] : memref<1568xi32, #tpu.memory_space<vmem>> -> memref<112xi32, #tpu.memory_space<vmem>>
    %dma_wait3A_19 = arith.constant 0 : i32
    %dma_wait3A_20 = arith.constant 0 : i32
    %dma_wait3A_21 = tpu.memref_slice %arg3[%dma_wait3A_19, %dma_wait3A_20] : memref<100000x512xf32, #tpu.memory_space<hbm>> -> memref<100000x512xf32, #tpu.memory_space<hbm>>
    tpu.wait_indirect_dma semaphore(%arg8 : memref<!tpu.dma_semaphore, #tpu.memory_space<semaphore_mem>>) src(%dma_wait3A_21 : memref<100000x512xf32, #tpu.memory_space<hbm>>) dst(%arg6 : memref<112x512xf32, #tpu.memory_space<vmem>>)
    %add3A_22 = arith.constant 0 : i32
    %add3A_23 = arith.addi %mul3A_2, %add3A_22 : i32
    %dma_start3A_24 = arith.constant 0 : i32
    %dma_start3A_25 = tpu.memref_slice %arg4[%add3A_23, %dma_start3A_24] : memref<50000x512xf32, #tpu.memory_space<hbm>> -> memref<112x512xf32, #tpu.memory_space<hbm>>
    %dma_start3A_26 = arith.constant 0 : i32
    %dma_start3A_27 = tpu.memref_slice %arg4[%add3A_23, %dma_start3A_26] : memref<50000x512xf32, #tpu.memory_space<hbm>> -> memref<112x512xf32, #tpu.memory_space<hbm>>
    tpu.enqueue_dma source(%arg6 : memref<112x512xf32, #tpu.memory_space<vmem>>) target(%dma_start3A_27 : memref<112x512xf32, #tpu.memory_space<hbm>>) target_semaphore(%arg10 : memref<!tpu.dma_semaphore, #tpu.memory_space<semaphore_mem>>)
    %dma_wait3A_28 = arith.constant 0 : i32
    %dma_wait3A_29 = tpu.memref_slice %arg4[%add3A_23, %dma_wait3A_28] : memref<50000x512xf32, #tpu.memory_space<hbm>> -> memref<112x512xf32, #tpu.memory_space<hbm>>
    %dma_wait3A_30 = arith.constant 0 : i32
    %dma_wait3A_31 = tpu.memref_slice %arg4[%add3A_23, %dma_wait3A_30] : memref<50000x512xf32, #tpu.memory_space<hbm>> -> memref<112x512xf32, #tpu.memory_space<hbm>>
    tpu.wait_dma2 semaphore(%arg10 : memref<!tpu.dma_semaphore, #tpu.memory_space<semaphore_mem>>) src(%arg6 : memref<112x512xf32, #tpu.memory_space<vmem>>) dst(%dma_wait3A_31 : memref<112x512xf32, #tpu.memory_space<hbm>>)
    %dma_start3A_32 = arith.constant 224 : i32
    %dma_start3A_33 = tpu.memref_slice %arg5[%dma_start3A_32] : memref<1568xi32, #tpu.memory_space<vmem>> -> memref<112xi32, #tpu.memory_space<vmem>>
    %dma_start3A_34 = arith.constant 0 : i32
    %dma_start3A_35 = arith.constant 0 : i32
    %dma_start3A_36 = tpu.memref_slice %arg3[%dma_start3A_34, %dma_start3A_35] : memref<100000x512xf32, #tpu.memory_space<hbm>> -> memref<100000x512xf32, #tpu.memory_space<hbm>>
    tpu.enqueue_indirect_dma source(%dma_start3A_36 : memref<100000x512xf32, #tpu.memory_space<hbm>>) target(%arg6 : memref<112x512xf32, #tpu.memory_space<vmem>>) offsets(%dma_start3A_33 : memref<112xi32, #tpu.memory_space<vmem>>) semaphore(%arg8 : memref<!tpu.dma_semaphore, #tpu.memory_space<semaphore_mem>>)
    %dma_wait3A_37 = arith.constant 112 : i32
    %dma_wait3A_38 = tpu.memref_slice %arg5[%dma_wait3A_37] : memref<1568xi32, #tpu.memory_space<vmem>> -> memref<112xi32, #tpu.memory_space<vmem>>
    %dma_wait3A_39 = arith.constant 0 : i32
    %dma_wait3A_40 = arith.constant 0 : i32
    %dma_wait3A_41 = tpu.memref_slice %arg3[%dma_wait3A_39, %dma_wait3A_40] : memref<100000x512xf32, #tpu.memory_space<hbm>> -> memref<100000x512xf32, #tpu.memory_space<hbm>>
    tpu.wait_indirect_dma semaphore(%arg9 : memref<!tpu.dma_semaphore, #tpu.memory_space<semaphore_mem>>) src(%dma_wait3A_41 : memref<100000x512xf32, #tpu.memory_space<hbm>>) dst(%arg7 : memref<112x512xf32, #tpu.memory_space<vmem>>)
    %add3A_42 = arith.constant 112 : i32
    %add3A_43 = arith.addi %mul3A_2, %add3A_42 : i32
    %dma_start3A_44 = arith.constant 0 : i32
    %dma_start3A_45 = tpu.memref_slice %arg4[%add3A_43, %dma_start3A_44] : memref<50000x512xf32, #tpu.memory_space<hbm>> -> memref<112x512xf32, #tpu.memory_space<hbm>>
    %dma_start3A_46 = arith.constant 0 : i32
    %dma_start3A_47 = tpu.memref_slice %arg4[%add3A_43, %dma_start3A_46] : memref<50000x512xf32, #tpu.memory_space<hbm>> -> memref<112x512xf32, #tpu.memory_space<hbm>>
    tpu.enqueue_dma source(%arg7 : memref<112x512xf32, #tpu.memory_space<vmem>>) target(%dma_start3A_47 : memref<112x512xf32, #tpu.memory_space<hbm>>) target_semaphore(%arg11 : memref<!tpu.dma_semaphore, #tpu.memory_space<semaphore_mem>>)
    %dma_wait3A_48 = arith.constant 0 : i32
    %dma_wait3A_49 = tpu.memref_slice %arg4[%add3A_43, %dma_wait3A_48] : memref<50000x512xf32, #tpu.memory_space<hbm>> -> memref<112x512xf32, #tpu.memory_space<hbm>>
    %dma_wait3A_50 = arith.constant 0 : i32
    %dma_wait3A_51 = tpu.memref_slice %arg4[%add3A_43, %dma_wait3A_50] : memref<50000x512xf32, #tpu.memory_space<hbm>> -> memref<112x512xf32, #tpu.memory_space<hbm>>
    tpu.wait_dma2 semaphore(%arg11 : memref<!tpu.dma_semaphore, #tpu.memory_space<semaphore_mem>>) src(%arg7 : memref<112x512xf32, #tpu.memory_space<vmem>>) dst(%dma_wait3A_51 : memref<112x512xf32, #tpu.memory_space<hbm>>)
    %dma_start3A_52 = arith.constant 336 : i32
    %dma_start3A_53 = tpu.memref_slice %arg5[%dma_start3A_52] : memref<1568xi32, #tpu.memory_space<vmem>> -> memref<112xi32, #tpu.memory_space<vmem>>
    %dma_start3A_54 = arith.constant 0 : i32
    %dma_start3A_55 = arith.constant 0 : i32
    %dma_start3A_56 = tpu.memref_slice %arg3[%dma_start3A_54, %dma_start3A_55] : memref<100000x512xf32, #tpu.memory_space<hbm>> -> memref<100000x512xf32, #tpu.memory_space<hbm>>
    tpu.enqueue_indirect_dma source(%dma_start3A_56 : memref<100000x512xf32, #tpu.memory_space<hbm>>) target(%arg7 : memref<112x512xf32, #tpu.memory_space<vmem>>) offsets(%dma_start3A_53 : memref<112xi32, #tpu.memory_space<vmem>>) semaphore(%arg9 : memref<!tpu.dma_semaphore, #tpu.memory_space<semaphore_mem>>)
    %dma_wait3A_57 = arith.constant 224 : i32
    %dma_wait3A_58 = tpu.memref_slice %arg5[%dma_wait3A_57] : memref<1568xi32, #tpu.memory_space<vmem>> -> memref<112xi32, #tpu.memory_space<vmem>>
    %dma_wait3A_59 = arith.constant 0 : i32
    %dma_wait3A_60 = arith.constant 0 : i32
    %dma_wait3A_61 = tpu.memref_slice %arg3[%dma_wait3A_59, %dma_wait3A_60] : memref<100000x512xf32, #tpu.memory_space<hbm>> -> memref<100000x512xf32, #tpu.memory_space<hbm>>
    tpu.wait_indirect_dma semaphore(%arg8 : memref<!tpu.dma_semaphore, #tpu.memory_space<semaphore_mem>>) src(%dma_wait3A_61 : memref<100000x512xf32, #tpu.memory_space<hbm>>) dst(%arg6 : memref<112x512xf32, #tpu.memory_space<vmem>>)
    %add3A_62 = arith.constant 224 : i32
    %add3A_63 = arith.addi %mul3A_2, %add3A_62 : i32
    %dma_start3A_64 = arith.constant 0 : i32
    %dma_start3A_65 = tpu.memref_slice %arg4[%add3A_63, %dma_start3A_64] : memref<50000x512xf32, #tpu.memory_space<hbm>> -> memref<112x512xf32, #tpu.memory_space<hbm>>
    %dma_start3A_66 = arith.constant 0 : i32
    %dma_start3A_67 = tpu.memref_slice %arg4[%add3A_63, %dma_start3A_66] : memref<50000x512xf32, #tpu.memory_space<hbm>> -> memref<112x512xf32, #tpu.memory_space<hbm>>
    tpu.enqueue_dma source(%arg6 : memref<112x512xf32, #tpu.memory_space<vmem>>) target(%dma_start3A_67 : memref<112x512xf32, #tpu.memory_space<hbm>>) target_semaphore(%arg10 : memref<!tpu.dma_semaphore, #tpu.memory_space<semaphore_mem>>)
    %dma_wait3A_68 = arith.constant 0 : i32
    %dma_wait3A_69 = tpu.memref_slice %arg4[%add3A_63, %dma_wait3A_68] : memref<50000x512xf32, #tpu.memory_space<hbm>> -> memref<112x512xf32, #tpu.memory_space<hbm>>
    %dma_wait3A_70 = arith.constant 0 : i32
    %dma_wait3A_71 = tpu.memref_slice %arg4[%add3A_63, %dma_wait3A_70] : memref<50000x512xf32, #tpu.memory_space<hbm>> -> memref<112x512xf32, #tpu.memory_space<hbm>>
    tpu.wait_dma2 semaphore(%arg10 : memref<!tpu.dma_semaphore, #tpu.memory_space<semaphore_mem>>) src(%arg6 : memref<112x512xf32, #tpu.memory_space<vmem>>) dst(%dma_wait3A_71 : memref<112x512xf32, #tpu.memory_space<hbm>>)
    %dma_start3A_72 = arith.constant 448 : i32
    %dma_start3A_73 = tpu.memref_slice %arg5[%dma_start3A_72] : memref<1568xi32, #tpu.memory_space<vmem>> -> memref<112xi32, #tpu.memory_space<vmem>>
    %dma_start3A_74 = arith.constant 0 : i32
    %dma_start3A_75 = arith.constant 0 : i32
    %dma_start3A_76 = tpu.memref_slice %arg3[%dma_start3A_74, %dma_start3A_75] : memref<100000x512xf32, #tpu.memory_space<hbm>> -> memref<100000x512xf32, #tpu.memory_space<hbm>>
    tpu.enqueue_indirect_dma source(%dma_start3A_76 : memref<100000x512xf32, #tpu.memory_space<hbm>>) target(%arg6 : memref<112x512xf32, #tpu.memory_space<vmem>>) offsets(%dma_start3A_73 : memref<112xi32, #tpu.memory_space<vmem>>) semaphore(%arg8 : memref<!tpu.dma_semaphore, #tpu.memory_space<semaphore_mem>>)
    %dma_wait3A_77 = arith.constant 336 : i32
    %dma_wait3A_78 = tpu.memref_slice %arg5[%dma_wait3A_77] : memref<1568xi32, #tpu.memory_space<vmem>> -> memref<112xi32, #tpu.memory_space<vmem>>
    %dma_wait3A_79 = arith.constant 0 : i32
    %dma_wait3A_80 = arith.constant 0 : i32
    %dma_wait3A_81 = tpu.memref_slice %arg3[%dma_wait3A_79, %dma_wait3A_80] : memref<100000x512xf32, #tpu.memory_space<hbm>> -> memref<100000x512xf32, #tpu.memory_space<hbm>>
    tpu.wait_indirect_dma semaphore(%arg9 : memref<!tpu.dma_semaphore, #tpu.memory_space<semaphore_mem>>) src(%dma_wait3A_81 : memref<100000x512xf32, #tpu.memory_space<hbm>>) dst(%arg7 : memref<112x512xf32, #tpu.memory_space<vmem>>)
    %add3A_82 = arith.constant 336 : i32
    %add3A_83 = arith.addi %mul3A_2, %add3A_82 : i32
    %dma_start3A_84 = arith.constant 0 : i32
    %dma_start3A_85 = tpu.memref_slice %arg4[%add3A_83, %dma_start3A_84] : memref<50000x512xf32, #tpu.memory_space<hbm>> -> memref<112x512xf32, #tpu.memory_space<hbm>>
    %dma_start3A_86 = arith.constant 0 : i32
    %dma_start3A_87 = tpu.memref_slice %arg4[%add3A_83, %dma_start3A_86] : memref<50000x512xf32, #tpu.memory_space<hbm>> -> memref<112x512xf32, #tpu.memory_space<hbm>>
    tpu.enqueue_dma source(%arg7 : memref<112x512xf32, #tpu.memory_space<vmem>>) target(%dma_start3A_87 : memref<112x512xf32, #tpu.memory_space<hbm>>) target_semaphore(%arg11 : memref<!tpu.dma_semaphore, #tpu.memory_space<semaphore_mem>>)
    %dma_wait3A_88 = arith.constant 0 : i32
    %dma_wait3A_89 = tpu.memref_slice %arg4[%add3A_83, %dma_wait3A_88] : memref<50000x512xf32, #tpu.memory_space<hbm>> -> memref<112x512xf32, #tpu.memory_space<hbm>>
    %dma_wait3A_90 = arith.constant 0 : i32
    %dma_wait3A_91 = tpu.memref_slice %arg4[%add3A_83, %dma_wait3A_90] : memref<50000x512xf32, #tpu.memory_space<hbm>> -> memref<112x512xf32, #tpu.memory_space<hbm>>
    tpu.wait_dma2 semaphore(%arg11 : memref<!tpu.dma_semaphore, #tpu.memory_space<semaphore_mem>>) src(%arg7 : memref<112x512xf32, #tpu.memory_space<vmem>>) dst(%dma_wait3A_91 : memref<112x512xf32, #tpu.memory_space<hbm>>)
    %dma_start3A_92 = arith.constant 560 : i32
    %dma_start3A_93 = tpu.memref_slice %arg5[%dma_start3A_92] : memref<1568xi32, #tpu.memory_space<vmem>> -> memref<112xi32, #tpu.memory_space<vmem>>
    %dma_start3A_94 = arith.constant 0 : i32
    %dma_start3A_95 = arith.constant 0 : i32
    %dma_start3A_96 = tpu.memref_slice %arg3[%dma_start3A_94, %dma_start3A_95] : memref<100000x512xf32, #tpu.memory_space<hbm>> -> memref<100000x512xf32, #tpu.memory_space<hbm>>
    tpu.enqueue_indirect_dma source(%dma_start3A_96 : memref<100000x512xf32, #tpu.memory_space<hbm>>) target(%arg7 : memref<112x512xf32, #tpu.memory_space<vmem>>) offsets(%dma_start3A_93 : memref<112xi32, #tpu.memory_space<vmem>>) semaphore(%arg9 : memref<!tpu.dma_semaphore, #tpu.memory_space<semaphore_mem>>)
    %dma_wait3A_97 = arith.constant 448 : i32
    %dma_wait3A_98 = tpu.memref_slice %arg5[%dma_wait3A_97] : memref<1568xi32, #tpu.memory_space<vmem>> -> memref<112xi32, #tpu.memory_space<vmem>>
    %dma_wait3A_99 = arith.constant 0 : i32
    %dma_wait3A_100 = arith.constant 0 : i32
    %dma_wait3A_101 = tpu.memref_slice %arg3[%dma_wait3A_99, %dma_wait3A_100] : memref<100000x512xf32, #tpu.memory_space<hbm>> -> memref<100000x512xf32, #tpu.memory_space<hbm>>
    tpu.wait_indirect_dma semaphore(%arg8 : memref<!tpu.dma_semaphore, #tpu.memory_space<semaphore_mem>>) src(%dma_wait3A_101 : memref<100000x512xf32, #tpu.memory_space<hbm>>) dst(%arg6 : memref<112x512xf32, #tpu.memory_space<vmem>>)
    %add3A_102 = arith.constant 448 : i32
    %add3A_103 = arith.addi %mul3A_2, %add3A_102 : i32
    %dma_start3A_104 = arith.constant 0 : i32
    %dma_start3A_105 = tpu.memref_slice %arg4[%add3A_103, %dma_start3A_104] : memref<50000x512xf32, #tpu.memory_space<hbm>> -> memref<112x512xf32, #tpu.memory_space<hbm>>
    %dma_start3A_106 = arith.constant 0 : i32
    %dma_start3A_107 = tpu.memref_slice %arg4[%add3A_103, %dma_start3A_106] : memref<50000x512xf32, #tpu.memory_space<hbm>> -> memref<112x512xf32, #tpu.memory_space<hbm>>
    tpu.enqueue_dma source(%arg6 : memref<112x512xf32, #tpu.memory_space<vmem>>) target(%dma_start3A_107 : memref<112x512xf32, #tpu.memory_space<hbm>>) target_semaphore(%arg10 : memref<!tpu.dma_semaphore, #tpu.memory_space<semaphore_mem>>)
    %dma_wait3A_108 = arith.constant 0 : i32
    %dma_wait3A_109 = tpu.memref_slice %arg4[%add3A_103, %dma_wait3A_108] : memref<50000x512xf32, #tpu.memory_space<hbm>> -> memref<112x512xf32, #tpu.memory_space<hbm>>
    %dma_wait3A_110 = arith.constant 0 : i32
    %dma_wait3A_111 = tpu.memref_slice %arg4[%add3A_103, %dma_wait3A_110] : memref<50000x512xf32, #tpu.memory_space<hbm>> -> memref<112x512xf32, #tpu.memory_space<hbm>>
    tpu.wait_dma2 semaphore(%arg10 : memref<!tpu.dma_semaphore, #tpu.memory_space<semaphore_mem>>) src(%arg6 : memref<112x512xf32, #tpu.memory_space<vmem>>) dst(%dma_wait3A_111 : memref<112x512xf32, #tpu.memory_space<hbm>>)
    %dma_start3A_112 = arith.constant 672 : i32
    %dma_start3A_113 = tpu.memref_slice %arg5[%dma_start3A_112] : memref<1568xi32, #tpu.memory_space<vmem>> -> memref<112xi32, #tpu.memory_space<vmem>>
    %dma_start3A_114 = arith.constant 0 : i32
    %dma_start3A_115 = arith.constant 0 : i32
    %dma_start3A_116 = tpu.memref_slice %arg3[%dma_start3A_114, %dma_start3A_115] : memref<100000x512xf32, #tpu.memory_space<hbm>> -> memref<100000x512xf32, #tpu.memory_space<hbm>>
    tpu.enqueue_indirect_dma source(%dma_start3A_116 : memref<100000x512xf32, #tpu.memory_space<hbm>>) target(%arg6 : memref<112x512xf32, #tpu.memory_space<vmem>>) offsets(%dma_start3A_113 : memref<112xi32, #tpu.memory_space<vmem>>) semaphore(%arg8 : memref<!tpu.dma_semaphore, #tpu.memory_space<semaphore_mem>>)
    %dma_wait3A_117 = arith.constant 560 : i32
    %dma_wait3A_118 = tpu.memref_slice %arg5[%dma_wait3A_117] : memref<1568xi32, #tpu.memory_space<vmem>> -> memref<112xi32, #tpu.memory_space<vmem>>
    %dma_wait3A_119 = arith.constant 0 : i32
    %dma_wait3A_120 = arith.constant 0 : i32
    %dma_wait3A_121 = tpu.memref_slice %arg3[%dma_wait3A_119, %dma_wait3A_120] : memref<100000x512xf32, #tpu.memory_space<hbm>> -> memref<100000x512xf32, #tpu.memory_space<hbm>>
    tpu.wait_indirect_dma semaphore(%arg9 : memref<!tpu.dma_semaphore, #tpu.memory_space<semaphore_mem>>) src(%dma_wait3A_121 : memref<100000x512xf32, #tpu.memory_space<hbm>>) dst(%arg7 : memref<112x512xf32, #tpu.memory_space<vmem>>)
    %add3A_122 = arith.constant 560 : i32
    %add3A_123 = arith.addi %mul3A_2, %add3A_122 : i32
    %dma_start3A_124 = arith.constant 0 : i32
    %dma_start3A_125 = tpu.memref_slice %arg4[%add3A_123, %dma_start3A_124] : memref<50000x512xf32, #tpu.memory_space<hbm>> -> memref<112x512xf32, #tpu.memory_space<hbm>>
    %dma_start3A_126 = arith.constant 0 : i32
    %dma_start3A_127 = tpu.memref_slice %arg4[%add3A_123, %dma_start3A_126] : memref<50000x512xf32, #tpu.memory_space<hbm>> -> memref<112x512xf32, #tpu.memory_space<hbm>>
    tpu.enqueue_dma source(%arg7 : memref<112x512xf32, #tpu.memory_space<vmem>>) target(%dma_start3A_127 : memref<112x512xf32, #tpu.memory_space<hbm>>) target_semaphore(%arg11 : memref<!tpu.dma_semaphore, #tpu.memory_space<semaphore_mem>>)
    %dma_wait3A_128 = arith.constant 0 : i32
    %dma_wait3A_129 = tpu.memref_slice %arg4[%add3A_123, %dma_wait3A_128] : memref<50000x512xf32, #tpu.memory_space<hbm>> -> memref<112x512xf32, #tpu.memory_space<hbm>>
    %dma_wait3A_130 = arith.constant 0 : i32
    %dma_wait3A_131 = tpu.memref_slice %arg4[%add3A_123, %dma_wait3A_130] : memref<50000x512xf32, #tpu.memory_space<hbm>> -> memref<112x512xf32, #tpu.memory_space<hbm>>
    tpu.wait_dma2 semaphore(%arg11 : memref<!tpu.dma_semaphore, #tpu.memory_space<semaphore_mem>>) src(%arg7 : memref<112x512xf32, #tpu.memory_space<vmem>>) dst(%dma_wait3A_131 : memref<112x512xf32, #tpu.memory_space<hbm>>)
    %dma_start3A_132 = arith.constant 784 : i32
    %dma_start3A_133 = tpu.memref_slice %arg5[%dma_start3A_132] : memref<1568xi32, #tpu.memory_space<vmem>> -> memref<112xi32, #tpu.memory_space<vmem>>
    %dma_start3A_134 = arith.constant 0 : i32
    %dma_start3A_135 = arith.constant 0 : i32
    %dma_start3A_136 = tpu.memref_slice %arg3[%dma_start3A_134, %dma_start3A_135] : memref<100000x512xf32, #tpu.memory_space<hbm>> -> memref<100000x512xf32, #tpu.memory_space<hbm>>
    tpu.enqueue_indirect_dma source(%dma_start3A_136 : memref<100000x512xf32, #tpu.memory_space<hbm>>) target(%arg7 : memref<112x512xf32, #tpu.memory_space<vmem>>) offsets(%dma_start3A_133 : memref<112xi32, #tpu.memory_space<vmem>>) semaphore(%arg9 : memref<!tpu.dma_semaphore, #tpu.memory_space<semaphore_mem>>)
    %dma_wait3A_137 = arith.constant 672 : i32
    %dma_wait3A_138 = tpu.memref_slice %arg5[%dma_wait3A_137] : memref<1568xi32, #tpu.memory_space<vmem>> -> memref<112xi32, #tpu.memory_space<vmem>>
    %dma_wait3A_139 = arith.constant 0 : i32
    %dma_wait3A_140 = arith.constant 0 : i32
    %dma_wait3A_141 = tpu.memref_slice %arg3[%dma_wait3A_139, %dma_wait3A_140] : memref<100000x512xf32, #tpu.memory_space<hbm>> -> memref<100000x512xf32, #tpu.memory_space<hbm>>
    tpu.wait_indirect_dma semaphore(%arg8 : memref<!tpu.dma_semaphore, #tpu.memory_space<semaphore_mem>>) src(%dma_wait3A_141 : memref<100000x512xf32, #tpu.memory_space<hbm>>) dst(%arg6 : memref<112x512xf32, #tpu.memory_space<vmem>>)
    %add3A_142 = arith.constant 672 : i32
    %add3A_143 = arith.addi %mul3A_2, %add3A_142 : i32
    %dma_start3A_144 = arith.constant 0 : i32
    %dma_start3A_145 = tpu.memref_slice %arg4[%add3A_143, %dma_start3A_144] : memref<50000x512xf32, #tpu.memory_space<hbm>> -> memref<112x512xf32, #tpu.memory_space<hbm>>
    %dma_start3A_146 = arith.constant 0 : i32
    %dma_start3A_147 = tpu.memref_slice %arg4[%add3A_143, %dma_start3A_146] : memref<50000x512xf32, #tpu.memory_space<hbm>> -> memref<112x512xf32, #tpu.memory_space<hbm>>
    tpu.enqueue_dma source(%arg6 : memref<112x512xf32, #tpu.memory_space<vmem>>) target(%dma_start3A_147 : memref<112x512xf32, #tpu.memory_space<hbm>>) target_semaphore(%arg10 : memref<!tpu.dma_semaphore, #tpu.memory_space<semaphore_mem>>)
    %dma_wait3A_148 = arith.constant 0 : i32
    %dma_wait3A_149 = tpu.memref_slice %arg4[%add3A_143, %dma_wait3A_148] : memref<50000x512xf32, #tpu.memory_space<hbm>> -> memref<112x512xf32, #tpu.memory_space<hbm>>
    %dma_wait3A_150 = arith.constant 0 : i32
    %dma_wait3A_151 = tpu.memref_slice %arg4[%add3A_143, %dma_wait3A_150] : memref<50000x512xf32, #tpu.memory_space<hbm>> -> memref<112x512xf32, #tpu.memory_space<hbm>>
    tpu.wait_dma2 semaphore(%arg10 : memref<!tpu.dma_semaphore, #tpu.memory_space<semaphore_mem>>) src(%arg6 : memref<112x512xf32, #tpu.memory_space<vmem>>) dst(%dma_wait3A_151 : memref<112x512xf32, #tpu.memory_space<hbm>>)
    %dma_start3A_152 = arith.constant 896 : i32
    %dma_start3A_153 = tpu.memref_slice %arg5[%dma_start3A_152] : memref<1568xi32, #tpu.memory_space<vmem>> -> memref<112xi32, #tpu.memory_space<vmem>>
    %dma_start3A_154 = arith.constant 0 : i32
    %dma_start3A_155 = arith.constant 0 : i32
    %dma_start3A_156 = tpu.memref_slice %arg3[%dma_start3A_154, %dma_start3A_155] : memref<100000x512xf32, #tpu.memory_space<hbm>> -> memref<100000x512xf32, #tpu.memory_space<hbm>>
    tpu.enqueue_indirect_dma source(%dma_start3A_156 : memref<100000x512xf32, #tpu.memory_space<hbm>>) target(%arg6 : memref<112x512xf32, #tpu.memory_space<vmem>>) offsets(%dma_start3A_153 : memref<112xi32, #tpu.memory_space<vmem>>) semaphore(%arg8 : memref<!tpu.dma_semaphore, #tpu.memory_space<semaphore_mem>>)
    %dma_wait3A_157 = arith.constant 784 : i32
    %dma_wait3A_158 = tpu.memref_slice %arg5[%dma_wait3A_157] : memref<1568xi32, #tpu.memory_space<vmem>> -> memref<112xi32, #tpu.memory_space<vmem>>
    %dma_wait3A_159 = arith.constant 0 : i32
    %dma_wait3A_160 = arith.constant 0 : i32
    %dma_wait3A_161 = tpu.memref_slice %arg3[%dma_wait3A_159, %dma_wait3A_160] : memref<100000x512xf32, #tpu.memory_space<hbm>> -> memref<100000x512xf32, #tpu.memory_space<hbm>>
    tpu.wait_indirect_dma semaphore(%arg9 : memref<!tpu.dma_semaphore, #tpu.memory_space<semaphore_mem>>) src(%dma_wait3A_161 : memref<100000x512xf32, #tpu.memory_space<hbm>>) dst(%arg7 : memref<112x512xf32, #tpu.memory_space<vmem>>)
    %add3A_162 = arith.constant 784 : i32
    %add3A_163 = arith.addi %mul3A_2, %add3A_162 : i32
    %dma_start3A_164 = arith.constant 0 : i32
    %dma_start3A_165 = tpu.memref_slice %arg4[%add3A_163, %dma_start3A_164] : memref<50000x512xf32, #tpu.memory_space<hbm>> -> memref<112x512xf32, #tpu.memory_space<hbm>>
    %dma_start3A_166 = arith.constant 0 : i32
    %dma_start3A_167 = tpu.memref_slice %arg4[%add3A_163, %dma_start3A_166] : memref<50000x512xf32, #tpu.memory_space<hbm>> -> memref<112x512xf32, #tpu.memory_space<hbm>>
    tpu.enqueue_dma source(%arg7 : memref<112x512xf32, #tpu.memory_space<vmem>>) target(%dma_start3A_167 : memref<112x512xf32, #tpu.memory_space<hbm>>) target_semaphore(%arg11 : memref<!tpu.dma_semaphore, #tpu.memory_space<semaphore_mem>>)
    %dma_wait3A_168 = arith.constant 0 : i32
    %dma_wait3A_169 = tpu.memref_slice %arg4[%add3A_163, %dma_wait3A_168] : memref<50000x512xf32, #tpu.memory_space<hbm>> -> memref<112x512xf32, #tpu.memory_space<hbm>>
    %dma_wait3A_170 = arith.constant 0 : i32
    %dma_wait3A_171 = tpu.memref_slice %arg4[%add3A_163, %dma_wait3A_170] : memref<50000x512xf32, #tpu.memory_space<hbm>> -> memref<112x512xf32, #tpu.memory_space<hbm>>
    tpu.wait_dma2 semaphore(%arg11 : memref<!tpu.dma_semaphore, #tpu.memory_space<semaphore_mem>>) src(%arg7 : memref<112x512xf32, #tpu.memory_space<vmem>>) dst(%dma_wait3A_171 : memref<112x512xf32, #tpu.memory_space<hbm>>)
    %dma_start3A_172 = arith.constant 1008 : i32
    %dma_start3A_173 = tpu.memref_slice %arg5[%dma_start3A_172] : memref<1568xi32, #tpu.memory_space<vmem>> -> memref<112xi32, #tpu.memory_space<vmem>>
    %dma_start3A_174 = arith.constant 0 : i32
    %dma_start3A_175 = arith.constant 0 : i32
    %dma_start3A_176 = tpu.memref_slice %arg3[%dma_start3A_174, %dma_start3A_175] : memref<100000x512xf32, #tpu.memory_space<hbm>> -> memref<100000x512xf32, #tpu.memory_space<hbm>>
    tpu.enqueue_indirect_dma source(%dma_start3A_176 : memref<100000x512xf32, #tpu.memory_space<hbm>>) target(%arg7 : memref<112x512xf32, #tpu.memory_space<vmem>>) offsets(%dma_start3A_173 : memref<112xi32, #tpu.memory_space<vmem>>) semaphore(%arg9 : memref<!tpu.dma_semaphore, #tpu.memory_space<semaphore_mem>>)
    %dma_wait3A_177 = arith.constant 896 : i32
    %dma_wait3A_178 = tpu.memref_slice %arg5[%dma_wait3A_177] : memref<1568xi32, #tpu.memory_space<vmem>> -> memref<112xi32, #tpu.memory_space<vmem>>
    %dma_wait3A_179 = arith.constant 0 : i32
    %dma_wait3A_180 = arith.constant 0 : i32
    %dma_wait3A_181 = tpu.memref_slice %arg3[%dma_wait3A_179, %dma_wait3A_180] : memref<100000x512xf32, #tpu.memory_space<hbm>> -> memref<100000x512xf32, #tpu.memory_space<hbm>>
    tpu.wait_indirect_dma semaphore(%arg8 : memref<!tpu.dma_semaphore, #tpu.memory_space<semaphore_mem>>) src(%dma_wait3A_181 : memref<100000x512xf32, #tpu.memory_space<hbm>>) dst(%arg6 : memref<112x512xf32, #tpu.memory_space<vmem>>)
    %add3A_182 = arith.constant 896 : i32
    %add3A_183 = arith.addi %mul3A_2, %add3A_182 : i32
    %dma_start3A_184 = arith.constant 0 : i32
    %dma_start3A_185 = tpu.memref_slice %arg4[%add3A_183, %dma_start3A_184] : memref<50000x512xf32, #tpu.memory_space<hbm>> -> memref<112x512xf32, #tpu.memory_space<hbm>>
    %dma_start3A_186 = arith.constant 0 : i32
    %dma_start3A_187 = tpu.memref_slice %arg4[%add3A_183, %dma_start3A_186] : memref<50000x512xf32, #tpu.memory_space<hbm>> -> memref<112x512xf32, #tpu.memory_space<hbm>>
    tpu.enqueue_dma source(%arg6 : memref<112x512xf32, #tpu.memory_space<vmem>>) target(%dma_start3A_187 : memref<112x512xf32, #tpu.memory_space<hbm>>) target_semaphore(%arg10 : memref<!tpu.dma_semaphore, #tpu.memory_space<semaphore_mem>>)
    %dma_wait3A_188 = arith.constant 0 : i32
    %dma_wait3A_189 = tpu.memref_slice %arg4[%add3A_183, %dma_wait3A_188] : memref<50000x512xf32, #tpu.memory_space<hbm>> -> memref<112x512xf32, #tpu.memory_space<hbm>>
    %dma_wait3A_190 = arith.constant 0 : i32
    %dma_wait3A_191 = tpu.memref_slice %arg4[%add3A_183, %dma_wait3A_190] : memref<50000x512xf32, #tpu.memory_space<hbm>> -> memref<112x512xf32, #tpu.memory_space<hbm>>
    tpu.wait_dma2 semaphore(%arg10 : memref<!tpu.dma_semaphore, #tpu.memory_space<semaphore_mem>>) src(%arg6 : memref<112x512xf32, #tpu.memory_space<vmem>>) dst(%dma_wait3A_191 : memref<112x512xf32, #tpu.memory_space<hbm>>)
    %dma_start3A_192 = arith.constant 1120 : i32
    %dma_start3A_193 = tpu.memref_slice %arg5[%dma_start3A_192] : memref<1568xi32, #tpu.memory_space<vmem>> -> memref<112xi32, #tpu.memory_space<vmem>>
    %dma_start3A_194 = arith.constant 0 : i32
    %dma_start3A_195 = arith.constant 0 : i32
    %dma_start3A_196 = tpu.memref_slice %arg3[%dma_start3A_194, %dma_start3A_195] : memref<100000x512xf32, #tpu.memory_space<hbm>> -> memref<100000x512xf32, #tpu.memory_space<hbm>>
    tpu.enqueue_indirect_dma source(%dma_start3A_196 : memref<100000x512xf32, #tpu.memory_space<hbm>>) target(%arg6 : memref<112x512xf32, #tpu.memory_space<vmem>>) offsets(%dma_start3A_193 : memref<112xi32, #tpu.memory_space<vmem>>) semaphore(%arg8 : memref<!tpu.dma_semaphore, #tpu.memory_space<semaphore_mem>>)
    %dma_wait3A_197 = arith.constant 1008 : i32
    %dma_wait3A_198 = tpu.memref_slice %arg5[%dma_wait3A_197] : memref<1568xi32, #tpu.memory_space<vmem>> -> memref<112xi32, #tpu.memory_space<vmem>>
    %dma_wait3A_199 = arith.constant 0 : i32
    %dma_wait3A_200 = arith.constant 0 : i32
    %dma_wait3A_201 = tpu.memref_slice %arg3[%dma_wait3A_199, %dma_wait3A_200] : memref<100000x512xf32, #tpu.memory_space<hbm>> -> memref<100000x512xf32, #tpu.memory_space<hbm>>
    tpu.wait_indirect_dma semaphore(%arg9 : memref<!tpu.dma_semaphore, #tpu.memory_space<semaphore_mem>>) src(%dma_wait3A_201 : memref<100000x512xf32, #tpu.memory_space<hbm>>) dst(%arg7 : memref<112x512xf32, #tpu.memory_space<vmem>>)
    %add3A_202 = arith.constant 1008 : i32
    %add3A_203 = arith.addi %mul3A_2, %add3A_202 : i32
    %dma_start3A_204 = arith.constant 0 : i32
    %dma_start3A_205 = tpu.memref_slice %arg4[%add3A_203, %dma_start3A_204] : memref<50000x512xf32, #tpu.memory_space<hbm>> -> memref<112x512xf32, #tpu.memory_space<hbm>>
    %dma_start3A_206 = arith.constant 0 : i32
    %dma_start3A_207 = tpu.memref_slice %arg4[%add3A_203, %dma_start3A_206] : memref<50000x512xf32, #tpu.memory_space<hbm>> -> memref<112x512xf32, #tpu.memory_space<hbm>>
    tpu.enqueue_dma source(%arg7 : memref<112x512xf32, #tpu.memory_space<vmem>>) target(%dma_start3A_207 : memref<112x512xf32, #tpu.memory_space<hbm>>) target_semaphore(%arg11 : memref<!tpu.dma_semaphore, #tpu.memory_space<semaphore_mem>>)
    %dma_wait3A_208 = arith.constant 0 : i32
    %dma_wait3A_209 = tpu.memref_slice %arg4[%add3A_203, %dma_wait3A_208] : memref<50000x512xf32, #tpu.memory_space<hbm>> -> memref<112x512xf32, #tpu.memory_space<hbm>>
    %dma_wait3A_210 = arith.constant 0 : i32
    %dma_wait3A_211 = tpu.memref_slice %arg4[%add3A_203, %dma_wait3A_210] : memref<50000x512xf32, #tpu.memory_space<hbm>> -> memref<112x512xf32, #tpu.memory_space<hbm>>
    tpu.wait_dma2 semaphore(%arg11 : memref<!tpu.dma_semaphore, #tpu.memory_space<semaphore_mem>>) src(%arg7 : memref<112x512xf32, #tpu.memory_space<vmem>>) dst(%dma_wait3A_211 : memref<112x512xf32, #tpu.memory_space<hbm>>)
    %dma_start3A_212 = arith.constant 1232 : i32
    %dma_start3A_213 = tpu.memref_slice %arg5[%dma_start3A_212] : memref<1568xi32, #tpu.memory_space<vmem>> -> memref<112xi32, #tpu.memory_space<vmem>>
    %dma_start3A_214 = arith.constant 0 : i32
    %dma_start3A_215 = arith.constant 0 : i32
    %dma_start3A_216 = tpu.memref_slice %arg3[%dma_start3A_214, %dma_start3A_215] : memref<100000x512xf32, #tpu.memory_space<hbm>> -> memref<100000x512xf32, #tpu.memory_space<hbm>>
    tpu.enqueue_indirect_dma source(%dma_start3A_216 : memref<100000x512xf32, #tpu.memory_space<hbm>>) target(%arg7 : memref<112x512xf32, #tpu.memory_space<vmem>>) offsets(%dma_start3A_213 : memref<112xi32, #tpu.memory_space<vmem>>) semaphore(%arg9 : memref<!tpu.dma_semaphore, #tpu.memory_space<semaphore_mem>>)
    %dma_wait3A_217 = arith.constant 1120 : i32
    %dma_wait3A_218 = tpu.memref_slice %arg5[%dma_wait3A_217] : memref<1568xi32, #tpu.memory_space<vmem>> -> memref<112xi32, #tpu.memory_space<vmem>>
    %dma_wait3A_219 = arith.constant 0 : i32
    %dma_wait3A_220 = arith.constant 0 : i32
    %dma_wait3A_221 = tpu.memref_slice %arg3[%dma_wait3A_219, %dma_wait3A_220] : memref<100000x512xf32, #tpu.memory_space<hbm>> -> memref<100000x512xf32, #tpu.memory_space<hbm>>
    tpu.wait_indirect_dma semaphore(%arg8 : memref<!tpu.dma_semaphore, #tpu.memory_space<semaphore_mem>>) src(%dma_wait3A_221 : memref<100000x512xf32, #tpu.memory_space<hbm>>) dst(%arg6 : memref<112x512xf32, #tpu.memory_space<vmem>>)
    %add3A_222 = arith.constant 1120 : i32
    %add3A_223 = arith.addi %mul3A_2, %add3A_222 : i32
    %dma_start3A_224 = arith.constant 0 : i32
    %dma_start3A_225 = tpu.memref_slice %arg4[%add3A_223, %dma_start3A_224] : memref<50000x512xf32, #tpu.memory_space<hbm>> -> memref<112x512xf32, #tpu.memory_space<hbm>>
    %dma_start3A_226 = arith.constant 0 : i32
    %dma_start3A_227 = tpu.memref_slice %arg4[%add3A_223, %dma_start3A_226] : memref<50000x512xf32, #tpu.memory_space<hbm>> -> memref<112x512xf32, #tpu.memory_space<hbm>>
    tpu.enqueue_dma source(%arg6 : memref<112x512xf32, #tpu.memory_space<vmem>>) target(%dma_start3A_227 : memref<112x512xf32, #tpu.memory_space<hbm>>) target_semaphore(%arg10 : memref<!tpu.dma_semaphore, #tpu.memory_space<semaphore_mem>>)
    %dma_wait3A_228 = arith.constant 0 : i32
    %dma_wait3A_229 = tpu.memref_slice %arg4[%add3A_223, %dma_wait3A_228] : memref<50000x512xf32, #tpu.memory_space<hbm>> -> memref<112x512xf32, #tpu.memory_space<hbm>>
    %dma_wait3A_230 = arith.constant 0 : i32
    %dma_wait3A_231 = tpu.memref_slice %arg4[%add3A_223, %dma_wait3A_230] : memref<50000x512xf32, #tpu.memory_space<hbm>> -> memref<112x512xf32, #tpu.memory_space<hbm>>
    tpu.wait_dma2 semaphore(%arg10 : memref<!tpu.dma_semaphore, #tpu.memory_space<semaphore_mem>>) src(%arg6 : memref<112x512xf32, #tpu.memory_space<vmem>>) dst(%dma_wait3A_231 : memref<112x512xf32, #tpu.memory_space<hbm>>)
    %dma_start3A_232 = arith.constant 1344 : i32
    %dma_start3A_233 = tpu.memref_slice %arg5[%dma_start3A_232] : memref<1568xi32, #tpu.memory_space<vmem>> -> memref<112xi32, #tpu.memory_space<vmem>>
    %dma_start3A_234 = arith.constant 0 : i32
    %dma_start3A_235 = arith.constant 0 : i32
    %dma_start3A_236 = tpu.memref_slice %arg3[%dma_start3A_234, %dma_start3A_235] : memref<100000x512xf32, #tpu.memory_space<hbm>> -> memref<100000x512xf32, #tpu.memory_space<hbm>>
    tpu.enqueue_indirect_dma source(%dma_start3A_236 : memref<100000x512xf32, #tpu.memory_space<hbm>>) target(%arg6 : memref<112x512xf32, #tpu.memory_space<vmem>>) offsets(%dma_start3A_233 : memref<112xi32, #tpu.memory_space<vmem>>) semaphore(%arg8 : memref<!tpu.dma_semaphore, #tpu.memory_space<semaphore_mem>>)
    %dma_wait3A_237 = arith.constant 1232 : i32
    %dma_wait3A_238 = tpu.memref_slice %arg5[%dma_wait3A_237] : memref<1568xi32, #tpu.memory_space<vmem>> -> memref<112xi32, #tpu.memory_space<vmem>>
    %dma_wait3A_239 = arith.constant 0 : i32
    %dma_wait3A_240 = arith.constant 0 : i32
    %dma_wait3A_241 = tpu.memref_slice %arg3[%dma_wait3A_239, %dma_wait3A_240] : memref<100000x512xf32, #tpu.memory_space<hbm>> -> memref<100000x512xf32, #tpu.memory_space<hbm>>
    tpu.wait_indirect_dma semaphore(%arg9 : memref<!tpu.dma_semaphore, #tpu.memory_space<semaphore_mem>>) src(%dma_wait3A_241 : memref<100000x512xf32, #tpu.memory_space<hbm>>) dst(%arg7 : memref<112x512xf32, #tpu.memory_space<vmem>>)
    %add3A_242 = arith.constant 1232 : i32
    %add3A_243 = arith.addi %mul3A_2, %add3A_242 : i32
    %dma_start3A_244 = arith.constant 0 : i32
    %dma_start3A_245 = tpu.memref_slice %arg4[%add3A_243, %dma_start3A_244] : memref<50000x512xf32, #tpu.memory_space<hbm>> -> memref<112x512xf32, #tpu.memory_space<hbm>>
    %dma_start3A_246 = arith.constant 0 : i32
    %dma_start3A_247 = tpu.memref_slice %arg4[%add3A_243, %dma_start3A_246] : memref<50000x512xf32, #tpu.memory_space<hbm>> -> memref<112x512xf32, #tpu.memory_space<hbm>>
    tpu.enqueue_dma source(%arg7 : memref<112x512xf32, #tpu.memory_space<vmem>>) target(%dma_start3A_247 : memref<112x512xf32, #tpu.memory_space<hbm>>) target_semaphore(%arg11 : memref<!tpu.dma_semaphore, #tpu.memory_space<semaphore_mem>>)
    %dma_wait3A_248 = arith.constant 0 : i32
    %dma_wait3A_249 = tpu.memref_slice %arg4[%add3A_243, %dma_wait3A_248] : memref<50000x512xf32, #tpu.memory_space<hbm>> -> memref<112x512xf32, #tpu.memory_space<hbm>>
    %dma_wait3A_250 = arith.constant 0 : i32
    %dma_wait3A_251 = tpu.memref_slice %arg4[%add3A_243, %dma_wait3A_250] : memref<50000x512xf32, #tpu.memory_space<hbm>> -> memref<112x512xf32, #tpu.memory_space<hbm>>
    tpu.wait_dma2 semaphore(%arg11 : memref<!tpu.dma_semaphore, #tpu.memory_space<semaphore_mem>>) src(%arg7 : memref<112x512xf32, #tpu.memory_space<vmem>>) dst(%dma_wait3A_251 : memref<112x512xf32, #tpu.memory_space<hbm>>)
    %dma_start3A_252 = arith.constant 1456 : i32
    %dma_start3A_253 = tpu.memref_slice %arg5[%dma_start3A_252] : memref<1568xi32, #tpu.memory_space<vmem>> -> memref<112xi32, #tpu.memory_space<vmem>>
    %dma_start3A_254 = arith.constant 0 : i32
    %dma_start3A_255 = arith.constant 0 : i32
    %dma_start3A_256 = tpu.memref_slice %arg3[%dma_start3A_254, %dma_start3A_255] : memref<100000x512xf32, #tpu.memory_space<hbm>> -> memref<100000x512xf32, #tpu.memory_space<hbm>>
    tpu.enqueue_indirect_dma source(%dma_start3A_256 : memref<100000x512xf32, #tpu.memory_space<hbm>>) target(%arg7 : memref<112x512xf32, #tpu.memory_space<vmem>>) offsets(%dma_start3A_253 : memref<112xi32, #tpu.memory_space<vmem>>) semaphore(%arg9 : memref<!tpu.dma_semaphore, #tpu.memory_space<semaphore_mem>>)
    %dma_wait3A_257 = arith.constant 1344 : i32
    %dma_wait3A_258 = tpu.memref_slice %arg5[%dma_wait3A_257] : memref<1568xi32, #tpu.memory_space<vmem>> -> memref<112xi32, #tpu.memory_space<vmem>>
    %dma_wait3A_259 = arith.constant 0 : i32
    %dma_wait3A_260 = arith.constant 0 : i32
    %dma_wait3A_261 = tpu.memref_slice %arg3[%dma_wait3A_259, %dma_wait3A_260] : memref<100000x512xf32, #tpu.memory_space<hbm>> -> memref<100000x512xf32, #tpu.memory_space<hbm>>
    tpu.wait_indirect_dma semaphore(%arg8 : memref<!tpu.dma_semaphore, #tpu.memory_space<semaphore_mem>>) src(%dma_wait3A_261 : memref<100000x512xf32, #tpu.memory_space<hbm>>) dst(%arg6 : memref<112x512xf32, #tpu.memory_space<vmem>>)
    %add3A_262 = arith.constant 1344 : i32
    %add3A_263 = arith.addi %mul3A_2, %add3A_262 : i32
    %not3A_264 = arith.constant true
    %not3A_265 = arith.xori %eq3A_3, %not3A_264 : i1
    %convert_element_type3A_266 = arith.extui %not3A_265 : i1 to i32
    %cond3A_267 = arith.constant 0 : i32
    %cond3A_268 = arith.cmpi ne, %convert_element_type3A_266, %cond3A_267 : i32
    scf.if %cond3A_268 {
      %dma_start3A_296 = arith.constant 0 : i32
      %dma_start3A_297 = tpu.memref_slice %arg4[%add3A_263, %dma_start3A_296] : memref<50000x512xf32, #tpu.memory_space<hbm>> -> memref<112x512xf32, #tpu.memory_space<hbm>>
      %dma_start3A_298 = arith.constant 0 : i32
      %dma_start3A_299 = tpu.memref_slice %arg4[%add3A_263, %dma_start3A_298] : memref<50000x512xf32, #tpu.memory_space<hbm>> -> memref<112x512xf32, #tpu.memory_space<hbm>>
      tpu.enqueue_dma source(%arg6 : memref<112x512xf32, #tpu.memory_space<vmem>>) target(%dma_start3A_299 : memref<112x512xf32, #tpu.memory_space<hbm>>) target_semaphore(%arg10 : memref<!tpu.dma_semaphore, #tpu.memory_space<semaphore_mem>>)
    } else {
    }
    %convert_element_type3A_269 = arith.extui %eq3A_3 : i1 to i32
    %cond3A_270 = arith.constant 0 : i32
    %cond3A_271 = arith.cmpi ne, %convert_element_type3A_269, %cond3A_270 : i32
    scf.if %cond3A_271 {
      %dma_start3A_296 = arith.constant 0 : i32
      %dma_start3A_297 = arith.constant 0 : i32
      %dma_start3A_298 = tpu.memref_slice %arg6[%dma_start3A_296, %dma_start3A_297] : memref<112x512xf32, #tpu.memory_space<vmem>> -> memref<48x512xf32, #tpu.memory_space<vmem>>
      %dma_start3A_299 = arith.constant 49952 : i32
      %dma_start3A_300 = arith.constant 0 : i32
      %dma_start3A_301 = tpu.memref_slice %arg4[%dma_start3A_299, %dma_start3A_300] : memref<50000x512xf32, #tpu.memory_space<hbm>> -> memref<48x512xf32, #tpu.memory_space<hbm>>
      %dma_start3A_302 = arith.constant 49952 : i32
      %dma_start3A_303 = arith.constant 0 : i32
      %dma_start3A_304 = tpu.memref_slice %arg4[%dma_start3A_302, %dma_start3A_303] : memref<50000x512xf32, #tpu.memory_space<hbm>> -> memref<48x512xf32, #tpu.memory_space<hbm>>
      %dma_start3A_305 = arith.constant 0 : i32
      %dma_start3A_306 = arith.constant 0 : i32
      %dma_start3A_307 = tpu.memref_slice %arg6[%dma_start3A_305, %dma_start3A_306] : memref<112x512xf32, #tpu.memory_space<vmem>> -> memref<48x512xf32, #tpu.memory_space<vmem>>
      tpu.enqueue_dma source(%dma_start3A_307 : memref<48x512xf32, #tpu.memory_space<vmem>>) target(%dma_start3A_304 : memref<48x512xf32, #tpu.memory_space<hbm>>) target_semaphore(%arg10 : memref<!tpu.dma_semaphore, #tpu.memory_space<semaphore_mem>>)
    } else {
    }
    %dma_wait3A_272 = arith.constant 1456 : i32
    %dma_wait3A_273 = tpu.memref_slice %arg5[%dma_wait3A_272] : memref<1568xi32, #tpu.memory_space<vmem>> -> memref<112xi32, #tpu.memory_space<vmem>>
    %dma_wait3A_274 = arith.constant 0 : i32
    %dma_wait3A_275 = arith.constant 0 : i32
    %dma_wait3A_276 = tpu.memref_slice %arg3[%dma_wait3A_274, %dma_wait3A_275] : memref<100000x512xf32, #tpu.memory_space<hbm>> -> memref<100000x512xf32, #tpu.memory_space<hbm>>
    tpu.wait_indirect_dma semaphore(%arg9 : memref<!tpu.dma_semaphore, #tpu.memory_space<semaphore_mem>>) src(%dma_wait3A_276 : memref<100000x512xf32, #tpu.memory_space<hbm>>) dst(%arg7 : memref<112x512xf32, #tpu.memory_space<vmem>>)
    %add3A_277 = arith.constant 1456 : i32
    %add3A_278 = arith.addi %mul3A_2, %add3A_277 : i32
    %not3A_279 = arith.constant true
    %not3A_280 = arith.xori %eq3A_3, %not3A_279 : i1
    %convert_element_type3A_281 = arith.extui %not3A_280 : i1 to i32
    %cond3A_282 = arith.constant 0 : i32
    %cond3A_283 = arith.cmpi ne, %convert_element_type3A_281, %cond3A_282 : i32
    scf.if %cond3A_283 {
      %dma_start3A_296 = arith.constant 0 : i32
      %dma_start3A_297 = tpu.memref_slice %arg4[%add3A_278, %dma_start3A_296] : memref<50000x512xf32, #tpu.memory_space<hbm>> -> memref<112x512xf32, #tpu.memory_space<hbm>>
      %dma_start3A_298 = arith.constant 0 : i32
      %dma_start3A_299 = tpu.memref_slice %arg4[%add3A_278, %dma_start3A_298] : memref<50000x512xf32, #tpu.memory_space<hbm>> -> memref<112x512xf32, #tpu.memory_space<hbm>>
      tpu.enqueue_dma source(%arg7 : memref<112x512xf32, #tpu.memory_space<vmem>>) target(%dma_start3A_299 : memref<112x512xf32, #tpu.memory_space<hbm>>) target_semaphore(%arg11 : memref<!tpu.dma_semaphore, #tpu.memory_space<semaphore_mem>>)
    } else {
    }
    %add3A_284 = arith.constant 1344 : i32
    %add3A_285 = arith.addi %mul3A_2, %add3A_284 : i32
    %add3A_286 = arith.constant 1456 : i32
    %add3A_287 = arith.addi %mul3A_2, %add3A_286 : i32
    %not3A_288 = arith.constant true
    %not3A_289 = arith.xori %eq3A_3, %not3A_288 : i1
    %convert_element_type3A_290 = arith.extui %not3A_289 : i1 to i32
    %cond3A_291 = arith.constant 0 : i32
    %cond3A_292 = arith.cmpi ne, %convert_element_type3A_290, %cond3A_291 : i32
    scf.if %cond3A_292 {
      %dma_wait3A_296 = arith.constant 0 : i32
      %dma_wait3A_297 = tpu.memref_slice %arg4[%add3A_285, %dma_wait3A_296] : memref<50000x512xf32, #tpu.memory_space<hbm>> -> memref<112x512xf32, #tpu.memory_space<hbm>>
      %dma_wait3A_298 = arith.constant 0 : i32
      %dma_wait3A_299 = tpu.memref_slice %arg4[%add3A_285, %dma_wait3A_298] : memref<50000x512xf32, #tpu.memory_space<hbm>> -> memref<112x512xf32, #tpu.memory_space<hbm>>
      tpu.wait_dma2 semaphore(%arg10 : memref<!tpu.dma_semaphore, #tpu.memory_space<semaphore_mem>>) src(%arg6 : memref<112x512xf32, #tpu.memory_space<vmem>>) dst(%dma_wait3A_299 : memref<112x512xf32, #tpu.memory_space<hbm>>)
      %dma_wait3A_300 = arith.constant 0 : i32
      %dma_wait3A_301 = tpu.memref_slice %arg4[%add3A_287, %dma_wait3A_300] : memref<50000x512xf32, #tpu.memory_space<hbm>> -> memref<112x512xf32, #tpu.memory_space<hbm>>
      %dma_wait3A_302 = arith.constant 0 : i32
      %dma_wait3A_303 = tpu.memref_slice %arg4[%add3A_287, %dma_wait3A_302] : memref<50000x512xf32, #tpu.memory_space<hbm>> -> memref<112x512xf32, #tpu.memory_space<hbm>>
      tpu.wait_dma2 semaphore(%arg11 : memref<!tpu.dma_semaphore, #tpu.memory_space<semaphore_mem>>) src(%arg7 : memref<112x512xf32, #tpu.memory_space<vmem>>) dst(%dma_wait3A_303 : memref<112x512xf32, #tpu.memory_space<hbm>>)
    } else {
    }
    %convert_element_type3A_293 = arith.extui %eq3A_3 : i1 to i32
    %cond3A_294 = arith.constant 0 : i32
    %cond3A_295 = arith.cmpi ne, %convert_element_type3A_293, %cond3A_294 : i32
    scf.if %cond3A_295 {
      %dma_wait3A_296 = arith.constant 0 : i32
      %dma_wait3A_297 = arith.constant 0 : i32
      %dma_wait3A_298 = tpu.memref_slice %arg6[%dma_wait3A_296, %dma_wait3A_297] : memref<112x512xf32, #tpu.memory_space<vmem>> -> memref<48x512xf32, #tpu.memory_space<vmem>>
      %dma_wait3A_299 = arith.constant 49952 : i32
      %dma_wait3A_300 = arith.constant 0 : i32
      %dma_wait3A_301 = tpu.memref_slice %arg4[%dma_wait3A_299, %dma_wait3A_300] : memref<50000x512xf32, #tpu.memory_space<hbm>> -> memref<48x512xf32, #tpu.memory_space<hbm>>
      %dma_wait3A_302 = arith.constant 49952 : i32
      %dma_wait3A_303 = arith.constant 0 : i32
      %dma_wait3A_304 = tpu.memref_slice %arg4[%dma_wait3A_302, %dma_wait3A_303] : memref<50000x512xf32, #tpu.memory_space<hbm>> -> memref<48x512xf32, #tpu.memory_space<hbm>>
      %dma_wait3A_305 = arith.constant 0 : i32
      %dma_wait3A_306 = arith.constant 0 : i32
      %dma_wait3A_307 = tpu.memref_slice %arg6[%dma_wait3A_305, %dma_wait3A_306] : memref<112x512xf32, #tpu.memory_space<vmem>> -> memref<48x512xf32, #tpu.memory_space<vmem>>
      tpu.wait_dma2 semaphore(%arg10 : memref<!tpu.dma_semaphore, #tpu.memory_space<semaphore_mem>>) src(%dma_wait3A_307 : memref<48x512xf32, #tpu.memory_space<vmem>>) dst(%dma_wait3A_304 : memref<48x512xf32, #tpu.memory_space<hbm>>)
    } else {
    }
    return
  }
}

</mosaic_0001>

<sc_bundles>
// kernel: kernel.3.cloned.1.call-start
scs
__scs_entry_jumppad:
0x0: {  	(pc) =	sbr.rel $0x88, $3  }
0x1: {  	(tag) =	ssettag $0x0;
	lr =	simm.s32 $0x1  }
0x2: {  	[smem:$0x3F9F] =	sst lr;
	_ =	strace $0xD0000000  }
0x3: {  	_ = 	snop  }
0x4: {  	_ = 	snop  }
0x5: {  	_ = 	snop  }
0x6: {  	_ = 	snop  }
0x7: {  	_ = 	snop  }
__scs_overlays_trampoline_lowered:
0x8: {  	[smem:$0x3FAE] =	sst s0  }
0x9: {  	[smem:$0x3FAF] =	sst s1  }
0xa: {  	[smem:$0x3FB0] =	sst s2  }
0xb: {  	[smem:$0x3FB1] =	sst s3  }
0xc: {  	[smem:$0x3FB2] =	sst s4  }
0xd: {  	[smem:$0x3FB3] =	sst s5  }
0xe: {  	[smem:$0x3FB4] =	sst s6  }
0xf: {  	[smem:$0x3FB5] =	sst s7  }
0x10: {  	[smem:$0x3FB6] =	sst s8  }
0x11: {  	[smem:$0x3FB7] =	sst s9;
	s0 =	simm.s32 @!p0 $0x0  }
0x12: {  	s1 =	sld [smem:$0x3F9D];
	s0 =	simm.s32 @p0 $0x1  }
0x13: {  	[smem:$0x3FB8] =	sst s0;
	s0 =	simm.s32 @!p1 $0x0  }
0x14: {  	s2 =	sld [smem:$0x3F9C];
	s0 =	simm.s32 @p1 $0x1  }
0x15: {  	[smem:$0x3FB9] =	sst s0;
	s0 =	simm.s32 @!p2 $0x0  }
0x16: {  	s3 =	sld [smem:$0x3FDB];
	s0 =	simm.s32 @p2 $0x1  }
0x17: {  	s4 =	simm.s32 $0x1BF5;
	[smem:$0x3FBB] =	sst s0  }
0x18: {  	s0 =	sld [smem:$0x3F9E];
	_ =	swait.ge [sflag:s4], $0x0  }
0x19: {  	s7 =	sld [smem:$0x3F9F]  }
0x1a: {  	s8 =	sadd.s32 $0xFFFFE003, lr  }
0x1b: {  	s9 =	sadd.s32 $0xFFFFFEF7, lr;
	s5 =	simm.s32 $0xFFFFFFFF;
	p2 =	slt.u32 s8, $0xFFFFF086  }
0x1c: {  	p1 =	slt.u32 s9, $0xF7A;
	s5 =	simm.s32 @!p2 $0x0  }
0x1d: {  	s5 =	simm.s32 @p1 $0x1;
	p0 =	seq.s32 s7, s2  }
0x1e: {  	s7 =	smul.u32 @!p0 $0xF7A, s2;
	p2 =	seq.s32 @!p0 s5, $0x0  }
0x1f: {  	s9 =	smul.u32 $0xF7A, s1;
	s8 =	simm.s32 @!p0 $0x1BF5;
	p2 =	por !p2, p0  }
0x20: {  	[sflag:s8] =	ssyncset.s32 @!p0 $0xFFFFF086;
	s6 =	sadd.s32 @!p0 s3, s7;
	s7 =	simm.s32 @!p0 $0x108  }
0x21: {  	s3 =	sadd.s32 s3, s9;
	s6 =	sadd.s32 @!p0 $0x88, s6;
	s7 =	simm.s32 @p2 $0x1082  }
0x22: {  	[simem:s7], [sflag:s8] =	dma.local @!p0 [hbm:s6], $0xF7A  }
0x23: {  	s9 =	sor.u32 $0xD0000000, s2;
	s6 =	simm.s32 $0x108;
	_ =	swait.ge @!p0 [sflag:s8], $0x0  }
0x24: {  	s3 =	sadd.s32 $0x88, s3;
	s6 =	simm.s32 @!p1 $0x1082;
	[sflag:s4] =	ssyncset.s32 $0xFFFFF086  }
0x25: {  	[simem:s6], [sflag:s4] =	dma.local [hbm:s3], $0xF7A  }
0x26: {  	[smem:$0x3F9F] =	sst s1;
	(tag) =	ssettag s2;
	_ =	strace s9  }
0x27: {  	s1 =	sld [smem:$0x3FAF]  }
0x28: {  	s2 =	sld [smem:$0x3FB0]  }
0x29: {  	s4 =	sld [smem:$0x3FB2]  }
0x2a: {  	p0 =	seq.s32 s5, $0x0;
	s5 =	sld [smem:$0x3FB3]  }
0x2b: {  	s6 =	sld [smem:$0x3FB4]  }
0x2c: {  	s7 =	sld [smem:$0x3FB5]  }
0x2d: {  	s3 =	simm.s32 $0x108;
	s8 =	sld [smem:$0x3FB6]  }
0x2e: {  	s3 =	simm.s32 @!p0 $0x1082;
	s9 =	sld [smem:$0x3FB7]  }
0x2f: {  	lr =	sadd.s32 s0, s3;
	s0 =	sld [smem:$0x3FAE]  }
0x30: {  	s3 =	sld [smem:$0x3FB1]  }
0x31: {  	[smem:$0x3FBA] =	sst s10  }
0x32: {  	s10 =	sld [smem:$0x3FB8];
	_ =	sdelay $0x3  }
0x33: {  	p0 =	seq.s32 s10, $0x1;
	s10 =	sld [smem:$0x3FBA];
	_ =	sdelay $0x3  }
0x34: {  	[smem:$0x3FBA] =	sst s10  }
0x35: {  	s10 =	sld [smem:$0x3FB9];
	_ =	sdelay $0x3  }
0x36: {  	p1 =	seq.s32 s10, $0x1;
	s10 =	sld [smem:$0x3FBA];
	_ =	sdelay $0x3  }
0x37: {  	[smem:$0x3FBA] =	sst s10  }
0x38: {  	s10 =	sld [smem:$0x3FBB]  }
0x39: {  	_ = 	snop;
	(pc) =	sbr.ind lr, $3  }
0x3a: {  	_ = 	snop  }
0x3b: {  	_ = 	snop  }
0x3c: {  	p2 =	seq.s32 s10, $0x1;
	s10 =	sld [smem:$0x3FBA]  }
0x3d: {  	_ =	shalt  }
0x3e: {  	_ =	shalt  }
0x3f: {  	_ =	shalt  }
0x40: {  	_ =	shalt  }
0x41: {  	_ =	shalt  }
0x42: {  	_ =	shalt  }
0x43: {  	_ =	shalt  }
0x44: {  	_ =	shalt  }
0x45: {  	_ =	shalt  }
0x46: {  	_ =	shalt  }
0x47: {  	_ =	shalt  }
0x48: {  	_ =	shalt  }
0x49: {  	_ =	shalt  }
0x4a: {  	_ =	shalt  }
0x4b: {  	_ =	shalt  }
0x4c: {  	_ =	shalt  }
0x4d: {  	_ =	shalt  }
0x4e: {  	_ =	shalt  }
0x4f: {  	_ =	shalt  }
0x50: {  	_ =	shalt  }
0x51: {  	_ =	shalt  }
0x52: {  	_ =	shalt  }
0x53: {  	_ =	shalt  }
0x54: {  	_ =	shalt  }
0x55: {  	_ =	shalt  }
0x56: {  	_ =	shalt  }
0x57: {  	_ =	shalt  }
0x58: {  	_ =	shalt  }
0x59: {  	_ =	shalt  }
0x5a: {  	_ =	shalt  }
0x5b: {  	_ =	shalt  }
0x5c: {  	_ =	shalt  }
0x5d: {  	_ =	shalt  }
0x5e: {  	_ =	shalt  }
0x5f: {  	_ =	shalt  }
0x60: {  	_ =	shalt  }
0x61: {  	_ =	shalt  }
0x62: {  	_ =	shalt  }
0x63: {  	_ =	shalt  }
0x64: {  	_ =	shalt  }
0x65: {  	_ =	shalt  }
0x66: {  	_ =	shalt  }
0x67: {  	_ =	shalt  }
0x68: {  	_ =	shalt  }
0x69: {  	_ =	shalt  }
0x6a: {  	_ =	shalt  }
0x6b: {  	_ =	shalt  }
0x6c: {  	_ =	shalt  }
0x6d: {  	_ =	shalt  }
0x6e: {  	_ =	shalt  }
0x6f: {  	_ =	shalt  }
0x70: {  	_ =	shalt  }
0x71: {  	_ =	shalt  }
0x72: {  	_ =	shalt  }
0x73: {  	_ =	shalt  }
0x74: {  	_ =	shalt  }
0x75: {  	_ =	shalt  }
0x76: {  	_ =	shalt  }
0x77: {  	_ =	shalt  }
0x78: {  	_ =	shalt  }
0x79: {  	_ =	shalt  }
0x7a: {  	_ =	shalt  }
0x7b: {  	_ =	shalt  }
0x7c: {  	_ =	shalt  }
0x7d: {  	_ =	shalt  }
0x7e: {  	_ =	shalt  }
0x7f: {  	_ =	shalt  }
0x80: {  	_ =	shalt  }
0x81: {  	_ =	shalt  }
0x82: {  	_ =	shalt  }
0x83: {  	_ =	shalt  }
0x84: {  	_ =	shalt  }
0x85: {  	_ =	shalt  }
0x86: {  	_ =	shalt  }
0x87: {  	_ =	shalt  }
.Lfunc_end0:
.L_simem_size_0:
called_computation_lowered:
.L_overlay_start_0:
0x88: {  	s2 =	sld [smem:$0x3FD9]  }
0x89: {  	s3 =	sld [smem:$0x3FFE];
	_ =	sdelay $0x1  }
0x8a: {  	s1 =	srdreg.scid  }
0x8b: {  	s0 =	sand.u32 $0x1, s1  }
0x8c: {  	s18 =	sshll.u32 s0, $0xA;
	s2 =	sadd.s32 s3, s2  }
0x8d: {  	s2 =	sadd.s32 s2, s18  }
0x8e: {  	[smem:$0x3FC6] =	sst s2  }
0x8f: {  	_ = 	snop  }
0x90: {  	s2 =	sld [smem:$0x3FC9]  }
0x91: {  	s19 =	sld [smem:$0x3FC8]  }
0x92: {  	s4 =	sld [smem:$0x3FD0];
	(tm) =	ssettm $0x1  }
0x93: {  	s5 =	sld [smem:$0x3FFB];
	_ =	sdelay $0x3  }
0x94: {  	_ =	strace s5  }
0x95: {  	s5 =	sld [smem:$0x3FFC];
	_ =	sdelay $0x3  }
0x96: {  	_ =	strace s5  }
0x97: {  	s5 =	sld [smem:$0x3FFD];
	_ =	sdelay $0x3  }
0x98: {  	_ =	strace s5  }
0x99: {  	_ =	strace $0x8FFFFFFF  }
0x9a: {  	s20 =	sld [smem:$0x3FDB];
	_ =	sdelay $0x1  }
0x9b: {  	s6 =	simm.s32 $_scs_section_size  }
0x9c: {  	s7 =	simm.s32 $_size__tile_overlayer_lowered;
	s8 =	simm.s32 $_tile_overlayer_lowered  }
0x9d: {  	s23 =	simm.s32 $0x1BFF;
	s22 =	sshll.u32 s8, $0x1;
	s5 =	sadd.s32 s6, s20  }
0x9e: {  	s9 =	simm.s32 $0x0;
	s21 =	sshll.u32 s7, $0x1;
	s7 =	sadd.s32 s22, s5  }
0x9f: {  	[timem:s9], [sflag:s23] =	dma.local [hbm:s7], s21  }
0xa0: {  	_ =	swait.ge [sflag:s23], s21  }
0xa1: {  	s6 =	ssub.s32 $0x0, s21;
	[sflag:s23] =	ssyncset.done $0x0  }
0xa2: {  	[sflag:s23] =	ssyncadd.s32 s6;
	_ =	sdelay $0x1  }
0xa3: {  	s24 =	simm.s32 $0x1B8B  }
0xa4: {  	_ =	swait.ge [sflag:s24], $0x1  }
0xa5: {  	[sflag:s24] =	ssyncset.done $0x0  }
0xa6: {  	s25 =	simm.s32 $0x1B8E;
	[sflag:s24] =	ssyncadd.s32 $0xFFFFFFFF  }
0xa7: {  	s26 =	simm.s32 $execute0_lowered;
	[smem:$0x3FD2] =	sst s25  }
0xa8: {  	s6 =	sshll.u32 s26, $0x1;
	_ =	strace $0x80000046;
	[dreg:$0x1] =	wrdreg $0xFFFFFFFF  }
0xa9: {  	s28 =	simm.s32 $_size_execute0_lowered;
	s5 =	sadd.s32 s5, s6;
	[dreg:$0x0] =	wrdreg $0x0  }
0xaa: {  	s6 =	sshll.u32 s28, $0x1;
	[dreg:$0x2] =	wrdreg s5  }
0xab: {  	[dreg:$0x3] =	wrdreg s6  }
0xac: {  	[dreg:$0x4] =	wrdreg $0xC0  }
0xad: {  	_ =	task [dreg:s9], $0x5FFFF  }
0xae: {  	[dreg:$0x1] =	wrdreg $0xFFFFFFFF  }
0xaf: {  	[dreg:$0x0] =	wrdreg $0x60  }
0xb0: {  	[dreg:$0x2] =	wrdreg s2  }
0xb1: {  	[dreg:$0x3] =	wrdreg s19  }
0xb2: {  	[dreg:$0x4] =	wrdreg s4  }
0xb3: {  	[dreg:$0x5] =	wrdreg $0x9  }
0xb4: {  	_ =	task.clear_ibuf [dreg:s9], $0x6FFFF;
	_ =	strace $0x90000046  }
0xb5: {  	s29 =	simm.s32 $0x9;
	_ =	strace $0x80000048  }
0xb6: {  	_ =	swait.ge [sflag:s29], $0x1  }
0xb7: {  	[sflag:s29] =	ssyncadd.s32 $0xFFFFFFFF  }
0xb8: {  	_ =	strace $0x90000048  }
0xb9: {  	_ =	sfence  }
0xba: {  	s30 =	sld [smem:$0x0];
	_ =	sdelay $0x2  }
0xbb: {  	s31 =	sshll.u32 s1, $0xD;
	s1 =	sshrl.u32 s1, $0x2  }
0xbc: {  	s3 =	sand.u32 $0x4000, s31;
	s1 =	sadd.s32 s1, s30  }
0xbd: {  	s0 =	sor.u32 s3, s0;
	s1 =	sshll.u32 s1, $0x11  }
0xbe: {  	s0 =	sor.u32 s1, s0  }
0xbf: {  	s0 =	sadd.s32 $0x8F2B, s0  }
0xc0: {  	[sflag:s0] =	ssyncadd.remote.s32 $0x1  }
0xc1: {  	_ =	sfence.sel $0xFFFF  }
0xc2: {  	[dreg:$0x0] =	wrdreg $0xFFFFFFFF;
	(pc) =	sbr.abs _section_cstart, $3  }
0xc3: {  	[dreg:$0x1] =	wrdreg $0xFFFFFFFF  }
0xc4: {  	_ =	task.clear_ibuf [dreg:s9], $0x2FFFF;
	_ =	strace $0x9FFFFFFF  }
0xc5: {  	(tm) =	ssettm $0x7FFFFFFF  }
tec
execute0_lowered:
.L_overlay_start_1:
0x0: {  	(tag) =	ssettag $0x1  }
0x1: {  	s1 =	srdreg.scid;
	s3 =	stileid.u32  }
0x2: {  	s1 =	sand.u32 $0x1, s1;
	s3 =	sshll.u32 s3, $0x1  }
0x3: {  	s0 =	rddreg [dreg:$0x0];
	s6 =	sor.u32 s1, s3  }
0x4: {  	s2 =	rddreg [dreg:$0x1];
	s4 =	smul.u32 $0xC4, s6  }
0x5: {  	s5 =	rddreg [dreg:$0x2];
	s3 =	simm.s32 $0x0;
	s7 =	smul.u32 $0xC4000, s6  }
0x6: {  	s31 =	sadd.s32 $0x30C800, s5;
	[smem:$0x7FF] =	sst s3;
	s8 =	smul.u32 $0x18800, s6  }
0x7: {  	_ =	strace $0x80000047;
	[dreg:$0x14] =	wrdreg s31;
	s4 =	sadd.s32 s0, s4  }
0x8: {  	s0 =	sadd.s32 $0x17BC, s0;
	s14 =	sshrl.u32 s7, $0x3;
	[dreg:$0x4] =	wrdreg s4  }
0x9: {  	s15 =	sadd.s32 s5, s8;
	[dreg:$0x5] =	wrdreg s0;
	s4 =	sadd.s32 s5, s14  }
0xa: {  	[dreg:$0x6] =	wrdreg s15;
	s16 =	sadd.s32 $0x1C00, s4  }
0xb: {  	s17 =	sadd.s32 $0x3800, s4;
	[dreg:$0x7] =	wrdreg s16  }
0xc: {  	s18 =	sadd.s32 $0x5400, s4;
	[dreg:$0x8] =	wrdreg s17  }
0xd: {  	s19 =	sadd.s32 $0x7000, s4;
	[dreg:$0x9] =	wrdreg s18  }
0xe: {  	s11 =	simm.s32 $0x1;
	s20 =	sadd.s32 $0x8C00, s4;
	[dreg:$0xa] =	wrdreg s19  }
0xf: {  	s12 =	simm.s32 $0x3;
	s21 =	sadd.s32 $0xA800, s4;
	[dreg:$0xb] =	wrdreg s20  }
0x10: {  	s13 =	simm.s32 $0x2;
	s22 =	sadd.s32 $0xC400, s4;
	[dreg:$0xc] =	wrdreg s21  }
0x11: {  	s1 =	ssub.s32 $0x2, s1;
	s23 =	sadd.s32 $0xE000, s4;
	[dreg:$0xd] =	wrdreg s22  }
0x12: {  	s28 =	sshrl.u32 s1, $0x1;
	s24 =	sadd.s32 $0xFC00, s4;
	[dreg:$0xe] =	wrdreg s23  }
0x13: {  	p0 =	seq.s32 s6, $0x1F;
	s25 =	sadd.s32 $0x11800, s4;
	[dreg:$0xf] =	wrdreg s24  }
0x14: {  	s1 =	ssub.s32 s1, s28;
	s26 =	sadd.s32 $0x13400, s4;
	[dreg:$0x10] =	wrdreg s25  }
0x15: {  	v2 =	vlaneseq.u32;
	s8 =	simm.s32 $0x680;
	s29 =	sadd.s32 $0x15000, s4;
	[dreg:$0x11] =	wrdreg s26  }
0x16: {  	vm0 =	vmmov $0xffff;
	v1 =	vshrl.u32 v2, $0x3;
	s0 =	smax.u32 s1, $0x1;
	s30 =	sadd.s32 $0x16C00, s4;
	[dreg:$0x12] =	wrdreg s29  }
0x17: {  	v0 =	vand.u32 $0x7, v2;
	v2 =	vor.u32 $0x8, v2;
	v1 =	vmul.u32 $0x8, v1;
	s14 =	simm.s32 $0x4;
	s4 =	sadd.s32 $0x100, s2;
	[dreg:$0x13] =	wrdreg s30  }
.LBB2_1:
0x18: {  	[dreg:$0x15] =	wrdreg s0  }
0x19: {  	s15 =	rddreg [dreg:$0x5];
	s0 =	simm.s32 @p0 $0x0  }
0x1a: {  	[tilespmem:s0], [sflag:$0x5] =	stream.linear.gather @p0 [hbm4b:s15+s0], $0x570, $0x38;
	[tilespmem:$0x1C680] =	vst v63  }
0x1b: {  	s15 =	simm.s32 @p0 $0x5  }
0x1c: {  	_ =	swait.ge @p0 [sflag:s15], $0x570  }
0x1d: {  	[sflag:s15] =	ssyncset.done @p0 $0x0  }
0x1e: {  	v3 =	vimm.s32 @p0 $0x0;
	[sflag:s15] =	ssyncadd.s32 @p0 $0xFFFFFA90  }
0x1f: {  	[tilespmem:$0x570] =	vst @p0 v3  }
0x20: {  	[tilespmem:$0x580] =	vst @p0 v3  }
0x21: {  	[tilespmem:$0x590] =	vst @p0 v3  }
0x22: {  	[tilespmem:$0x5A0] =	vst @p0 v3  }
0x23: {  	[tilespmem:$0x5B0] =	vst @p0 v3  }
0x24: {  	[tilespmem:$0x5C0] =	vst @p0 v3  }
0x25: {  	[tilespmem:$0x5D0] =	vst @p0 v3  }
0x26: {  	[tilespmem:$0x5E0] =	vst @p0 v3  }
0x27: {  	[tilespmem:$0x5F0] =	vst @p0 v3  }
0x28: {  	[tilespmem:$0x600] =	vst @p0 v3  }
0x29: {  	s0 =	simm.s32 @!p0 $0x0;
	s15 =	rddreg [dreg:$0x4];
	[tilespmem:$0x610] =	vst @p0 v3  }
0x2a: {  	[tilespmem:s0], [sflag:$0x5] =	stream.linear.gather @!p0 [hbm4b:s15+s0], $0x620, $0x38;
	[tilespmem:$0x1C680] =	vst v63  }
0x2b: {  	s15 =	simm.s32 @!p0 $0x5  }
0x2c: {  	_ =	swait.ge @!p0 [sflag:s15], $0x620  }
0x2d: {  	[sflag:s15] =	ssyncset.done @!p0 $0x0  }
0x2e: {  	[sflag:s15] =	ssyncadd.s32 @!p0 $0xFFFFF9E0  }
0x2f: {  	v3 =	vld [tilespmem:$0x0];
	_ =	sdelay $0x4  }
0x30: {  	v4 =	vshll.u32 v3, $0x2  }
0x31: {  	v3 =	vand.u32 $0x7, v3;
	v4 =	vand.u32 $0xFFFFFFE0, v4  }
0x32: {  	v3 =	vor.u32 v3, v4  }
0x33: {  	v4 =	vperm.xlane v3, v0;
	_ =	sdelay $0x1  }
0x34: {  	v4 =	vadd.s32 v1, v4;
	_ =	sdelay $0x1  }
0x35: {  	v3 =	vperm.xlane v3, v2;
	_ =	sdelay $0x1  }
0x36: {  	v3 =	vadd.s32 v1, v3  }
0x37: {  	[tilespmem:s8], [sflag:$0x1] =	stream.indirect_vreg.gather [hbm4b:s2+s3], $0x80, v4, vm0, $0xb8;
	[tilespmem:$0x1C680] =	vst v63  }
0x38: {  	s30 =	simm.s32 $0xE80  }
0x39: {  	[tilespmem:s30], [sflag:$0x1] =	stream.indirect_vreg.gather [hbm4b:s4+s3], $0x80, v4, vm0, $0xb8;
	[tilespmem:$0x1C680] =	vst v63  }
0x3a: {  	s31 =	simm.s32 $0x1680  }
0x3b: {  	[tilespmem:s31], [sflag:$0x1] =	stream.indirect_vreg.gather [hbm4b:s2+s3], $0x80, v3, vm0, $0xb8;
	[tilespmem:$0x1C680] =	vst v63  }
0x3c: {  	s1 =	simm.s32 $0x1E80  }
0x3d: {  	[tilespmem:s1], [sflag:$0x1] =	stream.indirect_vreg.gather [hbm4b:s4+s3], $0x80, v3, vm0, $0xb8;
	[tilespmem:$0x1C680] =	vst v63  }
0x3e: {  	v3 =	vld [tilespmem:$0x10];
	_ =	sdelay $0x4  }
0x3f: {  	v23 =	vshll.u32 v3, $0x2  }
0x40: {  	v3 =	vand.u32 $0x7, v3;
	v4 =	vand.u32 $0xFFFFFFE0, v23  }
0x41: {  	v3 =	vor.u32 v3, v4  }
0x42: {  	v4 =	vperm.xlane v3, v0;
	_ =	sdelay $0x1  }
0x43: {  	v4 =	vadd.s32 v1, v4;
	_ =	sdelay $0x1  }
0x44: {  	v3 =	vperm.xlane v3, v2;
	_ =	sdelay $0x1  }
0x45: {  	s5 =	simm.s32 $0x2680;
	v3 =	vadd.s32 v1, v3  }
0x46: {  	[tilespmem:s5], [sflag:$0x1] =	stream.indirect_vreg.gather [hbm4b:s2+s3], $0x80, v4, vm0, $0xb8;
	[tilespmem:$0x1C680] =	vst v63  }
0x47: {  	s6 =	simm.s32 $0x2E80  }
0x48: {  	[tilespmem:s6], [sflag:$0x1] =	stream.indirect_vreg.gather [hbm4b:s4+s3], $0x80, v4, vm0, $0xb8;
	[tilespmem:$0x1C680] =	vst v63  }
0x49: {  	s7 =	simm.s32 $0x3680  }
0x4a: {  	[tilespmem:s7], [sflag:$0x1] =	stream.indirect_vreg.gather [hbm4b:s2+s3], $0x80, v3, vm0, $0xb8;
	[tilespmem:$0x1C680] =	vst v63  }
0x4b: {  	s9 =	simm.s32 $0x3E80  }
0x4c: {  	[tilespmem:s9], [sflag:$0x1] =	stream.indirect_vreg.gather [hbm4b:s4+s3], $0x80, v3, vm0, $0xb8;
	[tilespmem:$0x1C680] =	vst v63  }
0x4d: {  	v3 =	vld [tilespmem:$0x20];
	_ =	sdelay $0x4  }
0x4e: {  	v24 =	vshll.u32 v3, $0x2  }
0x4f: {  	v3 =	vand.u32 $0x7, v3;
	v4 =	vand.u32 $0xFFFFFFE0, v24  }
0x50: {  	v3 =	vor.u32 v3, v4  }
0x51: {  	v4 =	vperm.xlane v3, v0;
	_ =	sdelay $0x1  }
0x52: {  	v4 =	vadd.s32 v1, v4;
	_ =	sdelay $0x1  }
0x53: {  	v3 =	vperm.xlane v3, v2;
	_ =	sdelay $0x1  }
0x54: {  	s10 =	simm.s32 $0x4680;
	v3 =	vadd.s32 v1, v3  }
0x55: {  	[tilespmem:s10], [sflag:$0x1] =	stream.indirect_vreg.gather [hbm4b:s2+s3], $0x80, v4, vm0, $0xb8;
	[tilespmem:$0x1C680] =	vst v63  }
0x56: {  	s15 =	simm.s32 $0x4E80  }
0x57: {  	[tilespmem:s15], [sflag:$0x1] =	stream.indirect_vreg.gather [hbm4b:s4+s3], $0x80, v4, vm0, $0xb8;
	[tilespmem:$0x1C680] =	vst v63  }
0x58: {  	s16 =	simm.s32 $0x5680  }
0x59: {  	[tilespmem:s16], [sflag:$0x1] =	stream.indirect_vreg.gather [hbm4b:s2+s3], $0x80, v3, vm0, $0xb8;
	[tilespmem:$0x1C680] =	vst v63  }
0x5a: {  	s17 =	simm.s32 $0x5E80  }
0x5b: {  	[tilespmem:s17], [sflag:$0x1] =	stream.indirect_vreg.gather [hbm4b:s4+s3], $0x80, v3, vm0, $0xb8;
	[tilespmem:$0x1C680] =	vst v63  }
0x5c: {  	v3 =	vld [tilespmem:$0x30];
	_ =	sdelay $0x4  }
0x5d: {  	v25 =	vshll.u32 v3, $0x2  }
0x5e: {  	v3 =	vand.u32 $0x7, v3;
	v4 =	vand.u32 $0xFFFFFFE0, v25  }
0x5f: {  	v3 =	vor.u32 v3, v4  }
0x60: {  	v4 =	vperm.xlane v3, v0;
	_ =	sdelay $0x1  }
0x61: {  	v4 =	vadd.s32 v1, v4;
	_ =	sdelay $0x1  }
0x62: {  	v3 =	vperm.xlane v3, v2;
	_ =	sdelay $0x1  }
0x63: {  	s18 =	simm.s32 $0x6680;
	v3 =	vadd.s32 v1, v3  }
0x64: {  	[tilespmem:s18], [sflag:$0x1] =	stream.indirect_vreg.gather [hbm4b:s2+s3], $0x80, v4, vm0, $0xb8;
	[tilespmem:$0x1C680] =	vst v63  }
0x65: {  	s19 =	simm.s32 $0x6E80  }
0x66: {  	[tilespmem:s19], [sflag:$0x1] =	stream.indirect_vreg.gather [hbm4b:s4+s3], $0x80, v4, vm0, $0xb8;
	[tilespmem:$0x1C680] =	vst v63  }
0x67: {  	s20 =	simm.s32 $0x7680  }
0x68: {  	[tilespmem:s20], [sflag:$0x1] =	stream.indirect_vreg.gather [hbm4b:s2+s3], $0x80, v3, vm0, $0xb8;
	[tilespmem:$0x1C680] =	vst v63  }
0x69: {  	s21 =	simm.s32 $0x7E80  }
0x6a: {  	[tilespmem:s21], [sflag:$0x1] =	stream.indirect_vreg.gather [hbm4b:s4+s3], $0x80, v3, vm0, $0xb8;
	[tilespmem:$0x1C680] =	vst v63  }
0x6b: {  	v3 =	vld [tilespmem:$0x40];
	_ =	sdelay $0x4  }
0x6c: {  	v26 =	vshll.u32 v3, $0x2  }
0x6d: {  	v3 =	vand.u32 $0x7, v3;
	v4 =	vand.u32 $0xFFFFFFE0, v26  }
0x6e: {  	v3 =	vor.u32 v3, v4  }
0x6f: {  	v4 =	vperm.xlane v3, v0;
	_ =	sdelay $0x1  }
0x70: {  	v4 =	vadd.s32 v1, v4;
	_ =	sdelay $0x1  }
0x71: {  	v3 =	vperm.xlane v3, v2;
	_ =	sdelay $0x1  }
0x72: {  	s22 =	simm.s32 $0x8680;
	v3 =	vadd.s32 v1, v3  }
0x73: {  	[tilespmem:s22], [sflag:$0x1] =	stream.indirect_vreg.gather [hbm4b:s2+s3], $0x80, v4, vm0, $0xb8;
	[tilespmem:$0x1C680] =	vst v63  }
0x74: {  	s23 =	simm.s32 $0x8E80  }
0x75: {  	[tilespmem:s23], [sflag:$0x1] =	stream.indirect_vreg.gather [hbm4b:s4+s3], $0x80, v4, vm0, $0xb8;
	[tilespmem:$0x1C680] =	vst v63  }
0x76: {  	s24 =	simm.s32 $0x9680  }
0x77: {  	[tilespmem:s24], [sflag:$0x1] =	stream.indirect_vreg.gather [hbm4b:s2+s3], $0x80, v3, vm0, $0xb8;
	[tilespmem:$0x1C680] =	vst v63  }
0x78: {  	s25 =	simm.s32 $0x9E80  }
0x79: {  	[tilespmem:s25], [sflag:$0x1] =	stream.indirect_vreg.gather [hbm4b:s4+s3], $0x80, v3, vm0, $0xb8;
	[tilespmem:$0x1C680] =	vst v63  }
0x7a: {  	v3 =	vld [tilespmem:$0x50];
	_ =	sdelay $0x4  }
0x7b: {  	v27 =	vshll.u32 v3, $0x2  }
0x7c: {  	v3 =	vand.u32 $0x7, v3;
	v4 =	vand.u32 $0xFFFFFFE0, v27  }
0x7d: {  	v3 =	vor.u32 v3, v4  }
0x7e: {  	v4 =	vperm.xlane v3, v0;
	_ =	sdelay $0x1  }
0x7f: {  	v4 =	vadd.s32 v1, v4;
	_ =	sdelay $0x1  }
0x80: {  	v3 =	vperm.xlane v3, v2;
	_ =	sdelay $0x1  }
0x81: {  	s26 =	simm.s32 $0xA680;
	v3 =	vadd.s32 v1, v3  }
0x82: {  	[tilespmem:s26], [sflag:$0x1] =	stream.indirect_vreg.gather [hbm4b:s2+s3], $0x80, v4, vm0, $0xb8;
	[tilespmem:$0x1C680] =	vst v63  }
0x83: {  	s28 =	simm.s32 $0xAE80  }
0x84: {  	[tilespmem:s28], [sflag:$0x1] =	stream.indirect_vreg.gather [hbm4b:s4+s3], $0x80, v4, vm0, $0xb8;
	[tilespmem:$0x1C680] =	vst v63  }
0x85: {  	s29 =	simm.s32 $0xB680  }
0x86: {  	[tilespmem:s29], [sflag:$0x1] =	stream.indirect_vreg.gather [hbm4b:s2+s3], $0x80, v3, vm0, $0xb8;
	[tilespmem:$0x1C680] =	vst v63  }
0x87: {  	s30 =	simm.s32 $0xBE80  }
0x88: {  	[tilespmem:s30], [sflag:$0x1] =	stream.indirect_vreg.gather [hbm4b:s4+s3], $0x80, v3, vm0, $0xb8;
	[tilespmem:$0x1C680] =	vst v63  }
0x89: {  	v3 =	vld [tilespmem:$0x60];
	_ =	sdelay $0x4  }
0x8a: {  	v28 =	vshll.u32 v3, $0x2  }
0x8b: {  	v3 =	vand.u32 $0x7, v3;
	v4 =	vand.u32 $0xFFFFFFE0, v28  }
0x8c: {  	v3 =	vor.u32 v3, v4  }
0x8d: {  	v4 =	vperm.xlane v3, v0;
	_ =	sdelay $0x1  }
0x8e: {  	v4 =	vadd.s32 v1, v4;
	_ =	sdelay $0x1  }
0x8f: {  	v3 =	vperm.xlane v3, v2;
	_ =	sdelay $0x1  }
0x90: {  	s31 =	simm.s32 $0xC680;
	v3 =	vadd.s32 v1, v3  }
0x91: {  	[tilespmem:s31], [sflag:$0x1] =	stream.indirect_vreg.gather [hbm4b:s2+s3], $0x80, v4, vm0, $0xb8;
	[tilespmem:$0x1C680] =	vst v63  }
0x92: {  	s5 =	simm.s32 $0xCE80  }
0x93: {  	[tilespmem:s5], [sflag:$0x1] =	stream.indirect_vreg.gather [hbm4b:s4+s3], $0x80, v4, vm0, $0xb8;
	[tilespmem:$0x1C680] =	vst v63  }
0x94: {  	s15 =	simm.s32 $0xD680  }
0x95: {  	[tilespmem:s15], [sflag:$0x1] =	stream.indirect_vreg.gather [hbm4b:s2+s3], $0x80, v3, vm0, $0xb8;
	[tilespmem:$0x1C680] =	vst v63  }
0x96: {  	s16 =	simm.s32 $0xDE80  }
0x97: {  	[tilespmem:s16], [sflag:$0x1] =	stream.indirect_vreg.gather [hbm4b:s4+s3], $0x80, v3, vm0, $0xb8;
	[tilespmem:$0x1C680] =	vst v63  }
0x98: {  	v3 =	vld [tilespmem:$0x70];
	_ =	sdelay $0x4  }
0x99: {  	v29 =	vshll.u32 v3, $0x2  }
0x9a: {  	v3 =	vand.u32 $0x7, v3;
	v4 =	vand.u32 $0xFFFFFFE0, v29  }
0x9b: {  	v3 =	vor.u32 v3, v4  }
0x9c: {  	v4 =	vperm.xlane v3, v0;
	_ =	sdelay $0x1  }
0x9d: {  	v4 =	vadd.s32 v1, v4;
	_ =	sdelay $0x1  }
0x9e: {  	v3 =	vperm.xlane v3, v2;
	_ =	sdelay $0x1  }
0x9f: {  	s0 =	simm.s32 $0xE680;
	v3 =	vadd.s32 v1, v3  }
0xa0: {  	[tilespmem:s0], [sflag:$0x2] =	stream.indirect_vreg.gather [hbm4b:s2+s3], $0x80, v4, vm0, $0xb8;
	[tilespmem:$0x1C680] =	vst v63  }
0xa1: {  	s18 =	simm.s32 $0xEE80  }
0xa2: {  	[tilespmem:s18], [sflag:$0x2] =	stream.indirect_vreg.gather [hbm4b:s4+s3], $0x80, v4, vm0, $0xb8;
	[tilespmem:$0x1C680] =	vst v63  }
0xa3: {  	s19 =	simm.s32 $0xF680  }
0xa4: {  	[tilespmem:s19], [sflag:$0x2] =	stream.indirect_vreg.gather [hbm4b:s2+s3], $0x80, v3, vm0, $0xb8;
	[tilespmem:$0x1C680] =	vst v63  }
0xa5: {  	s20 =	simm.s32 $0xFE80  }
0xa6: {  	[tilespmem:s20], [sflag:$0x2] =	stream.indirect_vreg.gather [hbm4b:s4+s3], $0x80, v3, vm0, $0xb8;
	[tilespmem:$0x1C680] =	vst v63  }
0xa7: {  	v3 =	vld [tilespmem:$0x80];
	_ =	sdelay $0x4  }
0xa8: {  	v30 =	vshll.u32 v3, $0x2  }
0xa9: {  	v3 =	vand.u32 $0x7, v3;
	v4 =	vand.u32 $0xFFFFFFE0, v30  }
0xaa: {  	v3 =	vor.u32 v3, v4  }
0xab: {  	v4 =	vperm.xlane v3, v0;
	_ =	sdelay $0x1  }
0xac: {  	v4 =	vadd.s32 v1, v4;
	_ =	sdelay $0x1  }
0xad: {  	v3 =	vperm.xlane v3, v2;
	_ =	sdelay $0x1  }
0xae: {  	s21 =	simm.s32 $0x10680;
	v3 =	vadd.s32 v1, v3  }
0xaf: {  	[tilespmem:s21], [sflag:$0x2] =	stream.indirect_vreg.gather [hbm4b:s2+s3], $0x80, v4, vm0, $0xb8;
	[tilespmem:$0x1C680] =	vst v63  }
0xb0: {  	s22 =	simm.s32 $0x10E80  }
0xb1: {  	[tilespmem:s22], [sflag:$0x2] =	stream.indirect_vreg.gather [hbm4b:s4+s3], $0x80, v4, vm0, $0xb8;
	[tilespmem:$0x1C680] =	vst v63  }
0xb2: {  	s23 =	simm.s32 $0x11680  }
0xb3: {  	[tilespmem:s23], [sflag:$0x2] =	stream.indirect_vreg.gather [hbm4b:s2+s3], $0x80, v3, vm0, $0xb8;
	[tilespmem:$0x1C680] =	vst v63  }
0xb4: {  	s24 =	simm.s32 $0x11E80  }
0xb5: {  	[tilespmem:s24], [sflag:$0x2] =	stream.indirect_vreg.gather [hbm4b:s4+s3], $0x80, v3, vm0, $0xb8;
	[tilespmem:$0x1C680] =	vst v63  }
0xb6: {  	v3 =	vld [tilespmem:$0x90];
	_ =	sdelay $0x4  }
0xb7: {  	v31 =	vshll.u32 v3, $0x2  }
0xb8: {  	v3 =	vand.u32 $0x7, v3;
	v4 =	vand.u32 $0xFFFFFFE0, v31  }
0xb9: {  	v3 =	vor.u32 v3, v4  }
0xba: {  	v4 =	vperm.xlane v3, v0;
	_ =	sdelay $0x1  }
0xbb: {  	v4 =	vadd.s32 v1, v4;
	_ =	sdelay $0x1  }
0xbc: {  	v3 =	vperm.xlane v3, v2;
	_ =	sdelay $0x1  }
0xbd: {  	s25 =	simm.s32 $0x12680;
	v3 =	vadd.s32 v1, v3  }
0xbe: {  	[tilespmem:s25], [sflag:$0x2] =	stream.indirect_vreg.gather [hbm4b:s2+s3], $0x80, v4, vm0, $0xb8;
	[tilespmem:$0x1C680] =	vst v63  }
0xbf: {  	s26 =	simm.s32 $0x12E80  }
0xc0: {  	[tilespmem:s26], [sflag:$0x2] =	stream.indirect_vreg.gather [hbm4b:s4+s3], $0x80, v4, vm0, $0xb8;
	[tilespmem:$0x1C680] =	vst v63  }
0xc1: {  	s28 =	simm.s32 $0x13680  }
0xc2: {  	[tilespmem:s28], [sflag:$0x2] =	stream.indirect_vreg.gather [hbm4b:s2+s3], $0x80, v3, vm0, $0xb8;
	[tilespmem:$0x1C680] =	vst v63  }
0xc3: {  	s29 =	simm.s32 $0x13E80  }
0xc4: {  	[tilespmem:s29], [sflag:$0x2] =	stream.indirect_vreg.gather [hbm4b:s4+s3], $0x80, v3, vm0, $0xb8;
	[tilespmem:$0x1C680] =	vst v63  }
0xc5: {  	v3 =	vld [tilespmem:$0xA0];
	_ =	sdelay $0x4  }
0xc6: {  	v32 =	vshll.u32 v3, $0x2  }
0xc7: {  	v3 =	vand.u32 $0x7, v3;
	v4 =	vand.u32 $0xFFFFFFE0, v32  }
0xc8: {  	v3 =	vor.u32 v3, v4  }
0xc9: {  	v4 =	vperm.xlane v3, v0;
	_ =	sdelay $0x1  }
0xca: {  	v4 =	vadd.s32 v1, v4;
	_ =	sdelay $0x1  }
0xcb: {  	v3 =	vperm.xlane v3, v2;
	_ =	sdelay $0x1  }
0xcc: {  	s30 =	simm.s32 $0x14680;
	v3 =	vadd.s32 v1, v3  }
0xcd: {  	[tilespmem:s30], [sflag:$0x2] =	stream.indirect_vreg.gather [hbm4b:s2+s3], $0x80, v4, vm0, $0xb8;
	[tilespmem:$0x1C680] =	vst v63  }
0xce: {  	s31 =	simm.s32 $0x14E80  }
0xcf: {  	[tilespmem:s31], [sflag:$0x2] =	stream.indirect_vreg.gather [hbm4b:s4+s3], $0x80, v4, vm0, $0xb8;
	[tilespmem:$0x1C680] =	vst v63  }
0xd0: {  	s5 =	simm.s32 $0x15680  }
0xd1: {  	[tilespmem:s5], [sflag:$0x2] =	stream.indirect_vreg.gather [hbm4b:s2+s3], $0x80, v3, vm0, $0xb8;
	[tilespmem:$0x1C680] =	vst v63  }
0xd2: {  	s18 =	simm.s32 $0x15E80  }
0xd3: {  	[tilespmem:s18], [sflag:$0x2] =	stream.indirect_vreg.gather [hbm4b:s4+s3], $0x80, v3, vm0, $0xb8;
	[tilespmem:$0x1C680] =	vst v63  }
0xd4: {  	v3 =	vld [tilespmem:$0xB0];
	_ =	sdelay $0x4  }
0xd5: {  	v33 =	vshll.u32 v3, $0x2  }
0xd6: {  	v3 =	vand.u32 $0x7, v3;
	v4 =	vand.u32 $0xFFFFFFE0, v33  }
0xd7: {  	v3 =	vor.u32 v3, v4  }
0xd8: {  	v4 =	vperm.xlane v3, v0;
	_ =	sdelay $0x1  }
0xd9: {  	v4 =	vadd.s32 v1, v4;
	_ =	sdelay $0x1  }
0xda: {  	v3 =	vperm.xlane v3, v2;
	_ =	sdelay $0x1  }
0xdb: {  	s19 =	simm.s32 $0x16680;
	v3 =	vadd.s32 v1, v3  }
0xdc: {  	[tilespmem:s19], [sflag:$0x2] =	stream.indirect_vreg.gather [hbm4b:s2+s3], $0x80, v4, vm0, $0xb8;
	[tilespmem:$0x1C680] =	vst v63  }
0xdd: {  	s20 =	simm.s32 $0x16E80  }
0xde: {  	[tilespmem:s20], [sflag:$0x2] =	stream.indirect_vreg.gather [hbm4b:s4+s3], $0x80, v4, vm0, $0xb8;
	[tilespmem:$0x1C680] =	vst v63  }
0xdf: {  	s21 =	simm.s32 $0x17680  }
0xe0: {  	[tilespmem:s21], [sflag:$0x2] =	stream.indirect_vreg.gather [hbm4b:s2+s3], $0x80, v3, vm0, $0xb8;
	[tilespmem:$0x1C680] =	vst v63  }
0xe1: {  	s22 =	simm.s32 $0x17E80  }
0xe2: {  	[tilespmem:s22], [sflag:$0x2] =	stream.indirect_vreg.gather [hbm4b:s4+s3], $0x80, v3, vm0, $0xb8;
	[tilespmem:$0x1C680] =	vst v63  }
0xe3: {  	v3 =	vld [tilespmem:$0xC0];
	_ =	sdelay $0x4  }
0xe4: {  	v34 =	vshll.u32 v3, $0x2  }
0xe5: {  	v3 =	vand.u32 $0x7, v3;
	v4 =	vand.u32 $0xFFFFFFE0, v34  }
0xe6: {  	v3 =	vor.u32 v3, v4  }
0xe7: {  	v4 =	vperm.xlane v3, v0;
	_ =	sdelay $0x1  }
0xe8: {  	v4 =	vadd.s32 v1, v4;
	_ =	sdelay $0x1  }
0xe9: {  	v3 =	vperm.xlane v3, v2;
	_ =	sdelay $0x1  }
0xea: {  	s23 =	simm.s32 $0x18680;
	v3 =	vadd.s32 v1, v3  }
0xeb: {  	[tilespmem:s23], [sflag:$0x2] =	stream.indirect_vreg.gather [hbm4b:s2+s3], $0x80, v4, vm0, $0xb8;
	[tilespmem:$0x1C680] =	vst v63  }
0xec: {  	s24 =	simm.s32 $0x18E80  }
0xed: {  	[tilespmem:s24], [sflag:$0x2] =	stream.indirect_vreg.gather [hbm4b:s4+s3], $0x80, v4, vm0, $0xb8;
	[tilespmem:$0x1C680] =	vst v63  }
0xee: {  	s25 =	simm.s32 $0x19680  }
0xef: {  	[tilespmem:s25], [sflag:$0x2] =	stream.indirect_vreg.gather [hbm4b:s2+s3], $0x80, v3, vm0, $0xb8;
	[tilespmem:$0x1C680] =	vst v63  }
0xf0: {  	s26 =	simm.s32 $0x19E80  }
0xf1: {  	[tilespmem:s26], [sflag:$0x2] =	stream.indirect_vreg.gather [hbm4b:s4+s3], $0x80, v3, vm0, $0xb8;
	[tilespmem:$0x1C680] =	vst v63  }
0xf2: {  	v3 =	vld [tilespmem:$0xD0];
	_ =	sdelay $0x4  }
0xf3: {  	v35 =	vshll.u32 v3, $0x2  }
0xf4: {  	v3 =	vand.u32 $0x7, v3;
	v4 =	vand.u32 $0xFFFFFFE0, v35  }
0xf5: {  	v3 =	vor.u32 v3, v4  }
0xf6: {  	v4 =	vperm.xlane v3, v0;
	_ =	sdelay $0x1  }
0xf7: {  	v4 =	vadd.s32 v1, v4;
	_ =	sdelay $0x1  }
0xf8: {  	v3 =	vperm.xlane v3, v2;
	_ =	sdelay $0x1  }
0xf9: {  	s28 =	simm.s32 $0x1A680;
	v3 =	vadd.s32 v1, v3  }
0xfa: {  	[tilespmem:s28], [sflag:$0x2] =	stream.indirect_vreg.gather [hbm4b:s2+s3], $0x80, v4, vm0, $0xb8;
	[tilespmem:$0x1C680] =	vst v63  }
0xfb: {  	s29 =	simm.s32 $0x1AE80  }
0xfc: {  	[tilespmem:s29], [sflag:$0x2] =	stream.indirect_vreg.gather [hbm4b:s4+s3], $0x80, v4, vm0, $0xb8;
	[tilespmem:$0x1C680] =	vst v63  }
0xfd: {  	s30 =	simm.s32 $0x1B680  }
0xfe: {  	[tilespmem:s30], [sflag:$0x2] =	stream.indirect_vreg.gather [hbm4b:s2+s3], $0x80, v3, vm0, $0xb8;
	[tilespmem:$0x1C680] =	vst v63  }
0xff: {  	s31 =	simm.s32 $0x1BE80  }
0x100: {  	[tilespmem:s31], [sflag:$0x2] =	stream.indirect_vreg.gather [hbm4b:s4+s3], $0x80, v3, vm0, $0xb8;
	[tilespmem:$0x1C680] =	vst v63  }
0x101: {  	_ =	swait.ge [sflag:s11], $0xE000  }
0x102: {  	[sflag:s11] =	ssyncset.done $0x0  }
0x103: {  	s5 =	rddreg [dreg:$0x6];
	[sflag:s11] =	ssyncadd.s32 $0xFFFF2000  }
0x104: {  	[hbm4b:s5+s3] =	stream.linear.scatter [tilespmem:s8], [sflag:$0x3], $0xE000, $0x38;
	[tilespmem:$0x1C680] =	vst v63  }
0x105: {  	_ =	swait.ge [sflag:s12], $0xE000  }
0x106: {  	[sflag:s12] =	ssyncset.done $0x0  }
0x107: {  	[sflag:s12] =	ssyncadd.s32 $0xFFFF2000  }
0x108: {  	v3 =	vld [tilespmem:$0xE0];
	_ =	sdelay $0x4  }
0x109: {  	v36 =	vshll.u32 v3, $0x2  }
0x10a: {  	v3 =	vand.u32 $0x7, v3;
	v4 =	vand.u32 $0xFFFFFFE0, v36  }
0x10b: {  	v3 =	vor.u32 v3, v4  }
0x10c: {  	v4 =	vperm.xlane v3, v0;
	_ =	sdelay $0x1  }
0x10d: {  	v4 =	vadd.s32 v1, v4;
	_ =	sdelay $0x1  }
0x10e: {  	v3 =	vperm.xlane v3, v2;
	_ =	sdelay $0x1  }
0x10f: {  	v3 =	vadd.s32 v1, v3  }
0x110: {  	[tilespmem:s8], [sflag:$0x1] =	stream.indirect_vreg.gather [hbm4b:s2+s3], $0x80, v4, vm0, $0xb8;
	[tilespmem:$0x1C680] =	vst v63  }
0x111: {  	s5 =	simm.s32 $0xE80  }
0x112: {  	[tilespmem:s5], [sflag:$0x1] =	stream.indirect_vreg.gather [hbm4b:s4+s3], $0x80, v4, vm0, $0xb8;
	[tilespmem:$0x1C680] =	vst v63  }
0x113: {  	s18 =	simm.s32 $0x1680  }
0x114: {  	[tilespmem:s18], [sflag:$0x1] =	stream.indirect_vreg.gather [hbm4b:s2+s3], $0x80, v3, vm0, $0xb8;
	[tilespmem:$0x1C680] =	vst v63  }
0x115: {  	s1 =	simm.s32 $0x1E80  }
0x116: {  	[tilespmem:s1], [sflag:$0x1] =	stream.indirect_vreg.gather [hbm4b:s4+s3], $0x80, v3, vm0, $0xb8;
	[tilespmem:$0x1C680] =	vst v63  }
0x117: {  	v3 =	vld [tilespmem:$0xF0];
	_ =	sdelay $0x4  }
0x118: {  	v37 =	vshll.u32 v3, $0x2  }
0x119: {  	v3 =	vand.u32 $0x7, v3;
	v4 =	vand.u32 $0xFFFFFFE0, v37  }
0x11a: {  	v3 =	vor.u32 v3, v4  }
0x11b: {  	v4 =	vperm.xlane v3, v0;
	_ =	sdelay $0x1  }
0x11c: {  	v4 =	vadd.s32 v1, v4;
	_ =	sdelay $0x1  }
0x11d: {  	v3 =	vperm.xlane v3, v2;
	_ =	sdelay $0x1  }
0x11e: {  	s19 =	simm.s32 $0x2680;
	v3 =	vadd.s32 v1, v3  }
0x11f: {  	[tilespmem:s19], [sflag:$0x1] =	stream.indirect_vreg.gather [hbm4b:s2+s3], $0x80, v4, vm0, $0xb8;
	[tilespmem:$0x1C680] =	vst v63  }
0x120: {  	s20 =	simm.s32 $0x2E80  }
0x121: {  	[tilespmem:s20], [sflag:$0x1] =	stream.indirect_vreg.gather [hbm4b:s4+s3], $0x80, v4, vm0, $0xb8;
	[tilespmem:$0x1C680] =	vst v63  }
0x122: {  	s21 =	simm.s32 $0x3680  }
0x123: {  	[tilespmem:s21], [sflag:$0x1] =	stream.indirect_vreg.gather [hbm4b:s2+s3], $0x80, v3, vm0, $0xb8;
	[tilespmem:$0x1C680] =	vst v63  }
0x124: {  	s6 =	simm.s32 $0x3E80  }
0x125: {  	[tilespmem:s6], [sflag:$0x1] =	stream.indirect_vreg.gather [hbm4b:s4+s3], $0x80, v3, vm0, $0xb8;
	[tilespmem:$0x1C680] =	vst v63  }
0x126: {  	v3 =	vld [tilespmem:$0x100];
	_ =	sdelay $0x4  }
0x127: {  	v38 =	vshll.u32 v3, $0x2  }
0x128: {  	v3 =	vand.u32 $0x7, v3;
	v4 =	vand.u32 $0xFFFFFFE0, v38  }
0x129: {  	v3 =	vor.u32 v3, v4  }
0x12a: {  	v4 =	vperm.xlane v3, v0;
	_ =	sdelay $0x1  }
0x12b: {  	v4 =	vadd.s32 v1, v4;
	_ =	sdelay $0x1  }
0x12c: {  	v3 =	vperm.xlane v3, v2;
	_ =	sdelay $0x1  }
0x12d: {  	s22 =	simm.s32 $0x4680;
	v3 =	vadd.s32 v1, v3  }
0x12e: {  	[tilespmem:s22], [sflag:$0x1] =	stream.indirect_vreg.gather [hbm4b:s2+s3], $0x80, v4, vm0, $0xb8;
	[tilespmem:$0x1C680] =	vst v63  }
0x12f: {  	s23 =	simm.s32 $0x4E80  }
0x130: {  	[tilespmem:s23], [sflag:$0x1] =	stream.indirect_vreg.gather [hbm4b:s4+s3], $0x80, v4, vm0, $0xb8;
	[tilespmem:$0x1C680] =	vst v63  }
0x131: {  	s24 =	simm.s32 $0x5680  }
0x132: {  	[tilespmem:s24], [sflag:$0x1] =	stream.indirect_vreg.gather [hbm4b:s2+s3], $0x80, v3, vm0, $0xb8;
	[tilespmem:$0x1C680] =	vst v63  }
0x133: {  	s7 =	simm.s32 $0x5E80  }
0x134: {  	[tilespmem:s7], [sflag:$0x1] =	stream.indirect_vreg.gather [hbm4b:s4+s3], $0x80, v3, vm0, $0xb8;
	[tilespmem:$0x1C680] =	vst v63  }
0x135: {  	v3 =	vld [tilespmem:$0x110];
	_ =	sdelay $0x4  }
0x136: {  	v39 =	vshll.u32 v3, $0x2  }
0x137: {  	v3 =	vand.u32 $0x7, v3;
	v4 =	vand.u32 $0xFFFFFFE0, v39  }
0x138: {  	v3 =	vor.u32 v3, v4  }
0x139: {  	v4 =	vperm.xlane v3, v0;
	_ =	sdelay $0x1  }
0x13a: {  	v4 =	vadd.s32 v1, v4;
	_ =	sdelay $0x1  }
0x13b: {  	v3 =	vperm.xlane v3, v2;
	_ =	sdelay $0x1  }
0x13c: {  	s25 =	simm.s32 $0x6680;
	v3 =	vadd.s32 v1, v3  }
0x13d: {  	[tilespmem:s25], [sflag:$0x1] =	stream.indirect_vreg.gather [hbm4b:s2+s3], $0x80, v4, vm0, $0xb8;
	[tilespmem:$0x1C680] =	vst v63  }
0x13e: {  	s26 =	simm.s32 $0x6E80  }
0x13f: {  	[tilespmem:s26], [sflag:$0x1] =	stream.indirect_vreg.gather [hbm4b:s4+s3], $0x80, v4, vm0, $0xb8;
	[tilespmem:$0x1C680] =	vst v63  }
0x140: {  	s28 =	simm.s32 $0x7680  }
0x141: {  	[tilespmem:s28], [sflag:$0x1] =	stream.indirect_vreg.gather [hbm4b:s2+s3], $0x80, v3, vm0, $0xb8;
	[tilespmem:$0x1C680] =	vst v63  }
0x142: {  	s9 =	simm.s32 $0x7E80  }
0x143: {  	[tilespmem:s9], [sflag:$0x1] =	stream.indirect_vreg.gather [hbm4b:s4+s3], $0x80, v3, vm0, $0xb8;
	[tilespmem:$0x1C680] =	vst v63  }
0x144: {  	v3 =	vld [tilespmem:$0x120];
	_ =	sdelay $0x4  }
0x145: {  	v40 =	vshll.u32 v3, $0x2  }
0x146: {  	v3 =	vand.u32 $0x7, v3;
	v4 =	vand.u32 $0xFFFFFFE0, v40  }
0x147: {  	v3 =	vor.u32 v3, v4  }
0x148: {  	v4 =	vperm.xlane v3, v0;
	_ =	sdelay $0x1  }
0x149: {  	v4 =	vadd.s32 v1, v4;
	_ =	sdelay $0x1  }
0x14a: {  	v3 =	vperm.xlane v3, v2;
	_ =	sdelay $0x1  }
0x14b: {  	s29 =	simm.s32 $0x8680;
	v3 =	vadd.s32 v1, v3  }
0x14c: {  	[tilespmem:s29], [sflag:$0x1] =	stream.indirect_vreg.gather [hbm4b:s2+s3], $0x80, v4, vm0, $0xb8;
	[tilespmem:$0x1C680] =	vst v63  }
0x14d: {  	s30 =	simm.s32 $0x8E80  }
0x14e: {  	[tilespmem:s30], [sflag:$0x1] =	stream.indirect_vreg.gather [hbm4b:s4+s3], $0x80, v4, vm0, $0xb8;
	[tilespmem:$0x1C680] =	vst v63  }
0x14f: {  	s31 =	simm.s32 $0x9680  }
0x150: {  	[tilespmem:s31], [sflag:$0x1] =	stream.indirect_vreg.gather [hbm4b:s2+s3], $0x80, v3, vm0, $0xb8;
	[tilespmem:$0x1C680] =	vst v63  }
0x151: {  	s10 =	simm.s32 $0x9E80  }
0x152: {  	[tilespmem:s10], [sflag:$0x1] =	stream.indirect_vreg.gather [hbm4b:s4+s3], $0x80, v3, vm0, $0xb8;
	[tilespmem:$0x1C680] =	vst v63  }
0x153: {  	v3 =	vld [tilespmem:$0x130];
	_ =	sdelay $0x4  }
0x154: {  	v41 =	vshll.u32 v3, $0x2  }
0x155: {  	v3 =	vand.u32 $0x7, v3;
	v4 =	vand.u32 $0xFFFFFFE0, v41  }
0x156: {  	v3 =	vor.u32 v3, v4  }
0x157: {  	v4 =	vperm.xlane v3, v0;
	_ =	sdelay $0x1  }
0x158: {  	v4 =	vadd.s32 v1, v4;
	_ =	sdelay $0x1  }
0x159: {  	v3 =	vperm.xlane v3, v2;
	_ =	sdelay $0x1  }
0x15a: {  	s1 =	simm.s32 $0xA680;
	v3 =	vadd.s32 v1, v3  }
0x15b: {  	[tilespmem:s1], [sflag:$0x1] =	stream.indirect_vreg.gather [hbm4b:s2+s3], $0x80, v4, vm0, $0xb8;
	[tilespmem:$0x1C680] =	vst v63  }
0x15c: {  	s6 =	simm.s32 $0xAE80  }
0x15d: {  	[tilespmem:s6], [sflag:$0x1] =	stream.indirect_vreg.gather [hbm4b:s4+s3], $0x80, v4, vm0, $0xb8;
	[tilespmem:$0x1C680] =	vst v63  }
0x15e: {  	s7 =	simm.s32 $0xB680  }
0x15f: {  	[tilespmem:s7], [sflag:$0x1] =	stream.indirect_vreg.gather [hbm4b:s2+s3], $0x80, v3, vm0, $0xb8;
	[tilespmem:$0x1C680] =	vst v63  }
0x160: {  	s17 =	simm.s32 $0xBE80  }
0x161: {  	[tilespmem:s17], [sflag:$0x1] =	stream.indirect_vreg.gather [hbm4b:s4+s3], $0x80, v3, vm0, $0xb8;
	[tilespmem:$0x1C680] =	vst v63  }
0x162: {  	v3 =	vld [tilespmem:$0x140];
	_ =	sdelay $0x4  }
0x163: {  	v42 =	vshll.u32 v3, $0x2  }
0x164: {  	v3 =	vand.u32 $0x7, v3;
	v4 =	vand.u32 $0xFFFFFFE0, v42  }
0x165: {  	v3 =	vor.u32 v3, v4  }
0x166: {  	v4 =	vperm.xlane v3, v0;
	_ =	sdelay $0x1  }
0x167: {  	v4 =	vadd.s32 v1, v4;
	_ =	sdelay $0x1  }
0x168: {  	v3 =	vperm.xlane v3, v2;
	_ =	sdelay $0x1  }
0x169: {  	s9 =	simm.s32 $0xC680;
	v3 =	vadd.s32 v1, v3  }
0x16a: {  	[tilespmem:s9], [sflag:$0x1] =	stream.indirect_vreg.gather [hbm4b:s2+s3], $0x80, v4, vm0, $0xb8;
	[tilespmem:$0x1C680] =	vst v63  }
0x16b: {  	s10 =	simm.s32 $0xCE80  }
0x16c: {  	[tilespmem:s10], [sflag:$0x1] =	stream.indirect_vreg.gather [hbm4b:s4+s3], $0x80, v4, vm0, $0xb8;
	[tilespmem:$0x1C680] =	vst v63  }
0x16d: {  	s17 =	simm.s32 $0xD680  }
0x16e: {  	[tilespmem:s17], [sflag:$0x1] =	stream.indirect_vreg.gather [hbm4b:s2+s3], $0x80, v3, vm0, $0xb8;
	[tilespmem:$0x1C680] =	vst v63  }
0x16f: {  	s16 =	simm.s32 $0xDE80  }
0x170: {  	[tilespmem:s16], [sflag:$0x1] =	stream.indirect_vreg.gather [hbm4b:s4+s3], $0x80, v3, vm0, $0xb8;
	[tilespmem:$0x1C680] =	vst v63  }
0x171: {  	_ =	swait.ge [sflag:s13], $0xE000  }
0x172: {  	[sflag:s13] =	ssyncset.done $0x0  }
0x173: {  	s16 =	rddreg [dreg:$0x7];
	[sflag:s13] =	ssyncadd.s32 $0xFFFF2000  }
0x174: {  	[hbm4b:s16+s3] =	stream.linear.scatter [tilespmem:s0], [sflag:$0x4], $0xE000, $0x38;
	[tilespmem:$0x1C680] =	vst v63  }
0x175: {  	_ =	swait.ge [sflag:s14], $0xE000  }
0x176: {  	[sflag:s14] =	ssyncset.done $0x0  }
0x177: {  	[sflag:s14] =	ssyncadd.s32 $0xFFFF2000  }
0x178: {  	v3 =	vld [tilespmem:$0x150];
	_ =	sdelay $0x4  }
0x179: {  	v43 =	vshll.u32 v3, $0x2  }
0x17a: {  	v3 =	vand.u32 $0x7, v3;
	v4 =	vand.u32 $0xFFFFFFE0, v43  }
0x17b: {  	v3 =	vor.u32 v3, v4  }
0x17c: {  	v4 =	vperm.xlane v3, v0;
	_ =	sdelay $0x1  }
0x17d: {  	v4 =	vadd.s32 v1, v4;
	_ =	sdelay $0x1  }
0x17e: {  	v3 =	vperm.xlane v3, v2;
	_ =	sdelay $0x1  }
0x17f: {  	v3 =	vadd.s32 v1, v3  }
0x180: {  	[tilespmem:s0], [sflag:$0x2] =	stream.indirect_vreg.gather [hbm4b:s2+s3], $0x80, v4, vm0, $0xb8;
	[tilespmem:$0x1C680] =	vst v63  }
0x181: {  	s16 =	simm.s32 $0xEE80  }
0x182: {  	[tilespmem:s16], [sflag:$0x2] =	stream.indirect_vreg.gather [hbm4b:s4+s3], $0x80, v4, vm0, $0xb8;
	[tilespmem:$0x1C680] =	vst v63  }
0x183: {  	s15 =	simm.s32 $0xF680  }
0x184: {  	[tilespmem:s15], [sflag:$0x2] =	stream.indirect_vreg.gather [hbm4b:s2+s3], $0x80, v3, vm0, $0xb8;
	[tilespmem:$0x1C680] =	vst v63  }
0x185: {  	s15 =	simm.s32 $0xFE80  }
0x186: {  	[tilespmem:s15], [sflag:$0x2] =	stream.indirect_vreg.gather [hbm4b:s4+s3], $0x80, v3, vm0, $0xb8;
	[tilespmem:$0x1C680] =	vst v63  }
0x187: {  	v3 =	vld [tilespmem:$0x160];
	_ =	sdelay $0x4  }
0x188: {  	v44 =	vshll.u32 v3, $0x2  }
0x189: {  	v3 =	vand.u32 $0x7, v3;
	v4 =	vand.u32 $0xFFFFFFE0, v44  }
0x18a: {  	v3 =	vor.u32 v3, v4  }
0x18b: {  	v4 =	vperm.xlane v3, v0;
	_ =	sdelay $0x1  }
0x18c: {  	v4 =	vadd.s32 v1, v4;
	_ =	sdelay $0x1  }
0x18d: {  	v3 =	vperm.xlane v3, v2;
	_ =	sdelay $0x1  }
0x18e: {  	s15 =	simm.s32 $0x10680;
	v3 =	vadd.s32 v1, v3  }
0x18f: {  	[tilespmem:s15], [sflag:$0x2] =	stream.indirect_vreg.gather [hbm4b:s2+s3], $0x80, v4, vm0, $0xb8;
	[tilespmem:$0x1C680] =	vst v63  }
0x190: {  	s15 =	simm.s32 $0x10E80  }
0x191: {  	[tilespmem:s15], [sflag:$0x2] =	stream.indirect_vreg.gather [hbm4b:s4+s3], $0x80, v4, vm0, $0xb8;
	[tilespmem:$0x1C680] =	vst v63  }
0x192: {  	s15 =	simm.s32 $0x11680  }
0x193: {  	[tilespmem:s15], [sflag:$0x2] =	stream.indirect_vreg.gather [hbm4b:s2+s3], $0x80, v3, vm0, $0xb8;
	[tilespmem:$0x1C680] =	vst v63  }
0x194: {  	s15 =	simm.s32 $0x11E80  }
0x195: {  	[tilespmem:s15], [sflag:$0x2] =	stream.indirect_vreg.gather [hbm4b:s4+s3], $0x80, v3, vm0, $0xb8;
	[tilespmem:$0x1C680] =	vst v63  }
0x196: {  	v3 =	vld [tilespmem:$0x170];
	_ =	sdelay $0x4  }
0x197: {  	v45 =	vshll.u32 v3, $0x2  }
0x198: {  	v3 =	vand.u32 $0x7, v3;
	v4 =	vand.u32 $0xFFFFFFE0, v45  }
0x199: {  	v3 =	vor.u32 v3, v4  }
0x19a: {  	v4 =	vperm.xlane v3, v0;
	_ =	sdelay $0x1  }
0x19b: {  	v4 =	vadd.s32 v1, v4;
	_ =	sdelay $0x1  }
0x19c: {  	v3 =	vperm.xlane v3, v2;
	_ =	sdelay $0x1  }
0x19d: {  	s15 =	simm.s32 $0x12680;
	v3 =	vadd.s32 v1, v3  }
0x19e: {  	[tilespmem:s15], [sflag:$0x2] =	stream.indirect_vreg.gather [hbm4b:s2+s3], $0x80, v4, vm0, $0xb8;
	[tilespmem:$0x1C680] =	vst v63  }
0x19f: {  	s15 =	simm.s32 $0x12E80  }
0x1a0: {  	[tilespmem:s15], [sflag:$0x2] =	stream.indirect_vreg.gather [hbm4b:s4+s3], $0x80, v4, vm0, $0xb8;
	[tilespmem:$0x1C680] =	vst v63  }
0x1a1: {  	s15 =	simm.s32 $0x13680  }
0x1a2: {  	[tilespmem:s15], [sflag:$0x2] =	stream.indirect_vreg.gather [hbm4b:s2+s3], $0x80, v3, vm0, $0xb8;
	[tilespmem:$0x1C680] =	vst v63  }
0x1a3: {  	s15 =	simm.s32 $0x13E80  }
0x1a4: {  	[tilespmem:s15], [sflag:$0x2] =	stream.indirect_vreg.gather [hbm4b:s4+s3], $0x80, v3, vm0, $0xb8;
	[tilespmem:$0x1C680] =	vst v63  }
0x1a5: {  	v3 =	vld [tilespmem:$0x180];
	_ =	sdelay $0x4  }
0x1a6: {  	v46 =	vshll.u32 v3, $0x2  }
0x1a7: {  	v3 =	vand.u32 $0x7, v3;
	v4 =	vand.u32 $0xFFFFFFE0, v46  }
0x1a8: {  	v3 =	vor.u32 v3, v4  }
0x1a9: {  	v4 =	vperm.xlane v3, v0;
	_ =	sdelay $0x1  }
0x1aa: {  	v4 =	vadd.s32 v1, v4;
	_ =	sdelay $0x1  }
0x1ab: {  	v3 =	vperm.xlane v3, v2;
	_ =	sdelay $0x1  }
0x1ac: {  	s15 =	simm.s32 $0x14680;
	v3 =	vadd.s32 v1, v3  }
0x1ad: {  	[tilespmem:s15], [sflag:$0x2] =	stream.indirect_vreg.gather [hbm4b:s2+s3], $0x80, v4, vm0, $0xb8;
	[tilespmem:$0x1C680] =	vst v63  }
0x1ae: {  	s15 =	simm.s32 $0x14E80  }
0x1af: {  	[tilespmem:s15], [sflag:$0x2] =	stream.indirect_vreg.gather [hbm4b:s4+s3], $0x80, v4, vm0, $0xb8;
	[tilespmem:$0x1C680] =	vst v63  }
0x1b0: {  	s15 =	simm.s32 $0x15680  }
0x1b1: {  	[tilespmem:s15], [sflag:$0x2] =	stream.indirect_vreg.gather [hbm4b:s2+s3], $0x80, v3, vm0, $0xb8;
	[tilespmem:$0x1C680] =	vst v63  }
0x1b2: {  	s15 =	simm.s32 $0x15E80  }
0x1b3: {  	[tilespmem:s15], [sflag:$0x2] =	stream.indirect_vreg.gather [hbm4b:s4+s3], $0x80, v3, vm0, $0xb8;
	[tilespmem:$0x1C680] =	vst v63  }
0x1b4: {  	v3 =	vld [tilespmem:$0x190];
	_ =	sdelay $0x4  }
0x1b5: {  	v47 =	vshll.u32 v3, $0x2  }
0x1b6: {  	v3 =	vand.u32 $0x7, v3;
	v4 =	vand.u32 $0xFFFFFFE0, v47  }
0x1b7: {  	v3 =	vor.u32 v3, v4  }
0x1b8: {  	v4 =	vperm.xlane v3, v0;
	_ =	sdelay $0x1  }
0x1b9: {  	v4 =	vadd.s32 v1, v4;
	_ =	sdelay $0x1  }
0x1ba: {  	v3 =	vperm.xlane v3, v2;
	_ =	sdelay $0x1  }
0x1bb: {  	s15 =	simm.s32 $0x16680;
	v3 =	vadd.s32 v1, v3  }
0x1bc: {  	[tilespmem:s15], [sflag:$0x2] =	stream.indirect_vreg.gather [hbm4b:s2+s3], $0x80, v4, vm0, $0xb8;
	[tilespmem:$0x1C680] =	vst v63  }
0x1bd: {  	s15 =	simm.s32 $0x16E80  }
0x1be: {  	[tilespmem:s15], [sflag:$0x2] =	stream.indirect_vreg.gather [hbm4b:s4+s3], $0x80, v4, vm0, $0xb8;
	[tilespmem:$0x1C680] =	vst v63  }
0x1bf: {  	s15 =	simm.s32 $0x17680  }
0x1c0: {  	[tilespmem:s15], [sflag:$0x2] =	stream.indirect_vreg.gather [hbm4b:s2+s3], $0x80, v3, vm0, $0xb8;
	[tilespmem:$0x1C680] =	vst v63  }
0x1c1: {  	s15 =	simm.s32 $0x17E80  }
0x1c2: {  	[tilespmem:s15], [sflag:$0x2] =	stream.indirect_vreg.gather [hbm4b:s4+s3], $0x80, v3, vm0, $0xb8;
	[tilespmem:$0x1C680] =	vst v63  }
0x1c3: {  	v3 =	vld [tilespmem:$0x1A0];
	_ =	sdelay $0x4  }
0x1c4: {  	v48 =	vshll.u32 v3, $0x2  }
0x1c5: {  	v3 =	vand.u32 $0x7, v3;
	v4 =	vand.u32 $0xFFFFFFE0, v48  }
0x1c6: {  	v3 =	vor.u32 v3, v4  }
0x1c7: {  	v4 =	vperm.xlane v3, v0;
	_ =	sdelay $0x1  }
0x1c8: {  	v4 =	vadd.s32 v1, v4;
	_ =	sdelay $0x1  }
0x1c9: {  	v3 =	vperm.xlane v3, v2;
	_ =	sdelay $0x1  }
0x1ca: {  	s15 =	simm.s32 $0x18680;
	v3 =	vadd.s32 v1, v3  }
0x1cb: {  	[tilespmem:s15], [sflag:$0x2] =	stream.indirect_vreg.gather [hbm4b:s2+s3], $0x80, v4, vm0, $0xb8;
	[tilespmem:$0x1C680] =	vst v63  }
0x1cc: {  	s15 =	simm.s32 $0x18E80  }
0x1cd: {  	[tilespmem:s15], [sflag:$0x2] =	stream.indirect_vreg.gather [hbm4b:s4+s3], $0x80, v4, vm0, $0xb8;
	[tilespmem:$0x1C680] =	vst v63  }
0x1ce: {  	s15 =	simm.s32 $0x19680  }
0x1cf: {  	[tilespmem:s15], [sflag:$0x2] =	stream.indirect_vreg.gather [hbm4b:s2+s3], $0x80, v3, vm0, $0xb8;
	[tilespmem:$0x1C680] =	vst v63  }
0x1d0: {  	s15 =	simm.s32 $0x19E80  }
0x1d1: {  	[tilespmem:s15], [sflag:$0x2] =	stream.indirect_vreg.gather [hbm4b:s4+s3], $0x80, v3, vm0, $0xb8;
	[tilespmem:$0x1C680] =	vst v63  }
0x1d2: {  	v3 =	vld [tilespmem:$0x1B0];
	_ =	sdelay $0x4  }
0x1d3: {  	v49 =	vshll.u32 v3, $0x2  }
0x1d4: {  	v3 =	vand.u32 $0x7, v3;
	v4 =	vand.u32 $0xFFFFFFE0, v49  }
0x1d5: {  	v3 =	vor.u32 v3, v4  }
0x1d6: {  	v4 =	vperm.xlane v3, v0;
	_ =	sdelay $0x1  }
0x1d7: {  	v4 =	vadd.s32 v1, v4;
	_ =	sdelay $0x1  }
0x1d8: {  	v3 =	vperm.xlane v3, v2;
	_ =	sdelay $0x1  }
0x1d9: {  	s15 =	simm.s32 $0x1A680;
	v3 =	vadd.s32 v1, v3  }
0x1da: {  	[tilespmem:s15], [sflag:$0x2] =	stream.indirect_vreg.gather [hbm4b:s2+s3], $0x80, v4, vm0, $0xb8;
	[tilespmem:$0x1C680] =	vst v63  }
0x1db: {  	s15 =	simm.s32 $0x1AE80  }
0x1dc: {  	[tilespmem:s15], [sflag:$0x2] =	stream.indirect_vreg.gather [hbm4b:s4+s3], $0x80, v4, vm0, $0xb8;
	[tilespmem:$0x1C680] =	vst v63  }
0x1dd: {  	s15 =	simm.s32 $0x1B680  }
0x1de: {  	[tilespmem:s15], [sflag:$0x2] =	stream.indirect_vreg.gather [hbm4b:s2+s3], $0x80, v3, vm0, $0xb8;
	[tilespmem:$0x1C680] =	vst v63  }
0x1df: {  	s15 =	simm.s32 $0x1BE80  }
0x1e0: {  	[tilespmem:s15], [sflag:$0x2] =	stream.indirect_vreg.gather [hbm4b:s4+s3], $0x80, v3, vm0, $0xb8;
	[tilespmem:$0x1C680] =	vst v63  }
0x1e1: {  	_ =	swait.ge [sflag:s11], $0xE000  }
0x1e2: {  	[sflag:s11] =	ssyncset.done $0x0  }
0x1e3: {  	s15 =	rddreg [dreg:$0x8];
	[sflag:s11] =	ssyncadd.s32 $0xFFFF2000  }
0x1e4: {  	[hbm4b:s15+s3] =	stream.linear.scatter [tilespmem:s8], [sflag:$0x3], $0xE000, $0x38;
	[tilespmem:$0x1C680] =	vst v63  }
0x1e5: {  	_ =	swait.ge [sflag:s12], $0xE000  }
0x1e6: {  	[sflag:s12] =	ssyncset.done $0x0  }
0x1e7: {  	[sflag:s12] =	ssyncadd.s32 $0xFFFF2000  }
0x1e8: {  	v3 =	vld [tilespmem:$0x1C0];
	_ =	sdelay $0x4  }
0x1e9: {  	v50 =	vshll.u32 v3, $0x2  }
0x1ea: {  	v3 =	vand.u32 $0x7, v3;
	v4 =	vand.u32 $0xFFFFFFE0, v50  }
0x1eb: {  	v3 =	vor.u32 v3, v4  }
0x1ec: {  	v4 =	vperm.xlane v3, v0;
	_ =	sdelay $0x1  }
0x1ed: {  	v4 =	vadd.s32 v1, v4;
	_ =	sdelay $0x1  }
0x1ee: {  	v3 =	vperm.xlane v3, v2;
	_ =	sdelay $0x1  }
0x1ef: {  	v3 =	vadd.s32 v1, v3  }
0x1f0: {  	[tilespmem:s8], [sflag:$0x1] =	stream.indirect_vreg.gather [hbm4b:s2+s3], $0x80, v4, vm0, $0xb8;
	[tilespmem:$0x1C680] =	vst v63  }
0x1f1: {  	_ = 	snop  }
0x1f2: {  	[tilespmem:s5], [sflag:$0x1] =	stream.indirect_vreg.gather [hbm4b:s4+s3], $0x80, v4, vm0, $0xb8;
	[tilespmem:$0x1C680] =	vst v63  }
0x1f3: {  	_ = 	snop  }
0x1f4: {  	[tilespmem:s18], [sflag:$0x1] =	stream.indirect_vreg.gather [hbm4b:s2+s3], $0x80, v3, vm0, $0xb8;
	[tilespmem:$0x1C680] =	vst v63  }
0x1f5: {  	s15 =	simm.s32 $0x1E80  }
0x1f6: {  	[tilespmem:s15], [sflag:$0x1] =	stream.indirect_vreg.gather [hbm4b:s4+s3], $0x80, v3, vm0, $0xb8;
	[tilespmem:$0x1C680] =	vst v63  }
0x1f7: {  	v3 =	vld [tilespmem:$0x1D0];
	_ =	sdelay $0x4  }
0x1f8: {  	v51 =	vshll.u32 v3, $0x2  }
0x1f9: {  	v3 =	vand.u32 $0x7, v3;
	v4 =	vand.u32 $0xFFFFFFE0, v51  }
0x1fa: {  	v3 =	vor.u32 v3, v4  }
0x1fb: {  	v4 =	vperm.xlane v3, v0;
	_ =	sdelay $0x1  }
0x1fc: {  	v4 =	vadd.s32 v1, v4;
	_ =	sdelay $0x1  }
0x1fd: {  	v3 =	vperm.xlane v3, v2;
	_ =	sdelay $0x1  }
0x1fe: {  	v3 =	vadd.s32 v1, v3  }
0x1ff: {  	[tilespmem:s19], [sflag:$0x1] =	stream.indirect_vreg.gather [hbm4b:s2+s3], $0x80, v4, vm0, $0xb8;
	[tilespmem:$0x1C680] =	vst v63  }
0x200: {  	_ = 	snop  }
0x201: {  	[tilespmem:s20], [sflag:$0x1] =	stream.indirect_vreg.gather [hbm4b:s4+s3], $0x80, v4, vm0, $0xb8;
	[tilespmem:$0x1C680] =	vst v63  }
0x202: {  	_ = 	snop  }
0x203: {  	[tilespmem:s21], [sflag:$0x1] =	stream.indirect_vreg.gather [hbm4b:s2+s3], $0x80, v3, vm0, $0xb8;
	[tilespmem:$0x1C680] =	vst v63  }
0x204: {  	s15 =	simm.s32 $0x3E80  }
0x205: {  	[tilespmem:s15], [sflag:$0x1] =	stream.indirect_vreg.gather [hbm4b:s4+s3], $0x80, v3, vm0, $0xb8;
	[tilespmem:$0x1C680] =	vst v63  }
0x206: {  	v3 =	vld [tilespmem:$0x1E0];
	_ =	sdelay $0x4  }
0x207: {  	v52 =	vshll.u32 v3, $0x2  }
0x208: {  	v3 =	vand.u32 $0x7, v3;
	v4 =	vand.u32 $0xFFFFFFE0, v52  }
0x209: {  	v3 =	vor.u32 v3, v4  }
0x20a: {  	v4 =	vperm.xlane v3, v0;
	_ =	sdelay $0x1  }
0x20b: {  	v4 =	vadd.s32 v1, v4;
	_ =	sdelay $0x1  }
0x20c: {  	v3 =	vperm.xlane v3, v2;
	_ =	sdelay $0x1  }
0x20d: {  	v3 =	vadd.s32 v1, v3  }
0x20e: {  	[tilespmem:s22], [sflag:$0x1] =	stream.indirect_vreg.gather [hbm4b:s2+s3], $0x80, v4, vm0, $0xb8;
	[tilespmem:$0x1C680] =	vst v63  }
0x20f: {  	_ = 	snop  }
0x210: {  	[tilespmem:s23], [sflag:$0x1] =	stream.indirect_vreg.gather [hbm4b:s4+s3], $0x80, v4, vm0, $0xb8;
	[tilespmem:$0x1C680] =	vst v63  }
0x211: {  	_ = 	snop  }
0x212: {  	[tilespmem:s24], [sflag:$0x1] =	stream.indirect_vreg.gather [hbm4b:s2+s3], $0x80, v3, vm0, $0xb8;
	[tilespmem:$0x1C680] =	vst v63  }
0x213: {  	s15 =	simm.s32 $0x5E80  }
0x214: {  	[tilespmem:s15], [sflag:$0x1] =	stream.indirect_vreg.gather [hbm4b:s4+s3], $0x80, v3, vm0, $0xb8;
	[tilespmem:$0x1C680] =	vst v63  }
0x215: {  	v3 =	vld [tilespmem:$0x1F0];
	_ =	sdelay $0x4  }
0x216: {  	v53 =	vshll.u32 v3, $0x2  }
0x217: {  	v3 =	vand.u32 $0x7, v3;
	v4 =	vand.u32 $0xFFFFFFE0, v53  }
0x218: {  	v3 =	vor.u32 v3, v4  }
0x219: {  	v4 =	vperm.xlane v3, v0;
	_ =	sdelay $0x1  }
0x21a: {  	v4 =	vadd.s32 v1, v4;
	_ =	sdelay $0x1  }
0x21b: {  	v3 =	vperm.xlane v3, v2;
	_ =	sdelay $0x1  }
0x21c: {  	v3 =	vadd.s32 v1, v3  }
0x21d: {  	[tilespmem:s25], [sflag:$0x1] =	stream.indirect_vreg.gather [hbm4b:s2+s3], $0x80, v4, vm0, $0xb8;
	[tilespmem:$0x1C680] =	vst v63  }
0x21e: {  	_ = 	snop  }
0x21f: {  	[tilespmem:s26], [sflag:$0x1] =	stream.indirect_vreg.gather [hbm4b:s4+s3], $0x80, v4, vm0, $0xb8;
	[tilespmem:$0x1C680] =	vst v63  }
0x220: {  	_ = 	snop  }
0x221: {  	[tilespmem:s28], [sflag:$0x1] =	stream.indirect_vreg.gather [hbm4b:s2+s3], $0x80, v3, vm0, $0xb8;
	[tilespmem:$0x1C680] =	vst v63  }
0x222: {  	s15 =	simm.s32 $0x7E80  }
0x223: {  	[tilespmem:s15], [sflag:$0x1] =	stream.indirect_vreg.gather [hbm4b:s4+s3], $0x80, v3, vm0, $0xb8;
	[tilespmem:$0x1C680] =	vst v63  }
0x224: {  	v3 =	vld [tilespmem:$0x200];
	_ =	sdelay $0x4  }
0x225: {  	v54 =	vshll.u32 v3, $0x2  }
0x226: {  	v3 =	vand.u32 $0x7, v3;
	v4 =	vand.u32 $0xFFFFFFE0, v54  }
0x227: {  	v3 =	vor.u32 v3, v4  }
0x228: {  	v4 =	vperm.xlane v3, v0;
	_ =	sdelay $0x1  }
0x229: {  	v4 =	vadd.s32 v1, v4;
	_ =	sdelay $0x1  }
0x22a: {  	v3 =	vperm.xlane v3, v2;
	_ =	sdelay $0x1  }
0x22b: {  	v3 =	vadd.s32 v1, v3  }
0x22c: {  	[tilespmem:s29], [sflag:$0x1] =	stream.indirect_vreg.gather [hbm4b:s2+s3], $0x80, v4, vm0, $0xb8;
	[tilespmem:$0x1C680] =	vst v63  }
0x22d: {  	_ = 	snop  }
0x22e: {  	[tilespmem:s30], [sflag:$0x1] =	stream.indirect_vreg.gather [hbm4b:s4+s3], $0x80, v4, vm0, $0xb8;
	[tilespmem:$0x1C680] =	vst v63  }
0x22f: {  	_ = 	snop  }
0x230: {  	[tilespmem:s31], [sflag:$0x1] =	stream.indirect_vreg.gather [hbm4b:s2+s3], $0x80, v3, vm0, $0xb8;
	[tilespmem:$0x1C680] =	vst v63  }
0x231: {  	s15 =	simm.s32 $0x9E80  }
0x232: {  	[tilespmem:s15], [sflag:$0x1] =	stream.indirect_vreg.gather [hbm4b:s4+s3], $0x80, v3, vm0, $0xb8;
	[tilespmem:$0x1C680] =	vst v63  }
0x233: {  	v3 =	vld [tilespmem:$0x210];
	_ =	sdelay $0x4  }
0x234: {  	v55 =	vshll.u32 v3, $0x2  }
0x235: {  	v3 =	vand.u32 $0x7, v3;
	v4 =	vand.u32 $0xFFFFFFE0, v55  }
0x236: {  	v3 =	vor.u32 v3, v4  }
0x237: {  	v4 =	vperm.xlane v3, v0;
	_ =	sdelay $0x1  }
0x238: {  	v4 =	vadd.s32 v1, v4;
	_ =	sdelay $0x1  }
0x239: {  	v3 =	vperm.xlane v3, v2;
	_ =	sdelay $0x1  }
0x23a: {  	v3 =	vadd.s32 v1, v3  }
0x23b: {  	[tilespmem:s1], [sflag:$0x1] =	stream.indirect_vreg.gather [hbm4b:s2+s3], $0x80, v4, vm0, $0xb8;
	[tilespmem:$0x1C680] =	vst v63  }
0x23c: {  	_ = 	snop  }
0x23d: {  	[tilespmem:s6], [sflag:$0x1] =	stream.indirect_vreg.gather [hbm4b:s4+s3], $0x80, v4, vm0, $0xb8;
	[tilespmem:$0x1C680] =	vst v63  }
0x23e: {  	_ = 	snop  }
0x23f: {  	[tilespmem:s7], [sflag:$0x1] =	stream.indirect_vreg.gather [hbm4b:s2+s3], $0x80, v3, vm0, $0xb8;
	[tilespmem:$0x1C680] =	vst v63  }
0x240: {  	s15 =	simm.s32 $0xBE80  }
0x241: {  	[tilespmem:s15], [sflag:$0x1] =	stream.indirect_vreg.gather [hbm4b:s4+s3], $0x80, v3, vm0, $0xb8;
	[tilespmem:$0x1C680] =	vst v63  }
0x242: {  	v3 =	vld [tilespmem:$0x220];
	_ =	sdelay $0x4  }
0x243: {  	v56 =	vshll.u32 v3, $0x2  }
0x244: {  	v3 =	vand.u32 $0x7, v3;
	v4 =	vand.u32 $0xFFFFFFE0, v56  }
0x245: {  	v3 =	vor.u32 v3, v4  }
0x246: {  	v4 =	vperm.xlane v3, v0;
	_ =	sdelay $0x1  }
0x247: {  	v4 =	vadd.s32 v1, v4;
	_ =	sdelay $0x1  }
0x248: {  	v3 =	vperm.xlane v3, v2;
	_ =	sdelay $0x1  }
0x249: {  	v3 =	vadd.s32 v1, v3  }
0x24a: {  	[tilespmem:s9], [sflag:$0x1] =	stream.indirect_vreg.gather [hbm4b:s2+s3], $0x80, v4, vm0, $0xb8;
	[tilespmem:$0x1C680] =	vst v63  }
0x24b: {  	_ = 	snop  }
0x24c: {  	[tilespmem:s10], [sflag:$0x1] =	stream.indirect_vreg.gather [hbm4b:s4+s3], $0x80, v4, vm0, $0xb8;
	[tilespmem:$0x1C680] =	vst v63  }
0x24d: {  	_ = 	snop  }
0x24e: {  	[tilespmem:s17], [sflag:$0x1] =	stream.indirect_vreg.gather [hbm4b:s2+s3], $0x80, v3, vm0, $0xb8;
	[tilespmem:$0x1C680] =	vst v63  }
0x24f: {  	s15 =	simm.s32 $0xDE80  }
0x250: {  	[tilespmem:s15], [sflag:$0x1] =	stream.indirect_vreg.gather [hbm4b:s4+s3], $0x80, v3, vm0, $0xb8;
	[tilespmem:$0x1C680] =	vst v63  }
0x251: {  	_ =	swait.ge [sflag:s13], $0xE000  }
0x252: {  	[sflag:s13] =	ssyncset.done $0x0  }
0x253: {  	s15 =	rddreg [dreg:$0x9];
	[sflag:s13] =	ssyncadd.s32 $0xFFFF2000  }
0x254: {  	[hbm4b:s15+s3] =	stream.linear.scatter [tilespmem:s0], [sflag:$0x4], $0xE000, $0x38;
	[tilespmem:$0x1C680] =	vst v63  }
0x255: {  	_ =	swait.ge [sflag:s14], $0xE000  }
0x256: {  	[sflag:s14] =	ssyncset.done $0x0  }
0x257: {  	[sflag:s14] =	ssyncadd.s32 $0xFFFF2000  }
0x258: {  	v3 =	vld [tilespmem:$0x230];
	_ =	sdelay $0x4  }
0x259: {  	v57 =	vshll.u32 v3, $0x2  }
0x25a: {  	v3 =	vand.u32 $0x7, v3;
	v4 =	vand.u32 $0xFFFFFFE0, v57  }
0x25b: {  	v3 =	vor.u32 v3, v4  }
0x25c: {  	v4 =	vperm.xlane v3, v0;
	_ =	sdelay $0x1  }
0x25d: {  	v4 =	vadd.s32 v1, v4;
	_ =	sdelay $0x1  }
0x25e: {  	v3 =	vperm.xlane v3, v2;
	_ =	sdelay $0x1  }
0x25f: {  	v3 =	vadd.s32 v1, v3  }
0x260: {  	[tilespmem:s0], [sflag:$0x2] =	stream.indirect_vreg.gather [hbm4b:s2+s3], $0x80, v4, vm0, $0xb8;
	[tilespmem:$0x1C680] =	vst v63  }
0x261: {  	s16 =	simm.s32 $0xEE80  }
0x262: {  	[tilespmem:s16], [sflag:$0x2] =	stream.indirect_vreg.gather [hbm4b:s4+s3], $0x80, v4, vm0, $0xb8;
	[tilespmem:$0x1C680] =	vst v63  }
0x263: {  	s15 =	simm.s32 $0xF680  }
0x264: {  	[tilespmem:s15], [sflag:$0x2] =	stream.indirect_vreg.gather [hbm4b:s2+s3], $0x80, v3, vm0, $0xb8;
	[tilespmem:$0x1C680] =	vst v63  }
0x265: {  	s15 =	simm.s32 $0xFE80  }
0x266: {  	[tilespmem:s15], [sflag:$0x2] =	stream.indirect_vreg.gather [hbm4b:s4+s3], $0x80, v3, vm0, $0xb8;
	[tilespmem:$0x1C680] =	vst v63  }
0x267: {  	v3 =	vld [tilespmem:$0x240];
	_ =	sdelay $0x4  }
0x268: {  	v58 =	vshll.u32 v3, $0x2  }
0x269: {  	v3 =	vand.u32 $0x7, v3;
	v4 =	vand.u32 $0xFFFFFFE0, v58  }
0x26a: {  	v3 =	vor.u32 v3, v4  }
0x26b: {  	v4 =	vperm.xlane v3, v0;
	_ =	sdelay $0x1  }
0x26c: {  	v4 =	vadd.s32 v1, v4;
	_ =	sdelay $0x1  }
0x26d: {  	v3 =	vperm.xlane v3, v2;
	_ =	sdelay $0x1  }
0x26e: {  	s15 =	simm.s32 $0x10680;
	v3 =	vadd.s32 v1, v3  }
0x26f: {  	[tilespmem:s15], [sflag:$0x2] =	stream.indirect_vreg.gather [hbm4b:s2+s3], $0x80, v4, vm0, $0xb8;
	[tilespmem:$0x1C680] =	vst v63  }
0x270: {  	s15 =	simm.s32 $0x10E80  }
0x271: {  	[tilespmem:s15], [sflag:$0x2] =	stream.indirect_vreg.gather [hbm4b:s4+s3], $0x80, v4, vm0, $0xb8;
	[tilespmem:$0x1C680] =	vst v63  }
0x272: {  	s15 =	simm.s32 $0x11680  }
0x273: {  	[tilespmem:s15], [sflag:$0x2] =	stream.indirect_vreg.gather [hbm4b:s2+s3], $0x80, v3, vm0, $0xb8;
	[tilespmem:$0x1C680] =	vst v63  }
0x274: {  	s15 =	simm.s32 $0x11E80  }
0x275: {  	[tilespmem:s15], [sflag:$0x2] =	stream.indirect_vreg.gather [hbm4b:s4+s3], $0x80, v3, vm0, $0xb8;
	[tilespmem:$0x1C680] =	vst v63  }
0x276: {  	v3 =	vld [tilespmem:$0x250];
	_ =	sdelay $0x4  }
0x277: {  	v59 =	vshll.u32 v3, $0x2  }
0x278: {  	v3 =	vand.u32 $0x7, v3;
	v4 =	vand.u32 $0xFFFFFFE0, v59  }
0x279: {  	v3 =	vor.u32 v3, v4  }
0x27a: {  	v4 =	vperm.xlane v3, v0;
	_ =	sdelay $0x1  }
0x27b: {  	v4 =	vadd.s32 v1, v4;
	_ =	sdelay $0x1  }
0x27c: {  	v3 =	vperm.xlane v3, v2;
	_ =	sdelay $0x1  }
0x27d: {  	s15 =	simm.s32 $0x12680;
	v3 =	vadd.s32 v1, v3  }
0x27e: {  	[tilespmem:s15], [sflag:$0x2] =	stream.indirect_vreg.gather [hbm4b:s2+s3], $0x80, v4, vm0, $0xb8;
	[tilespmem:$0x1C680] =	vst v63  }
0x27f: {  	s15 =	simm.s32 $0x12E80  }
0x280: {  	[tilespmem:s15], [sflag:$0x2] =	stream.indirect_vreg.gather [hbm4b:s4+s3], $0x80, v4, vm0, $0xb8;
	[tilespmem:$0x1C680] =	vst v63  }
0x281: {  	s15 =	simm.s32 $0x13680  }
0x282: {  	[tilespmem:s15], [sflag:$0x2] =	stream.indirect_vreg.gather [hbm4b:s2+s3], $0x80, v3, vm0, $0xb8;
	[tilespmem:$0x1C680] =	vst v63  }
0x283: {  	s15 =	simm.s32 $0x13E80  }
0x284: {  	[tilespmem:s15], [sflag:$0x2] =	stream.indirect_vreg.gather [hbm4b:s4+s3], $0x80, v3, vm0, $0xb8;
	[tilespmem:$0x1C680] =	vst v63  }
0x285: {  	v3 =	vld [tilespmem:$0x260];
	_ =	sdelay $0x4  }
0x286: {  	v60 =	vshll.u32 v3, $0x2  }
0x287: {  	v3 =	vand.u32 $0x7, v3;
	v4 =	vand.u32 $0xFFFFFFE0, v60  }
0x288: {  	v3 =	vor.u32 v3, v4  }
0x289: {  	v4 =	vperm.xlane v3, v0;
	_ =	sdelay $0x1  }
0x28a: {  	v4 =	vadd.s32 v1, v4;
	_ =	sdelay $0x1  }
0x28b: {  	v3 =	vperm.xlane v3, v2;
	_ =	sdelay $0x1  }
0x28c: {  	s15 =	simm.s32 $0x14680;
	v3 =	vadd.s32 v1, v3  }
0x28d: {  	[tilespmem:s15], [sflag:$0x2] =	stream.indirect_vreg.gather [hbm4b:s2+s3], $0x80, v4, vm0, $0xb8;
	[tilespmem:$0x1C680] =	vst v63  }
0x28e: {  	s15 =	simm.s32 $0x14E80  }
0x28f: {  	[tilespmem:s15], [sflag:$0x2] =	stream.indirect_vreg.gather [hbm4b:s4+s3], $0x80, v4, vm0, $0xb8;
	[tilespmem:$0x1C680] =	vst v63  }
0x290: {  	s15 =	simm.s32 $0x15680  }
0x291: {  	[tilespmem:s15], [sflag:$0x2] =	stream.indirect_vreg.gather [hbm4b:s2+s3], $0x80, v3, vm0, $0xb8;
	[tilespmem:$0x1C680] =	vst v63  }
0x292: {  	s15 =	simm.s32 $0x15E80  }
0x293: {  	[tilespmem:s15], [sflag:$0x2] =	stream.indirect_vreg.gather [hbm4b:s4+s3], $0x80, v3, vm0, $0xb8;
	[tilespmem:$0x1C680] =	vst v63  }
0x294: {  	v3 =	vld [tilespmem:$0x270];
	_ =	sdelay $0x4  }
0x295: {  	v61 =	vshll.u32 v3, $0x2  }
0x296: {  	v3 =	vand.u32 $0x7, v3;
	v4 =	vand.u32 $0xFFFFFFE0, v61  }
0x297: {  	v3 =	vor.u32 v3, v4  }
0x298: {  	v4 =	vperm.xlane v3, v0;
	_ =	sdelay $0x1  }
0x299: {  	v4 =	vadd.s32 v1, v4;
	_ =	sdelay $0x1  }
0x29a: {  	v3 =	vperm.xlane v3, v2;
	_ =	sdelay $0x1  }
0x29b: {  	s15 =	simm.s32 $0x16680;
	v3 =	vadd.s32 v1, v3  }
0x29c: {  	[tilespmem:s15], [sflag:$0x2] =	stream.indirect_vreg.gather [hbm4b:s2+s3], $0x80, v4, vm0, $0xb8;
	[tilespmem:$0x1C680] =	vst v63  }
0x29d: {  	s15 =	simm.s32 $0x16E80  }
0x29e: {  	[tilespmem:s15], [sflag:$0x2] =	stream.indirect_vreg.gather [hbm4b:s4+s3], $0x80, v4, vm0, $0xb8;
	[tilespmem:$0x1C680] =	vst v63  }
0x29f: {  	s15 =	simm.s32 $0x17680  }
0x2a0: {  	[tilespmem:s15], [sflag:$0x2] =	stream.indirect_vreg.gather [hbm4b:s2+s3], $0x80, v3, vm0, $0xb8;
	[tilespmem:$0x1C680] =	vst v63  }
0x2a1: {  	s15 =	simm.s32 $0x17E80  }
0x2a2: {  	[tilespmem:s15], [sflag:$0x2] =	stream.indirect_vreg.gather [hbm4b:s4+s3], $0x80, v3, vm0, $0xb8;
	[tilespmem:$0x1C680] =	vst v63  }
0x2a3: {  	v3 =	vld [tilespmem:$0x280];
	_ =	sdelay $0x4  }
0x2a4: {  	v62 =	vshll.u32 v3, $0x2  }
0x2a5: {  	v3 =	vand.u32 $0x7, v3;
	v4 =	vand.u32 $0xFFFFFFE0, v62  }
0x2a6: {  	v3 =	vor.u32 v3, v4  }
0x2a7: {  	v4 =	vperm.xlane v3, v0;
	_ =	sdelay $0x1  }
0x2a8: {  	v4 =	vadd.s32 v1, v4;
	_ =	sdelay $0x1  }
0x2a9: {  	v3 =	vperm.xlane v3, v2;
	_ =	sdelay $0x1  }
0x2aa: {  	s15 =	simm.s32 $0x18680;
	v3 =	vadd.s32 v1, v3  }
0x2ab: {  	[tilespmem:s15], [sflag:$0x2] =	stream.indirect_vreg.gather [hbm4b:s2+s3], $0x80, v4, vm0, $0xb8;
	[tilespmem:$0x1C680] =	vst v63  }
0x2ac: {  	s15 =	simm.s32 $0x18E80  }
0x2ad: {  	[tilespmem:s15], [sflag:$0x2] =	stream.indirect_vreg.gather [hbm4b:s4+s3], $0x80, v4, vm0, $0xb8;
	[tilespmem:$0x1C680] =	vst v63  }
0x2ae: {  	s15 =	simm.s32 $0x19680  }
0x2af: {  	[tilespmem:s15], [sflag:$0x2] =	stream.indirect_vreg.gather [hbm4b:s2+s3], $0x80, v3, vm0, $0xb8;
	[tilespmem:$0x1C680] =	vst v63  }
0x2b0: {  	s15 =	simm.s32 $0x19E80  }
0x2b1: {  	[tilespmem:s15], [sflag:$0x2] =	stream.indirect_vreg.gather [hbm4b:s4+s3], $0x80, v3, vm0, $0xb8;
	[tilespmem:$0x1C680] =	vst v63  }
0x2b2: {  	v3 =	vld [tilespmem:$0x290];
	_ =	sdelay $0x4  }
0x2b3: {  	v63 =	vshll.u32 v3, $0x2  }
0x2b4: {  	v3 =	vand.u32 $0x7, v3;
	v4 =	vand.u32 $0xFFFFFFE0, v63  }
0x2b5: {  	v3 =	vor.u32 v3, v4  }
0x2b6: {  	v4 =	vperm.xlane v3, v0;
	_ =	sdelay $0x1  }
0x2b7: {  	v4 =	vadd.s32 v1, v4;
	_ =	sdelay $0x1  }
0x2b8: {  	v3 =	vperm.xlane v3, v2;
	_ =	sdelay $0x1  }
0x2b9: {  	s15 =	simm.s32 $0x1A680;
	v3 =	vadd.s32 v1, v3  }
0x2ba: {  	[tilespmem:s15], [sflag:$0x2] =	stream.indirect_vreg.gather [hbm4b:s2+s3], $0x80, v4, vm0, $0xb8;
	[tilespmem:$0x1C680] =	vst v63  }
0x2bb: {  	s15 =	simm.s32 $0x1AE80  }
0x2bc: {  	[tilespmem:s15], [sflag:$0x2] =	stream.indirect_vreg.gather [hbm4b:s4+s3], $0x80, v4, vm0, $0xb8;
	[tilespmem:$0x1C680] =	vst v63  }
0x2bd: {  	s15 =	simm.s32 $0x1B680  }
0x2be: {  	[tilespmem:s15], [sflag:$0x2] =	stream.indirect_vreg.gather [hbm4b:s2+s3], $0x80, v3, vm0, $0xb8;
	[tilespmem:$0x1C680] =	vst v63  }
0x2bf: {  	s15 =	simm.s32 $0x1BE80  }
0x2c0: {  	[tilespmem:s15], [sflag:$0x2] =	stream.indirect_vreg.gather [hbm4b:s4+s3], $0x80, v3, vm0, $0xb8;
	[tilespmem:$0x1C680] =	vst v63  }
0x2c1: {  	_ =	swait.ge [sflag:s11], $0xE000  }
0x2c2: {  	[sflag:s11] =	ssyncset.done $0x0  }
0x2c3: {  	s15 =	rddreg [dreg:$0xa];
	[sflag:s11] =	ssyncadd.s32 $0xFFFF2000  }
0x2c4: {  	[hbm4b:s15+s3] =	stream.linear.scatter [tilespmem:s8], [sflag:$0x3], $0xE000, $0x38;
	[tilespmem:$0x1C680] =	vst v63  }
0x2c5: {  	_ =	swait.ge [sflag:s12], $0xE000  }
0x2c6: {  	[sflag:s12] =	ssyncset.done $0x0  }
0x2c7: {  	[sflag:s12] =	ssyncadd.s32 $0xFFFF2000  }
0x2c8: {  	v3 =	vld [tilespmem:$0x2A0];
	_ =	sdelay $0x4  }
0x2c9: {  	v8 =	vshll.u32 v3, $0x2  }
0x2ca: {  	v3 =	vand.u32 $0x7, v3;
	v4 =	vand.u32 $0xFFFFFFE0, v8  }
0x2cb: {  	v3 =	vor.u32 v3, v4  }
0x2cc: {  	v4 =	vperm.xlane v3, v0;
	_ =	sdelay $0x1  }
0x2cd: {  	v4 =	vadd.s32 v1, v4;
	_ =	sdelay $0x1  }
0x2ce: {  	v3 =	vperm.xlane v3, v2;
	_ =	sdelay $0x1  }
0x2cf: {  	v3 =	vadd.s32 v1, v3  }
0x2d0: {  	[tilespmem:s8], [sflag:$0x1] =	stream.indirect_vreg.gather [hbm4b:s2+s3], $0x80, v4, vm0, $0xb8;
	[tilespmem:$0x1C680] =	vst v63  }
0x2d1: {  	s5 =	simm.s32 $0xE80  }
0x2d2: {  	[tilespmem:s5], [sflag:$0x1] =	stream.indirect_vreg.gather [hbm4b:s4+s3], $0x80, v4, vm0, $0xb8;
	[tilespmem:$0x1C680] =	vst v63  }
0x2d3: {  	s18 =	simm.s32 $0x1680  }
0x2d4: {  	[tilespmem:s18], [sflag:$0x1] =	stream.indirect_vreg.gather [hbm4b:s2+s3], $0x80, v3, vm0, $0xb8;
	[tilespmem:$0x1C680] =	vst v63  }
0x2d5: {  	s15 =	simm.s32 $0x1E80  }
0x2d6: {  	[tilespmem:s15], [sflag:$0x1] =	stream.indirect_vreg.gather [hbm4b:s4+s3], $0x80, v3, vm0, $0xb8;
	[tilespmem:$0x1C680] =	vst v63  }
0x2d7: {  	v3 =	vld [tilespmem:$0x2B0];
	_ =	sdelay $0x4  }
0x2d8: {  	v9 =	vshll.u32 v3, $0x2  }
0x2d9: {  	v3 =	vand.u32 $0x7, v3;
	v4 =	vand.u32 $0xFFFFFFE0, v9  }
0x2da: {  	v3 =	vor.u32 v3, v4  }
0x2db: {  	v4 =	vperm.xlane v3, v0;
	_ =	sdelay $0x1  }
0x2dc: {  	v4 =	vadd.s32 v1, v4;
	_ =	sdelay $0x1  }
0x2dd: {  	v3 =	vperm.xlane v3, v2;
	_ =	sdelay $0x1  }
0x2de: {  	s19 =	simm.s32 $0x2680;
	v3 =	vadd.s32 v1, v3  }
0x2df: {  	[tilespmem:s19], [sflag:$0x1] =	stream.indirect_vreg.gather [hbm4b:s2+s3], $0x80, v4, vm0, $0xb8;
	[tilespmem:$0x1C680] =	vst v63  }
0x2e0: {  	s20 =	simm.s32 $0x2E80  }
0x2e1: {  	[tilespmem:s20], [sflag:$0x1] =	stream.indirect_vreg.gather [hbm4b:s4+s3], $0x80, v4, vm0, $0xb8;
	[tilespmem:$0x1C680] =	vst v63  }
0x2e2: {  	s21 =	simm.s32 $0x3680  }
0x2e3: {  	[tilespmem:s21], [sflag:$0x1] =	stream.indirect_vreg.gather [hbm4b:s2+s3], $0x80, v3, vm0, $0xb8;
	[tilespmem:$0x1C680] =	vst v63  }
0x2e4: {  	s15 =	simm.s32 $0x3E80  }
0x2e5: {  	[tilespmem:s15], [sflag:$0x1] =	stream.indirect_vreg.gather [hbm4b:s4+s3], $0x80, v3, vm0, $0xb8;
	[tilespmem:$0x1C680] =	vst v63  }
0x2e6: {  	v3 =	vld [tilespmem:$0x2C0];
	_ =	sdelay $0x4  }
0x2e7: {  	v10 =	vshll.u32 v3, $0x2  }
0x2e8: {  	v3 =	vand.u32 $0x7, v3;
	v4 =	vand.u32 $0xFFFFFFE0, v10  }
0x2e9: {  	v3 =	vor.u32 v3, v4  }
0x2ea: {  	v4 =	vperm.xlane v3, v0;
	_ =	sdelay $0x1  }
0x2eb: {  	v4 =	vadd.s32 v1, v4;
	_ =	sdelay $0x1  }
0x2ec: {  	v3 =	vperm.xlane v3, v2;
	_ =	sdelay $0x1  }
0x2ed: {  	s22 =	simm.s32 $0x4680;
	v3 =	vadd.s32 v1, v3  }
0x2ee: {  	[tilespmem:s22], [sflag:$0x1] =	stream.indirect_vreg.gather [hbm4b:s2+s3], $0x80, v4, vm0, $0xb8;
	[tilespmem:$0x1C680] =	vst v63  }
0x2ef: {  	s23 =	simm.s32 $0x4E80  }
0x2f0: {  	[tilespmem:s23], [sflag:$0x1] =	stream.indirect_vreg.gather [hbm4b:s4+s3], $0x80, v4, vm0, $0xb8;
	[tilespmem:$0x1C680] =	vst v63  }
0x2f1: {  	s24 =	simm.s32 $0x5680  }
0x2f2: {  	[tilespmem:s24], [sflag:$0x1] =	stream.indirect_vreg.gather [hbm4b:s2+s3], $0x80, v3, vm0, $0xb8;
	[tilespmem:$0x1C680] =	vst v63  }
0x2f3: {  	s15 =	simm.s32 $0x5E80  }
0x2f4: {  	[tilespmem:s15], [sflag:$0x1] =	stream.indirect_vreg.gather [hbm4b:s4+s3], $0x80, v3, vm0, $0xb8;
	[tilespmem:$0x1C680] =	vst v63  }
0x2f5: {  	v3 =	vld [tilespmem:$0x2D0];
	_ =	sdelay $0x4  }
0x2f6: {  	v11 =	vshll.u32 v3, $0x2  }
0x2f7: {  	v3 =	vand.u32 $0x7, v3;
	v4 =	vand.u32 $0xFFFFFFE0, v11  }
0x2f8: {  	v3 =	vor.u32 v3, v4  }
0x2f9: {  	v4 =	vperm.xlane v3, v0;
	_ =	sdelay $0x1  }
0x2fa: {  	v4 =	vadd.s32 v1, v4;
	_ =	sdelay $0x1  }
0x2fb: {  	v3 =	vperm.xlane v3, v2;
	_ =	sdelay $0x1  }
0x2fc: {  	s25 =	simm.s32 $0x6680;
	v3 =	vadd.s32 v1, v3  }
0x2fd: {  	[tilespmem:s25], [sflag:$0x1] =	stream.indirect_vreg.gather [hbm4b:s2+s3], $0x80, v4, vm0, $0xb8;
	[tilespmem:$0x1C680] =	vst v63  }
0x2fe: {  	s26 =	simm.s32 $0x6E80  }
0x2ff: {  	[tilespmem:s26], [sflag:$0x1] =	stream.indirect_vreg.gather [hbm4b:s4+s3], $0x80, v4, vm0, $0xb8;
	[tilespmem:$0x1C680] =	vst v63  }
0x300: {  	s28 =	simm.s32 $0x7680  }
0x301: {  	[tilespmem:s28], [sflag:$0x1] =	stream.indirect_vreg.gather [hbm4b:s2+s3], $0x80, v3, vm0, $0xb8;
	[tilespmem:$0x1C680] =	vst v63  }
0x302: {  	s15 =	simm.s32 $0x7E80  }
0x303: {  	[tilespmem:s15], [sflag:$0x1] =	stream.indirect_vreg.gather [hbm4b:s4+s3], $0x80, v3, vm0, $0xb8;
	[tilespmem:$0x1C680] =	vst v63  }
0x304: {  	v3 =	vld [tilespmem:$0x2E0];
	_ =	sdelay $0x4  }
0x305: {  	v12 =	vshll.u32 v3, $0x2  }
0x306: {  	v3 =	vand.u32 $0x7, v3;
	v4 =	vand.u32 $0xFFFFFFE0, v12  }
0x307: {  	v3 =	vor.u32 v3, v4  }
0x308: {  	v4 =	vperm.xlane v3, v0;
	_ =	sdelay $0x1  }
0x309: {  	v4 =	vadd.s32 v1, v4;
	_ =	sdelay $0x1  }
0x30a: {  	v3 =	vperm.xlane v3, v2;
	_ =	sdelay $0x1  }
0x30b: {  	s29 =	simm.s32 $0x8680;
	v3 =	vadd.s32 v1, v3  }
0x30c: {  	[tilespmem:s29], [sflag:$0x1] =	stream.indirect_vreg.gather [hbm4b:s2+s3], $0x80, v4, vm0, $0xb8;
	[tilespmem:$0x1C680] =	vst v63  }
0x30d: {  	s30 =	simm.s32 $0x8E80  }
0x30e: {  	[tilespmem:s30], [sflag:$0x1] =	stream.indirect_vreg.gather [hbm4b:s4+s3], $0x80, v4, vm0, $0xb8;
	[tilespmem:$0x1C680] =	vst v63  }
0x30f: {  	s31 =	simm.s32 $0x9680  }
0x310: {  	[tilespmem:s31], [sflag:$0x1] =	stream.indirect_vreg.gather [hbm4b:s2+s3], $0x80, v3, vm0, $0xb8;
	[tilespmem:$0x1C680] =	vst v63  }
0x311: {  	s15 =	simm.s32 $0x9E80  }
0x312: {  	[tilespmem:s15], [sflag:$0x1] =	stream.indirect_vreg.gather [hbm4b:s4+s3], $0x80, v3, vm0, $0xb8;
	[tilespmem:$0x1C680] =	vst v63  }
0x313: {  	v3 =	vld [tilespmem:$0x2F0];
	_ =	sdelay $0x4  }
0x314: {  	v13 =	vshll.u32 v3, $0x2  }
0x315: {  	v3 =	vand.u32 $0x7, v3;
	v4 =	vand.u32 $0xFFFFFFE0, v13  }
0x316: {  	v3 =	vor.u32 v3, v4  }
0x317: {  	v4 =	vperm.xlane v3, v0;
	_ =	sdelay $0x1  }
0x318: {  	v4 =	vadd.s32 v1, v4;
	_ =	sdelay $0x1  }
0x319: {  	v3 =	vperm.xlane v3, v2;
	_ =	sdelay $0x1  }
0x31a: {  	s1 =	simm.s32 $0xA680;
	v3 =	vadd.s32 v1, v3  }
0x31b: {  	[tilespmem:s1], [sflag:$0x1] =	stream.indirect_vreg.gather [hbm4b:s2+s3], $0x80, v4, vm0, $0xb8;
	[tilespmem:$0x1C680] =	vst v63  }
0x31c: {  	s6 =	simm.s32 $0xAE80  }
0x31d: {  	[tilespmem:s6], [sflag:$0x1] =	stream.indirect_vreg.gather [hbm4b:s4+s3], $0x80, v4, vm0, $0xb8;
	[tilespmem:$0x1C680] =	vst v63  }
0x31e: {  	s7 =	simm.s32 $0xB680  }
0x31f: {  	[tilespmem:s7], [sflag:$0x1] =	stream.indirect_vreg.gather [hbm4b:s2+s3], $0x80, v3, vm0, $0xb8;
	[tilespmem:$0x1C680] =	vst v63  }
0x320: {  	s15 =	simm.s32 $0xBE80  }
0x321: {  	[tilespmem:s15], [sflag:$0x1] =	stream.indirect_vreg.gather [hbm4b:s4+s3], $0x80, v3, vm0, $0xb8;
	[tilespmem:$0x1C680] =	vst v63  }
0x322: {  	v3 =	vld [tilespmem:$0x300];
	_ =	sdelay $0x4  }
0x323: {  	v14 =	vshll.u32 v3, $0x2  }
0x324: {  	v3 =	vand.u32 $0x7, v3;
	v4 =	vand.u32 $0xFFFFFFE0, v14  }
0x325: {  	v3 =	vor.u32 v3, v4  }
0x326: {  	v4 =	vperm.xlane v3, v0;
	_ =	sdelay $0x1  }
0x327: {  	v4 =	vadd.s32 v1, v4;
	_ =	sdelay $0x1  }
0x328: {  	v3 =	vperm.xlane v3, v2;
	_ =	sdelay $0x1  }
0x329: {  	s9 =	simm.s32 $0xC680;
	v3 =	vadd.s32 v1, v3  }
0x32a: {  	[tilespmem:s9], [sflag:$0x1] =	stream.indirect_vreg.gather [hbm4b:s2+s3], $0x80, v4, vm0, $0xb8;
	[tilespmem:$0x1C680] =	vst v63  }
0x32b: {  	s10 =	simm.s32 $0xCE80  }
0x32c: {  	[tilespmem:s10], [sflag:$0x1] =	stream.indirect_vreg.gather [hbm4b:s4+s3], $0x80, v4, vm0, $0xb8;
	[tilespmem:$0x1C680] =	vst v63  }
0x32d: {  	s17 =	simm.s32 $0xD680  }
0x32e: {  	[tilespmem:s17], [sflag:$0x1] =	stream.indirect_vreg.gather [hbm4b:s2+s3], $0x80, v3, vm0, $0xb8;
	[tilespmem:$0x1C680] =	vst v63  }
0x32f: {  	s15 =	simm.s32 $0xDE80  }
0x330: {  	[tilespmem:s15], [sflag:$0x1] =	stream.indirect_vreg.gather [hbm4b:s4+s3], $0x80, v3, vm0, $0xb8;
	[tilespmem:$0x1C680] =	vst v63  }
0x331: {  	_ =	swait.ge [sflag:s13], $0xE000  }
0x332: {  	[sflag:s13] =	ssyncset.done $0x0  }
0x333: {  	s15 =	rddreg [dreg:$0xb];
	[sflag:s13] =	ssyncadd.s32 $0xFFFF2000  }
0x334: {  	[hbm4b:s15+s3] =	stream.linear.scatter [tilespmem:s0], [sflag:$0x4], $0xE000, $0x38;
	[tilespmem:$0x1C680] =	vst v63  }
0x335: {  	_ =	swait.ge [sflag:s14], $0xE000  }
0x336: {  	[sflag:s14] =	ssyncset.done $0x0  }
0x337: {  	[sflag:s14] =	ssyncadd.s32 $0xFFFF2000  }
0x338: {  	v3 =	vld [tilespmem:$0x310];
	_ =	sdelay $0x4  }
0x339: {  	v15 =	vshll.u32 v3, $0x2  }
0x33a: {  	v3 =	vand.u32 $0x7, v3;
	v4 =	vand.u32 $0xFFFFFFE0, v15  }
0x33b: {  	v3 =	vor.u32 v3, v4  }
0x33c: {  	v4 =	vperm.xlane v3, v0;
	_ =	sdelay $0x1  }
0x33d: {  	v4 =	vadd.s32 v1, v4;
	_ =	sdelay $0x1  }
0x33e: {  	v3 =	vperm.xlane v3, v2;
	_ =	sdelay $0x1  }
0x33f: {  	v3 =	vadd.s32 v1, v3  }
0x340: {  	[tilespmem:s0], [sflag:$0x2] =	stream.indirect_vreg.gather [hbm4b:s2+s3], $0x80, v4, vm0, $0xb8;
	[tilespmem:$0x1C680] =	vst v63  }
0x341: {  	s16 =	simm.s32 $0xEE80  }
0x342: {  	[tilespmem:s16], [sflag:$0x2] =	stream.indirect_vreg.gather [hbm4b:s4+s3], $0x80, v4, vm0, $0xb8;
	[tilespmem:$0x1C680] =	vst v63  }
0x343: {  	s15 =	simm.s32 $0xF680  }
0x344: {  	[tilespmem:s15], [sflag:$0x2] =	stream.indirect_vreg.gather [hbm4b:s2+s3], $0x80, v3, vm0, $0xb8;
	[tilespmem:$0x1C680] =	vst v63  }
0x345: {  	s15 =	simm.s32 $0xFE80  }
0x346: {  	[tilespmem:s15], [sflag:$0x2] =	stream.indirect_vreg.gather [hbm4b:s4+s3], $0x80, v3, vm0, $0xb8;
	[tilespmem:$0x1C680] =	vst v63  }
0x347: {  	v3 =	vld [tilespmem:$0x320];
	_ =	sdelay $0x4  }
0x348: {  	v16 =	vshll.u32 v3, $0x2  }
0x349: {  	v3 =	vand.u32 $0x7, v3;
	v4 =	vand.u32 $0xFFFFFFE0, v16  }
0x34a: {  	v3 =	vor.u32 v3, v4  }
0x34b: {  	v4 =	vperm.xlane v3, v0;
	_ =	sdelay $0x1  }
0x34c: {  	v4 =	vadd.s32 v1, v4;
	_ =	sdelay $0x1  }
0x34d: {  	v3 =	vperm.xlane v3, v2;
	_ =	sdelay $0x1  }
0x34e: {  	s15 =	simm.s32 $0x10680;
	v3 =	vadd.s32 v1, v3  }
0x34f: {  	[tilespmem:s15], [sflag:$0x2] =	stream.indirect_vreg.gather [hbm4b:s2+s3], $0x80, v4, vm0, $0xb8;
	[tilespmem:$0x1C680] =	vst v63  }
0x350: {  	s15 =	simm.s32 $0x10E80  }
0x351: {  	[tilespmem:s15], [sflag:$0x2] =	stream.indirect_vreg.gather [hbm4b:s4+s3], $0x80, v4, vm0, $0xb8;
	[tilespmem:$0x1C680] =	vst v63  }
0x352: {  	s15 =	simm.s32 $0x11680  }
0x353: {  	[tilespmem:s15], [sflag:$0x2] =	stream.indirect_vreg.gather [hbm4b:s2+s3], $0x80, v3, vm0, $0xb8;
	[tilespmem:$0x1C680] =	vst v63  }
0x354: {  	s15 =	simm.s32 $0x11E80  }
0x355: {  	[tilespmem:s15], [sflag:$0x2] =	stream.indirect_vreg.gather [hbm4b:s4+s3], $0x80, v3, vm0, $0xb8;
	[tilespmem:$0x1C680] =	vst v63  }
0x356: {  	v3 =	vld [tilespmem:$0x330];
	_ =	sdelay $0x4  }
0x357: {  	v17 =	vshll.u32 v3, $0x2  }
0x358: {  	v3 =	vand.u32 $0x7, v3;
	v4 =	vand.u32 $0xFFFFFFE0, v17  }
0x359: {  	v3 =	vor.u32 v3, v4  }
0x35a: {  	v4 =	vperm.xlane v3, v0;
	_ =	sdelay $0x1  }
0x35b: {  	v4 =	vadd.s32 v1, v4;
	_ =	sdelay $0x1  }
0x35c: {  	v3 =	vperm.xlane v3, v2;
	_ =	sdelay $0x1  }
0x35d: {  	s15 =	simm.s32 $0x12680;
	v3 =	vadd.s32 v1, v3  }
0x35e: {  	[tilespmem:s15], [sflag:$0x2] =	stream.indirect_vreg.gather [hbm4b:s2+s3], $0x80, v4, vm0, $0xb8;
	[tilespmem:$0x1C680] =	vst v63  }
0x35f: {  	s15 =	simm.s32 $0x12E80  }
0x360: {  	[tilespmem:s15], [sflag:$0x2] =	stream.indirect_vreg.gather [hbm4b:s4+s3], $0x80, v4, vm0, $0xb8;
	[tilespmem:$0x1C680] =	vst v63  }
0x361: {  	s15 =	simm.s32 $0x13680  }
0x362: {  	[tilespmem:s15], [sflag:$0x2] =	stream.indirect_vreg.gather [hbm4b:s2+s3], $0x80, v3, vm0, $0xb8;
	[tilespmem:$0x1C680] =	vst v63  }
0x363: {  	s15 =	simm.s32 $0x13E80  }
0x364: {  	[tilespmem:s15], [sflag:$0x2] =	stream.indirect_vreg.gather [hbm4b:s4+s3], $0x80, v3, vm0, $0xb8;
	[tilespmem:$0x1C680] =	vst v63  }
0x365: {  	v3 =	vld [tilespmem:$0x340];
	_ =	sdelay $0x4  }
0x366: {  	v18 =	vshll.u32 v3, $0x2  }
0x367: {  	v3 =	vand.u32 $0x7, v3;
	v4 =	vand.u32 $0xFFFFFFE0, v18  }
0x368: {  	v3 =	vor.u32 v3, v4  }
0x369: {  	v4 =	vperm.xlane v3, v0;
	_ =	sdelay $0x1  }
0x36a: {  	v4 =	vadd.s32 v1, v4;
	_ =	sdelay $0x1  }
0x36b: {  	v3 =	vperm.xlane v3, v2;
	_ =	sdelay $0x1  }
0x36c: {  	s15 =	simm.s32 $0x14680;
	v3 =	vadd.s32 v1, v3  }
0x36d: {  	[tilespmem:s15], [sflag:$0x2] =	stream.indirect_vreg.gather [hbm4b:s2+s3], $0x80, v4, vm0, $0xb8;
	[tilespmem:$0x1C680] =	vst v63  }
0x36e: {  	s15 =	simm.s32 $0x14E80  }
0x36f: {  	[tilespmem:s15], [sflag:$0x2] =	stream.indirect_vreg.gather [hbm4b:s4+s3], $0x80, v4, vm0, $0xb8;
	[tilespmem:$0x1C680] =	vst v63  }
0x370: {  	s15 =	simm.s32 $0x15680  }
0x371: {  	[tilespmem:s15], [sflag:$0x2] =	stream.indirect_vreg.gather [hbm4b:s2+s3], $0x80, v3, vm0, $0xb8;
	[tilespmem:$0x1C680] =	vst v63  }
0x372: {  	s15 =	simm.s32 $0x15E80  }
0x373: {  	[tilespmem:s15], [sflag:$0x2] =	stream.indirect_vreg.gather [hbm4b:s4+s3], $0x80, v3, vm0, $0xb8;
	[tilespmem:$0x1C680] =	vst v63  }
0x374: {  	v3 =	vld [tilespmem:$0x350];
	_ =	sdelay $0x4  }
0x375: {  	v19 =	vshll.u32 v3, $0x2  }
0x376: {  	v3 =	vand.u32 $0x7, v3;
	v4 =	vand.u32 $0xFFFFFFE0, v19  }
0x377: {  	v3 =	vor.u32 v3, v4  }
0x378: {  	v4 =	vperm.xlane v3, v0;
	_ =	sdelay $0x1  }
0x379: {  	v4 =	vadd.s32 v1, v4;
	_ =	sdelay $0x1  }
0x37a: {  	v3 =	vperm.xlane v3, v2;
	_ =	sdelay $0x1  }
0x37b: {  	s15 =	simm.s32 $0x16680;
	v3 =	vadd.s32 v1, v3  }
0x37c: {  	[tilespmem:s15], [sflag:$0x2] =	stream.indirect_vreg.gather [hbm4b:s2+s3], $0x80, v4, vm0, $0xb8;
	[tilespmem:$0x1C680] =	vst v63  }
0x37d: {  	s15 =	simm.s32 $0x16E80  }
0x37e: {  	[tilespmem:s15], [sflag:$0x2] =	stream.indirect_vreg.gather [hbm4b:s4+s3], $0x80, v4, vm0, $0xb8;
	[tilespmem:$0x1C680] =	vst v63  }
0x37f: {  	s15 =	simm.s32 $0x17680  }
0x380: {  	[tilespmem:s15], [sflag:$0x2] =	stream.indirect_vreg.gather [hbm4b:s2+s3], $0x80, v3, vm0, $0xb8;
	[tilespmem:$0x1C680] =	vst v63  }
0x381: {  	s15 =	simm.s32 $0x17E80  }
0x382: {  	[tilespmem:s15], [sflag:$0x2] =	stream.indirect_vreg.gather [hbm4b:s4+s3], $0x80, v3, vm0, $0xb8;
	[tilespmem:$0x1C680] =	vst v63  }
0x383: {  	v3 =	vld [tilespmem:$0x360];
	_ =	sdelay $0x4  }
0x384: {  	v20 =	vshll.u32 v3, $0x2  }
0x385: {  	v3 =	vand.u32 $0x7, v3;
	v4 =	vand.u32 $0xFFFFFFE0, v20  }
0x386: {  	v3 =	vor.u32 v3, v4  }
0x387: {  	v4 =	vperm.xlane v3, v0;
	_ =	sdelay $0x1  }
0x388: {  	v4 =	vadd.s32 v1, v4;
	_ =	sdelay $0x1  }
0x389: {  	v3 =	vperm.xlane v3, v2;
	_ =	sdelay $0x1  }
0x38a: {  	s15 =	simm.s32 $0x18680;
	v3 =	vadd.s32 v1, v3  }
0x38b: {  	[tilespmem:s15], [sflag:$0x2] =	stream.indirect_vreg.gather [hbm4b:s2+s3], $0x80, v4, vm0, $0xb8;
	[tilespmem:$0x1C680] =	vst v63  }
0x38c: {  	s15 =	simm.s32 $0x18E80  }
0x38d: {  	[tilespmem:s15], [sflag:$0x2] =	stream.indirect_vreg.gather [hbm4b:s4+s3], $0x80, v4, vm0, $0xb8;
	[tilespmem:$0x1C680] =	vst v63  }
0x38e: {  	s15 =	simm.s32 $0x19680  }
0x38f: {  	[tilespmem:s15], [sflag:$0x2] =	stream.indirect_vreg.gather [hbm4b:s2+s3], $0x80, v3, vm0, $0xb8;
	[tilespmem:$0x1C680] =	vst v63  }
0x390: {  	s15 =	simm.s32 $0x19E80  }
0x391: {  	[tilespmem:s15], [sflag:$0x2] =	stream.indirect_vreg.gather [hbm4b:s4+s3], $0x80, v3, vm0, $0xb8;
	[tilespmem:$0x1C680] =	vst v63  }
0x392: {  	v3 =	vld [tilespmem:$0x370];
	_ =	sdelay $0x4  }
0x393: {  	v21 =	vshll.u32 v3, $0x2  }
0x394: {  	v3 =	vand.u32 $0x7, v3;
	v4 =	vand.u32 $0xFFFFFFE0, v21  }
0x395: {  	v3 =	vor.u32 v3, v4  }
0x396: {  	v4 =	vperm.xlane v3, v0;
	_ =	sdelay $0x1  }
0x397: {  	v4 =	vadd.s32 v1, v4;
	_ =	sdelay $0x1  }
0x398: {  	v3 =	vperm.xlane v3, v2;
	_ =	sdelay $0x1  }
0x399: {  	s15 =	simm.s32 $0x1A680;
	v3 =	vadd.s32 v1, v3  }
0x39a: {  	[tilespmem:s15], [sflag:$0x2] =	stream.indirect_vreg.gather [hbm4b:s2+s3], $0x80, v4, vm0, $0xb8;
	[tilespmem:$0x1C680] =	vst v63  }
0x39b: {  	s15 =	simm.s32 $0x1AE80  }
0x39c: {  	[tilespmem:s15], [sflag:$0x2] =	stream.indirect_vreg.gather [hbm4b:s4+s3], $0x80, v4, vm0, $0xb8;
	[tilespmem:$0x1C680] =	vst v63  }
0x39d: {  	s15 =	simm.s32 $0x1B680  }
0x39e: {  	[tilespmem:s15], [sflag:$0x2] =	stream.indirect_vreg.gather [hbm4b:s2+s3], $0x80, v3, vm0, $0xb8;
	[tilespmem:$0x1C680] =	vst v63  }
0x39f: {  	s15 =	simm.s32 $0x1BE80  }
0x3a0: {  	[tilespmem:s15], [sflag:$0x2] =	stream.indirect_vreg.gather [hbm4b:s4+s3], $0x80, v3, vm0, $0xb8;
	[tilespmem:$0x1C680] =	vst v63  }
0x3a1: {  	_ =	swait.ge [sflag:s11], $0xE000  }
0x3a2: {  	[sflag:s11] =	ssyncset.done $0x0  }
0x3a3: {  	s15 =	rddreg [dreg:$0xc];
	[sflag:s11] =	ssyncadd.s32 $0xFFFF2000  }
0x3a4: {  	[hbm4b:s15+s3] =	stream.linear.scatter [tilespmem:s8], [sflag:$0x3], $0xE000, $0x38;
	[tilespmem:$0x1C680] =	vst v63  }
0x3a5: {  	_ =	swait.ge [sflag:s12], $0xE000  }
0x3a6: {  	[sflag:s12] =	ssyncset.done $0x0  }
0x3a7: {  	[sflag:s12] =	ssyncadd.s32 $0xFFFF2000  }
0x3a8: {  	v3 =	vld [tilespmem:$0x380];
	_ =	sdelay $0x4  }
0x3a9: {  	v22 =	vshll.u32 v3, $0x2  }
0x3aa: {  	v3 =	vand.u32 $0x7, v3;
	v4 =	vand.u32 $0xFFFFFFE0, v22  }
0x3ab: {  	v3 =	vor.u32 v3, v4  }
0x3ac: {  	v4 =	vperm.xlane v3, v0;
	_ =	sdelay $0x1  }
0x3ad: {  	v4 =	vadd.s32 v1, v4;
	_ =	sdelay $0x1  }
0x3ae: {  	v3 =	vperm.xlane v3, v2;
	_ =	sdelay $0x1  }
0x3af: {  	v3 =	vadd.s32 v1, v3  }
0x3b0: {  	[tilespmem:s8], [sflag:$0x1] =	stream.indirect_vreg.gather [hbm4b:s2+s3], $0x80, v4, vm0, $0xb8;
	[tilespmem:$0x1C680] =	vst v63  }
0x3b1: {  	s5 =	simm.s32 $0xE80  }
0x3b2: {  	[tilespmem:s5], [sflag:$0x1] =	stream.indirect_vreg.gather [hbm4b:s4+s3], $0x80, v4, vm0, $0xb8;
	[tilespmem:$0x1C680] =	vst v63  }
0x3b3: {  	s18 =	simm.s32 $0x1680  }
0x3b4: {  	[tilespmem:s18], [sflag:$0x1] =	stream.indirect_vreg.gather [hbm4b:s2+s3], $0x80, v3, vm0, $0xb8;
	[tilespmem:$0x1C680] =	vst v63  }
0x3b5: {  	s15 =	simm.s32 $0x1E80  }
0x3b6: {  	[tilespmem:s15], [sflag:$0x1] =	stream.indirect_vreg.gather [hbm4b:s4+s3], $0x80, v3, vm0, $0xb8;
	[tilespmem:$0x1C680] =	vst v63  }
0x3b7: {  	v3 =	vld [tilespmem:$0x390];
	_ =	sdelay $0x4  }
0x3b8: {  	v23 =	vshll.u32 v3, $0x2  }
0x3b9: {  	v3 =	vand.u32 $0x7, v3;
	v4 =	vand.u32 $0xFFFFFFE0, v23  }
0x3ba: {  	v3 =	vor.u32 v3, v4  }
0x3bb: {  	v4 =	vperm.xlane v3, v0;
	_ =	sdelay $0x1  }
0x3bc: {  	v4 =	vadd.s32 v1, v4;
	_ =	sdelay $0x1  }
0x3bd: {  	v3 =	vperm.xlane v3, v2;
	_ =	sdelay $0x1  }
0x3be: {  	s19 =	simm.s32 $0x2680;
	v3 =	vadd.s32 v1, v3  }
0x3bf: {  	[tilespmem:s19], [sflag:$0x1] =	stream.indirect_vreg.gather [hbm4b:s2+s3], $0x80, v4, vm0, $0xb8;
	[tilespmem:$0x1C680] =	vst v63  }
0x3c0: {  	s20 =	simm.s32 $0x2E80  }
0x3c1: {  	[tilespmem:s20], [sflag:$0x1] =	stream.indirect_vreg.gather [hbm4b:s4+s3], $0x80, v4, vm0, $0xb8;
	[tilespmem:$0x1C680] =	vst v63  }
0x3c2: {  	s21 =	simm.s32 $0x3680  }
0x3c3: {  	[tilespmem:s21], [sflag:$0x1] =	stream.indirect_vreg.gather [hbm4b:s2+s3], $0x80, v3, vm0, $0xb8;
	[tilespmem:$0x1C680] =	vst v63  }
0x3c4: {  	s15 =	simm.s32 $0x3E80  }
0x3c5: {  	[tilespmem:s15], [sflag:$0x1] =	stream.indirect_vreg.gather [hbm4b:s4+s3], $0x80, v3, vm0, $0xb8;
	[tilespmem:$0x1C680] =	vst v63  }
0x3c6: {  	v3 =	vld [tilespmem:$0x3A0];
	_ =	sdelay $0x4  }
0x3c7: {  	v24 =	vshll.u32 v3, $0x2  }
0x3c8: {  	v3 =	vand.u32 $0x7, v3;
	v4 =	vand.u32 $0xFFFFFFE0, v24  }
0x3c9: {  	v3 =	vor.u32 v3, v4  }
0x3ca: {  	v4 =	vperm.xlane v3, v0;
	_ =	sdelay $0x1  }
0x3cb: {  	v4 =	vadd.s32 v1, v4;
	_ =	sdelay $0x1  }
0x3cc: {  	v3 =	vperm.xlane v3, v2;
	_ =	sdelay $0x1  }
0x3cd: {  	s22 =	simm.s32 $0x4680;
	v3 =	vadd.s32 v1, v3  }
0x3ce: {  	[tilespmem:s22], [sflag:$0x1] =	stream.indirect_vreg.gather [hbm4b:s2+s3], $0x80, v4, vm0, $0xb8;
	[tilespmem:$0x1C680] =	vst v63  }
0x3cf: {  	s23 =	simm.s32 $0x4E80  }
0x3d0: {  	[tilespmem:s23], [sflag:$0x1] =	stream.indirect_vreg.gather [hbm4b:s4+s3], $0x80, v4, vm0, $0xb8;
	[tilespmem:$0x1C680] =	vst v63  }
0x3d1: {  	s24 =	simm.s32 $0x5680  }
0x3d2: {  	[tilespmem:s24], [sflag:$0x1] =	stream.indirect_vreg.gather [hbm4b:s2+s3], $0x80, v3, vm0, $0xb8;
	[tilespmem:$0x1C680] =	vst v63  }
0x3d3: {  	s15 =	simm.s32 $0x5E80  }
0x3d4: {  	[tilespmem:s15], [sflag:$0x1] =	stream.indirect_vreg.gather [hbm4b:s4+s3], $0x80, v3, vm0, $0xb8;
	[tilespmem:$0x1C680] =	vst v63  }
0x3d5: {  	v3 =	vld [tilespmem:$0x3B0];
	_ =	sdelay $0x4  }
0x3d6: {  	v25 =	vshll.u32 v3, $0x2  }
0x3d7: {  	v3 =	vand.u32 $0x7, v3;
	v4 =	vand.u32 $0xFFFFFFE0, v25  }
0x3d8: {  	v3 =	vor.u32 v3, v4  }
0x3d9: {  	v4 =	vperm.xlane v3, v0;
	_ =	sdelay $0x1  }
0x3da: {  	v4 =	vadd.s32 v1, v4;
	_ =	sdelay $0x1  }
0x3db: {  	v3 =	vperm.xlane v3, v2;
	_ =	sdelay $0x1  }
0x3dc: {  	s25 =	simm.s32 $0x6680;
	v3 =	vadd.s32 v1, v3  }
0x3dd: {  	[tilespmem:s25], [sflag:$0x1] =	stream.indirect_vreg.gather [hbm4b:s2+s3], $0x80, v4, vm0, $0xb8;
	[tilespmem:$0x1C680] =	vst v63  }
0x3de: {  	s26 =	simm.s32 $0x6E80  }
0x3df: {  	[tilespmem:s26], [sflag:$0x1] =	stream.indirect_vreg.gather [hbm4b:s4+s3], $0x80, v4, vm0, $0xb8;
	[tilespmem:$0x1C680] =	vst v63  }
0x3e0: {  	s28 =	simm.s32 $0x7680  }
0x3e1: {  	[tilespmem:s28], [sflag:$0x1] =	stream.indirect_vreg.gather [hbm4b:s2+s3], $0x80, v3, vm0, $0xb8;
	[tilespmem:$0x1C680] =	vst v63  }
0x3e2: {  	s15 =	simm.s32 $0x7E80  }
0x3e3: {  	[tilespmem:s15], [sflag:$0x1] =	stream.indirect_vreg.gather [hbm4b:s4+s3], $0x80, v3, vm0, $0xb8;
	[tilespmem:$0x1C680] =	vst v63  }
0x3e4: {  	v3 =	vld [tilespmem:$0x3C0];
	_ =	sdelay $0x4  }
0x3e5: {  	v26 =	vshll.u32 v3, $0x2  }
0x3e6: {  	v3 =	vand.u32 $0x7, v3;
	v4 =	vand.u32 $0xFFFFFFE0, v26  }
0x3e7: {  	v3 =	vor.u32 v3, v4  }
0x3e8: {  	v4 =	vperm.xlane v3, v0;
	_ =	sdelay $0x1  }
0x3e9: {  	v4 =	vadd.s32 v1, v4;
	_ =	sdelay $0x1  }
0x3ea: {  	v3 =	vperm.xlane v3, v2;
	_ =	sdelay $0x1  }
0x3eb: {  	s29 =	simm.s32 $0x8680;
	v3 =	vadd.s32 v1, v3  }
0x3ec: {  	[tilespmem:s29], [sflag:$0x1] =	stream.indirect_vreg.gather [hbm4b:s2+s3], $0x80, v4, vm0, $0xb8;
	[tilespmem:$0x1C680] =	vst v63  }
0x3ed: {  	s30 =	simm.s32 $0x8E80  }
0x3ee: {  	[tilespmem:s30], [sflag:$0x1] =	stream.indirect_vreg.gather [hbm4b:s4+s3], $0x80, v4, vm0, $0xb8;
	[tilespmem:$0x1C680] =	vst v63  }
0x3ef: {  	s31 =	simm.s32 $0x9680  }
0x3f0: {  	[tilespmem:s31], [sflag:$0x1] =	stream.indirect_vreg.gather [hbm4b:s2+s3], $0x80, v3, vm0, $0xb8;
	[tilespmem:$0x1C680] =	vst v63  }
0x3f1: {  	s15 =	simm.s32 $0x9E80  }
0x3f2: {  	[tilespmem:s15], [sflag:$0x1] =	stream.indirect_vreg.gather [hbm4b:s4+s3], $0x80, v3, vm0, $0xb8;
	[tilespmem:$0x1C680] =	vst v63  }
0x3f3: {  	v3 =	vld [tilespmem:$0x3D0];
	_ =	sdelay $0x4  }
0x3f4: {  	v27 =	vshll.u32 v3, $0x2  }
0x3f5: {  	v3 =	vand.u32 $0x7, v3;
	v4 =	vand.u32 $0xFFFFFFE0, v27  }
0x3f6: {  	v3 =	vor.u32 v3, v4  }
0x3f7: {  	v4 =	vperm.xlane v3, v0;
	_ =	sdelay $0x1  }
0x3f8: {  	v4 =	vadd.s32 v1, v4;
	_ =	sdelay $0x1  }
0x3f9: {  	v3 =	vperm.xlane v3, v2;
	_ =	sdelay $0x1  }
0x3fa: {  	s1 =	simm.s32 $0xA680;
	v3 =	vadd.s32 v1, v3  }
0x3fb: {  	[tilespmem:s1], [sflag:$0x1] =	stream.indirect_vreg.gather [hbm4b:s2+s3], $0x80, v4, vm0, $0xb8;
	[tilespmem:$0x1C680] =	vst v63  }
0x3fc: {  	s6 =	simm.s32 $0xAE80  }
0x3fd: {  	[tilespmem:s6], [sflag:$0x1] =	stream.indirect_vreg.gather [hbm4b:s4+s3], $0x80, v4, vm0, $0xb8;
	[tilespmem:$0x1C680] =	vst v63  }
0x3fe: {  	s7 =	simm.s32 $0xB680  }
0x3ff: {  	[tilespmem:s7], [sflag:$0x1] =	stream.indirect_vreg.gather [hbm4b:s2+s3], $0x80, v3, vm0, $0xb8;
	[tilespmem:$0x1C680] =	vst v63  }
0x400: {  	s15 =	simm.s32 $0xBE80  }
0x401: {  	[tilespmem:s15], [sflag:$0x1] =	stream.indirect_vreg.gather [hbm4b:s4+s3], $0x80, v3, vm0, $0xb8;
	[tilespmem:$0x1C680] =	vst v63  }
0x402: {  	v3 =	vld [tilespmem:$0x3E0];
	_ =	sdelay $0x4  }
0x403: {  	v28 =	vshll.u32 v3, $0x2  }
0x404: {  	v3 =	vand.u32 $0x7, v3;
	v4 =	vand.u32 $0xFFFFFFE0, v28  }
0x405: {  	v3 =	vor.u32 v3, v4  }
0x406: {  	v4 =	vperm.xlane v3, v0;
	_ =	sdelay $0x1  }
0x407: {  	v4 =	vadd.s32 v1, v4;
	_ =	sdelay $0x1  }
0x408: {  	v3 =	vperm.xlane v3, v2;
	_ =	sdelay $0x1  }
0x409: {  	s9 =	simm.s32 $0xC680;
	v3 =	vadd.s32 v1, v3  }
0x40a: {  	[tilespmem:s9], [sflag:$0x1] =	stream.indirect_vreg.gather [hbm4b:s2+s3], $0x80, v4, vm0, $0xb8;
	[tilespmem:$0x1C680] =	vst v63  }
0x40b: {  	s10 =	simm.s32 $0xCE80  }
0x40c: {  	[tilespmem:s10], [sflag:$0x1] =	stream.indirect_vreg.gather [hbm4b:s4+s3], $0x80, v4, vm0, $0xb8;
	[tilespmem:$0x1C680] =	vst v63  }
0x40d: {  	s17 =	simm.s32 $0xD680  }
0x40e: {  	[tilespmem:s17], [sflag:$0x1] =	stream.indirect_vreg.gather [hbm4b:s2+s3], $0x80, v3, vm0, $0xb8;
	[tilespmem:$0x1C680] =	vst v63  }
0x40f: {  	s15 =	simm.s32 $0xDE80  }
0x410: {  	[tilespmem:s15], [sflag:$0x1] =	stream.indirect_vreg.gather [hbm4b:s4+s3], $0x80, v3, vm0, $0xb8;
	[tilespmem:$0x1C680] =	vst v63  }
0x411: {  	_ =	swait.ge [sflag:s13], $0xE000  }
0x412: {  	[sflag:s13] =	ssyncset.done $0x0  }
0x413: {  	s1 =	rddreg [dreg:$0xd];
	[sflag:s13] =	ssyncadd.s32 $0xFFFF2000  }
0x414: {  	[hbm4b:s1+s3] =	stream.linear.scatter [tilespmem:s0], [sflag:$0x4], $0xE000, $0x38;
	[tilespmem:$0x1C680] =	vst v63  }
0x415: {  	_ =	swait.ge [sflag:s14], $0xE000  }
0x416: {  	[sflag:s14] =	ssyncset.done $0x0  }
0x417: {  	[sflag:s14] =	ssyncadd.s32 $0xFFFF2000  }
0x418: {  	v3 =	vld [tilespmem:$0x3F0];
	_ =	sdelay $0x4  }
0x419: {  	v29 =	vshll.u32 v3, $0x2  }
0x41a: {  	v3 =	vand.u32 $0x7, v3;
	v4 =	vand.u32 $0xFFFFFFE0, v29  }
0x41b: {  	v3 =	vor.u32 v3, v4  }
0x41c: {  	v4 =	vperm.xlane v3, v0;
	_ =	sdelay $0x1  }
0x41d: {  	v4 =	vadd.s32 v1, v4;
	_ =	sdelay $0x1  }
0x41e: {  	v3 =	vperm.xlane v3, v2;
	_ =	sdelay $0x1  }
0x41f: {  	v3 =	vadd.s32 v1, v3  }
0x420: {  	[tilespmem:s0], [sflag:$0x2] =	stream.indirect_vreg.gather [hbm4b:s2+s3], $0x80, v4, vm0, $0xb8;
	[tilespmem:$0x1C680] =	vst v63  }
0x421: {  	s16 =	simm.s32 $0xEE80  }
0x422: {  	[tilespmem:s16], [sflag:$0x2] =	stream.indirect_vreg.gather [hbm4b:s4+s3], $0x80, v4, vm0, $0xb8;
	[tilespmem:$0x1C680] =	vst v63  }
0x423: {  	s16 =	simm.s32 $0xF680  }
0x424: {  	[tilespmem:s16], [sflag:$0x2] =	stream.indirect_vreg.gather [hbm4b:s2+s3], $0x80, v3, vm0, $0xb8;
	[tilespmem:$0x1C680] =	vst v63  }
0x425: {  	s15 =	simm.s32 $0xFE80  }
0x426: {  	[tilespmem:s15], [sflag:$0x2] =	stream.indirect_vreg.gather [hbm4b:s4+s3], $0x80, v3, vm0, $0xb8;
	[tilespmem:$0x1C680] =	vst v63  }
0x427: {  	v3 =	vld [tilespmem:$0x400];
	_ =	sdelay $0x4  }
0x428: {  	v30 =	vshll.u32 v3, $0x2  }
0x429: {  	v3 =	vand.u32 $0x7, v3;
	v4 =	vand.u32 $0xFFFFFFE0, v30  }
0x42a: {  	v3 =	vor.u32 v3, v4  }
0x42b: {  	v4 =	vperm.xlane v3, v0;
	_ =	sdelay $0x1  }
0x42c: {  	v4 =	vadd.s32 v1, v4;
	_ =	sdelay $0x1  }
0x42d: {  	v3 =	vperm.xlane v3, v2;
	_ =	sdelay $0x1  }
0x42e: {  	s16 =	simm.s32 $0x10680;
	v3 =	vadd.s32 v1, v3  }
0x42f: {  	[tilespmem:s16], [sflag:$0x2] =	stream.indirect_vreg.gather [hbm4b:s2+s3], $0x80, v4, vm0, $0xb8;
	[tilespmem:$0x1C680] =	vst v63  }
0x430: {  	s15 =	simm.s32 $0x10E80  }
0x431: {  	[tilespmem:s15], [sflag:$0x2] =	stream.indirect_vreg.gather [hbm4b:s4+s3], $0x80, v4, vm0, $0xb8;
	[tilespmem:$0x1C680] =	vst v63  }
0x432: {  	s16 =	simm.s32 $0x11680  }
0x433: {  	[tilespmem:s16], [sflag:$0x2] =	stream.indirect_vreg.gather [hbm4b:s2+s3], $0x80, v3, vm0, $0xb8;
	[tilespmem:$0x1C680] =	vst v63  }
0x434: {  	s15 =	simm.s32 $0x11E80  }
0x435: {  	[tilespmem:s15], [sflag:$0x2] =	stream.indirect_vreg.gather [hbm4b:s4+s3], $0x80, v3, vm0, $0xb8;
	[tilespmem:$0x1C680] =	vst v63  }
0x436: {  	v3 =	vld [tilespmem:$0x410];
	_ =	sdelay $0x4  }
0x437: {  	v31 =	vshll.u32 v3, $0x2  }
0x438: {  	v3 =	vand.u32 $0x7, v3;
	v4 =	vand.u32 $0xFFFFFFE0, v31  }
0x439: {  	v3 =	vor.u32 v3, v4  }
0x43a: {  	v4 =	vperm.xlane v3, v0;
	_ =	sdelay $0x1  }
0x43b: {  	v4 =	vadd.s32 v1, v4;
	_ =	sdelay $0x1  }
0x43c: {  	v3 =	vperm.xlane v3, v2;
	_ =	sdelay $0x1  }
0x43d: {  	s16 =	simm.s32 $0x12680;
	v3 =	vadd.s32 v1, v3  }
0x43e: {  	[tilespmem:s16], [sflag:$0x2] =	stream.indirect_vreg.gather [hbm4b:s2+s3], $0x80, v4, vm0, $0xb8;
	[tilespmem:$0x1C680] =	vst v63  }
0x43f: {  	s15 =	simm.s32 $0x12E80  }
0x440: {  	[tilespmem:s15], [sflag:$0x2] =	stream.indirect_vreg.gather [hbm4b:s4+s3], $0x80, v4, vm0, $0xb8;
	[tilespmem:$0x1C680] =	vst v63  }
0x441: {  	s16 =	simm.s32 $0x13680  }
0x442: {  	[tilespmem:s16], [sflag:$0x2] =	stream.indirect_vreg.gather [hbm4b:s2+s3], $0x80, v3, vm0, $0xb8;
	[tilespmem:$0x1C680] =	vst v63  }
0x443: {  	s15 =	simm.s32 $0x13E80  }
0x444: {  	[tilespmem:s15], [sflag:$0x2] =	stream.indirect_vreg.gather [hbm4b:s4+s3], $0x80, v3, vm0, $0xb8;
	[tilespmem:$0x1C680] =	vst v63  }
0x445: {  	v3 =	vld [tilespmem:$0x420];
	_ =	sdelay $0x4  }
0x446: {  	v32 =	vshll.u32 v3, $0x2  }
0x447: {  	v3 =	vand.u32 $0x7, v3;
	v4 =	vand.u32 $0xFFFFFFE0, v32  }
0x448: {  	v3 =	vor.u32 v3, v4  }
0x449: {  	v4 =	vperm.xlane v3, v0;
	_ =	sdelay $0x1  }
0x44a: {  	v4 =	vadd.s32 v1, v4;
	_ =	sdelay $0x1  }
0x44b: {  	v3 =	vperm.xlane v3, v2;
	_ =	sdelay $0x1  }
0x44c: {  	s16 =	simm.s32 $0x14680;
	v3 =	vadd.s32 v1, v3  }
0x44d: {  	[tilespmem:s16], [sflag:$0x2] =	stream.indirect_vreg.gather [hbm4b:s2+s3], $0x80, v4, vm0, $0xb8;
	[tilespmem:$0x1C680] =	vst v63  }
0x44e: {  	s15 =	simm.s32 $0x14E80  }
0x44f: {  	[tilespmem:s15], [sflag:$0x2] =	stream.indirect_vreg.gather [hbm4b:s4+s3], $0x80, v4, vm0, $0xb8;
	[tilespmem:$0x1C680] =	vst v63  }
0x450: {  	s16 =	simm.s32 $0x15680  }
0x451: {  	[tilespmem:s16], [sflag:$0x2] =	stream.indirect_vreg.gather [hbm4b:s2+s3], $0x80, v3, vm0, $0xb8;
	[tilespmem:$0x1C680] =	vst v63  }
0x452: {  	s15 =	simm.s32 $0x15E80  }
0x453: {  	[tilespmem:s15], [sflag:$0x2] =	stream.indirect_vreg.gather [hbm4b:s4+s3], $0x80, v3, vm0, $0xb8;
	[tilespmem:$0x1C680] =	vst v63  }
0x454: {  	v3 =	vld [tilespmem:$0x430];
	_ =	sdelay $0x4  }
0x455: {  	v33 =	vshll.u32 v3, $0x2  }
0x456: {  	v3 =	vand.u32 $0x7, v3;
	v4 =	vand.u32 $0xFFFFFFE0, v33  }
0x457: {  	v3 =	vor.u32 v3, v4  }
0x458: {  	v4 =	vperm.xlane v3, v0;
	_ =	sdelay $0x1  }
0x459: {  	v4 =	vadd.s32 v1, v4;
	_ =	sdelay $0x1  }
0x45a: {  	v3 =	vperm.xlane v3, v2;
	_ =	sdelay $0x1  }
0x45b: {  	s16 =	simm.s32 $0x16680;
	v3 =	vadd.s32 v1, v3  }
0x45c: {  	[tilespmem:s16], [sflag:$0x2] =	stream.indirect_vreg.gather [hbm4b:s2+s3], $0x80, v4, vm0, $0xb8;
	[tilespmem:$0x1C680] =	vst v63  }
0x45d: {  	s15 =	simm.s32 $0x16E80  }
0x45e: {  	[tilespmem:s15], [sflag:$0x2] =	stream.indirect_vreg.gather [hbm4b:s4+s3], $0x80, v4, vm0, $0xb8;
	[tilespmem:$0x1C680] =	vst v63  }
0x45f: {  	s16 =	simm.s32 $0x17680  }
0x460: {  	[tilespmem:s16], [sflag:$0x2] =	stream.indirect_vreg.gather [hbm4b:s2+s3], $0x80, v3, vm0, $0xb8;
	[tilespmem:$0x1C680] =	vst v63  }
0x461: {  	s15 =	simm.s32 $0x17E80  }
0x462: {  	[tilespmem:s15], [sflag:$0x2] =	stream.indirect_vreg.gather [hbm4b:s4+s3], $0x80, v3, vm0, $0xb8;
	[tilespmem:$0x1C680] =	vst v63  }
0x463: {  	v3 =	vld [tilespmem:$0x440];
	_ =	sdelay $0x4  }
0x464: {  	v34 =	vshll.u32 v3, $0x2  }
0x465: {  	v3 =	vand.u32 $0x7, v3;
	v4 =	vand.u32 $0xFFFFFFE0, v34  }
0x466: {  	v3 =	vor.u32 v3, v4  }
0x467: {  	v4 =	vperm.xlane v3, v0;
	_ =	sdelay $0x1  }
0x468: {  	v4 =	vadd.s32 v1, v4;
	_ =	sdelay $0x1  }
0x469: {  	v3 =	vperm.xlane v3, v2;
	_ =	sdelay $0x1  }
0x46a: {  	s16 =	simm.s32 $0x18680;
	v3 =	vadd.s32 v1, v3  }
0x46b: {  	[tilespmem:s16], [sflag:$0x2] =	stream.indirect_vreg.gather [hbm4b:s2+s3], $0x80, v4, vm0, $0xb8;
	[tilespmem:$0x1C680] =	vst v63  }
0x46c: {  	s15 =	simm.s32 $0x18E80  }
0x46d: {  	[tilespmem:s15], [sflag:$0x2] =	stream.indirect_vreg.gather [hbm4b:s4+s3], $0x80, v4, vm0, $0xb8;
	[tilespmem:$0x1C680] =	vst v63  }
0x46e: {  	s16 =	simm.s32 $0x19680  }
0x46f: {  	[tilespmem:s16], [sflag:$0x2] =	stream.indirect_vreg.gather [hbm4b:s2+s3], $0x80, v3, vm0, $0xb8;
	[tilespmem:$0x1C680] =	vst v63  }
0x470: {  	s15 =	simm.s32 $0x19E80  }
0x471: {  	[tilespmem:s15], [sflag:$0x2] =	stream.indirect_vreg.gather [hbm4b:s4+s3], $0x80, v3, vm0, $0xb8;
	[tilespmem:$0x1C680] =	vst v63  }
0x472: {  	v3 =	vld [tilespmem:$0x450];
	_ =	sdelay $0x4  }
0x473: {  	v35 =	vshll.u32 v3, $0x2  }
0x474: {  	v3 =	vand.u32 $0x7, v3;
	v4 =	vand.u32 $0xFFFFFFE0, v35  }
0x475: {  	v3 =	vor.u32 v3, v4  }
0x476: {  	v4 =	vperm.xlane v3, v0;
	_ =	sdelay $0x1  }
0x477: {  	v4 =	vadd.s32 v1, v4;
	_ =	sdelay $0x1  }
0x478: {  	v3 =	vperm.xlane v3, v2;
	_ =	sdelay $0x1  }
0x479: {  	s16 =	simm.s32 $0x1A680;
	v3 =	vadd.s32 v1, v3  }
0x47a: {  	[tilespmem:s16], [sflag:$0x2] =	stream.indirect_vreg.gather [hbm4b:s2+s3], $0x80, v4, vm0, $0xb8;
	[tilespmem:$0x1C680] =	vst v63  }
0x47b: {  	s15 =	simm.s32 $0x1AE80  }
0x47c: {  	[tilespmem:s15], [sflag:$0x2] =	stream.indirect_vreg.gather [hbm4b:s4+s3], $0x80, v4, vm0, $0xb8;
	[tilespmem:$0x1C680] =	vst v63  }
0x47d: {  	s16 =	simm.s32 $0x1B680  }
0x47e: {  	[tilespmem:s16], [sflag:$0x2] =	stream.indirect_vreg.gather [hbm4b:s2+s3], $0x80, v3, vm0, $0xb8;
	[tilespmem:$0x1C680] =	vst v63  }
0x47f: {  	s15 =	simm.s32 $0x1BE80  }
0x480: {  	[tilespmem:s15], [sflag:$0x2] =	stream.indirect_vreg.gather [hbm4b:s4+s3], $0x80, v3, vm0, $0xb8;
	[tilespmem:$0x1C680] =	vst v63  }
0x481: {  	_ =	swait.ge [sflag:s11], $0xE000  }
0x482: {  	[sflag:s11] =	ssyncset.done $0x0  }
0x483: {  	s16 =	rddreg [dreg:$0xe];
	[sflag:s11] =	ssyncadd.s32 $0xFFFF2000  }
0x484: {  	[hbm4b:s16+s3] =	stream.linear.scatter [tilespmem:s8], [sflag:$0x3], $0xE000, $0x38;
	[tilespmem:$0x1C680] =	vst v63  }
0x485: {  	_ =	swait.ge [sflag:s12], $0xE000  }
0x486: {  	[sflag:s12] =	ssyncset.done $0x0  }
0x487: {  	[sflag:s12] =	ssyncadd.s32 $0xFFFF2000  }
0x488: {  	v3 =	vld [tilespmem:$0x460];
	_ =	sdelay $0x4  }
0x489: {  	v36 =	vshll.u32 v3, $0x2  }
0x48a: {  	v3 =	vand.u32 $0x7, v3;
	v4 =	vand.u32 $0xFFFFFFE0, v36  }
0x48b: {  	v3 =	vor.u32 v3, v4  }
0x48c: {  	v4 =	vperm.xlane v3, v0;
	_ =	sdelay $0x1  }
0x48d: {  	v4 =	vadd.s32 v1, v4;
	_ =	sdelay $0x1  }
0x48e: {  	v3 =	vperm.xlane v3, v2;
	_ =	sdelay $0x1  }
0x48f: {  	v3 =	vadd.s32 v1, v3  }
0x490: {  	[tilespmem:s8], [sflag:$0x1] =	stream.indirect_vreg.gather [hbm4b:s2+s3], $0x80, v4, vm0, $0xb8;
	[tilespmem:$0x1C680] =	vst v63  }
0x491: {  	s5 =	simm.s32 $0xE80  }
0x492: {  	[tilespmem:s5], [sflag:$0x1] =	stream.indirect_vreg.gather [hbm4b:s4+s3], $0x80, v4, vm0, $0xb8;
	[tilespmem:$0x1C680] =	vst v63  }
0x493: {  	s18 =	simm.s32 $0x1680  }
0x494: {  	[tilespmem:s18], [sflag:$0x1] =	stream.indirect_vreg.gather [hbm4b:s2+s3], $0x80, v3, vm0, $0xb8;
	[tilespmem:$0x1C680] =	vst v63  }
0x495: {  	s18 =	simm.s32 $0x1E80  }
0x496: {  	[tilespmem:s18], [sflag:$0x1] =	stream.indirect_vreg.gather [hbm4b:s4+s3], $0x80, v3, vm0, $0xb8;
	[tilespmem:$0x1C680] =	vst v63  }
0x497: {  	v3 =	vld [tilespmem:$0x470];
	_ =	sdelay $0x4  }
0x498: {  	v37 =	vshll.u32 v3, $0x2  }
0x499: {  	v3 =	vand.u32 $0x7, v3;
	v4 =	vand.u32 $0xFFFFFFE0, v37  }
0x49a: {  	v3 =	vor.u32 v3, v4  }
0x49b: {  	v4 =	vperm.xlane v3, v0;
	_ =	sdelay $0x1  }
0x49c: {  	v4 =	vadd.s32 v1, v4;
	_ =	sdelay $0x1  }
0x49d: {  	v3 =	vperm.xlane v3, v2;
	_ =	sdelay $0x1  }
0x49e: {  	s19 =	simm.s32 $0x2680;
	v3 =	vadd.s32 v1, v3  }
0x49f: {  	[tilespmem:s19], [sflag:$0x1] =	stream.indirect_vreg.gather [hbm4b:s2+s3], $0x80, v4, vm0, $0xb8;
	[tilespmem:$0x1C680] =	vst v63  }
0x4a0: {  	s20 =	simm.s32 $0x2E80  }
0x4a1: {  	[tilespmem:s20], [sflag:$0x1] =	stream.indirect_vreg.gather [hbm4b:s4+s3], $0x80, v4, vm0, $0xb8;
	[tilespmem:$0x1C680] =	vst v63  }
0x4a2: {  	s21 =	simm.s32 $0x3680  }
0x4a3: {  	[tilespmem:s21], [sflag:$0x1] =	stream.indirect_vreg.gather [hbm4b:s2+s3], $0x80, v3, vm0, $0xb8;
	[tilespmem:$0x1C680] =	vst v63  }
0x4a4: {  	s21 =	simm.s32 $0x3E80  }
0x4a5: {  	[tilespmem:s21], [sflag:$0x1] =	stream.indirect_vreg.gather [hbm4b:s4+s3], $0x80, v3, vm0, $0xb8;
	[tilespmem:$0x1C680] =	vst v63  }
0x4a6: {  	v3 =	vld [tilespmem:$0x480];
	_ =	sdelay $0x4  }
0x4a7: {  	v38 =	vshll.u32 v3, $0x2  }
0x4a8: {  	v3 =	vand.u32 $0x7, v3;
	v4 =	vand.u32 $0xFFFFFFE0, v38  }
0x4a9: {  	v3 =	vor.u32 v3, v4  }
0x4aa: {  	v4 =	vperm.xlane v3, v0;
	_ =	sdelay $0x1  }
0x4ab: {  	v4 =	vadd.s32 v1, v4;
	_ =	sdelay $0x1  }
0x4ac: {  	v3 =	vperm.xlane v3, v2;
	_ =	sdelay $0x1  }
0x4ad: {  	s22 =	simm.s32 $0x4680;
	v3 =	vadd.s32 v1, v3  }
0x4ae: {  	[tilespmem:s22], [sflag:$0x1] =	stream.indirect_vreg.gather [hbm4b:s2+s3], $0x80, v4, vm0, $0xb8;
	[tilespmem:$0x1C680] =	vst v63  }
0x4af: {  	s23 =	simm.s32 $0x4E80  }
0x4b0: {  	[tilespmem:s23], [sflag:$0x1] =	stream.indirect_vreg.gather [hbm4b:s4+s3], $0x80, v4, vm0, $0xb8;
	[tilespmem:$0x1C680] =	vst v63  }
0x4b1: {  	s24 =	simm.s32 $0x5680  }
0x4b2: {  	[tilespmem:s24], [sflag:$0x1] =	stream.indirect_vreg.gather [hbm4b:s2+s3], $0x80, v3, vm0, $0xb8;
	[tilespmem:$0x1C680] =	vst v63  }
0x4b3: {  	s24 =	simm.s32 $0x5E80  }
0x4b4: {  	[tilespmem:s24], [sflag:$0x1] =	stream.indirect_vreg.gather [hbm4b:s4+s3], $0x80, v3, vm0, $0xb8;
	[tilespmem:$0x1C680] =	vst v63  }
0x4b5: {  	v3 =	vld [tilespmem:$0x490];
	_ =	sdelay $0x4  }
0x4b6: {  	v39 =	vshll.u32 v3, $0x2  }
0x4b7: {  	v3 =	vand.u32 $0x7, v3;
	v4 =	vand.u32 $0xFFFFFFE0, v39  }
0x4b8: {  	v3 =	vor.u32 v3, v4  }
0x4b9: {  	v4 =	vperm.xlane v3, v0;
	_ =	sdelay $0x1  }
0x4ba: {  	v4 =	vadd.s32 v1, v4;
	_ =	sdelay $0x1  }
0x4bb: {  	v3 =	vperm.xlane v3, v2;
	_ =	sdelay $0x1  }
0x4bc: {  	s25 =	simm.s32 $0x6680;
	v3 =	vadd.s32 v1, v3  }
0x4bd: {  	[tilespmem:s25], [sflag:$0x1] =	stream.indirect_vreg.gather [hbm4b:s2+s3], $0x80, v4, vm0, $0xb8;
	[tilespmem:$0x1C680] =	vst v63  }
0x4be: {  	s26 =	simm.s32 $0x6E80  }
0x4bf: {  	[tilespmem:s26], [sflag:$0x1] =	stream.indirect_vreg.gather [hbm4b:s4+s3], $0x80, v4, vm0, $0xb8;
	[tilespmem:$0x1C680] =	vst v63  }
0x4c0: {  	s28 =	simm.s32 $0x7680  }
0x4c1: {  	[tilespmem:s28], [sflag:$0x1] =	stream.indirect_vreg.gather [hbm4b:s2+s3], $0x80, v3, vm0, $0xb8;
	[tilespmem:$0x1C680] =	vst v63  }
0x4c2: {  	s28 =	simm.s32 $0x7E80  }
0x4c3: {  	[tilespmem:s28], [sflag:$0x1] =	stream.indirect_vreg.gather [hbm4b:s4+s3], $0x80, v3, vm0, $0xb8;
	[tilespmem:$0x1C680] =	vst v63  }
0x4c4: {  	v3 =	vld [tilespmem:$0x4A0];
	_ =	sdelay $0x4  }
0x4c5: {  	v40 =	vshll.u32 v3, $0x2  }
0x4c6: {  	v3 =	vand.u32 $0x7, v3;
	v4 =	vand.u32 $0xFFFFFFE0, v40  }
0x4c7: {  	v3 =	vor.u32 v3, v4  }
0x4c8: {  	v4 =	vperm.xlane v3, v0;
	_ =	sdelay $0x1  }
0x4c9: {  	v4 =	vadd.s32 v1, v4;
	_ =	sdelay $0x1  }
0x4ca: {  	v3 =	vperm.xlane v3, v2;
	_ =	sdelay $0x1  }
0x4cb: {  	s29 =	simm.s32 $0x8680;
	v3 =	vadd.s32 v1, v3  }
0x4cc: {  	[tilespmem:s29], [sflag:$0x1] =	stream.indirect_vreg.gather [hbm4b:s2+s3], $0x80, v4, vm0, $0xb8;
	[tilespmem:$0x1C680] =	vst v63  }
0x4cd: {  	s30 =	simm.s32 $0x8E80  }
0x4ce: {  	[tilespmem:s30], [sflag:$0x1] =	stream.indirect_vreg.gather [hbm4b:s4+s3], $0x80, v4, vm0, $0xb8;
	[tilespmem:$0x1C680] =	vst v63  }
0x4cf: {  	s31 =	simm.s32 $0x9680  }
0x4d0: {  	[tilespmem:s31], [sflag:$0x1] =	stream.indirect_vreg.gather [hbm4b:s2+s3], $0x80, v3, vm0, $0xb8;
	[tilespmem:$0x1C680] =	vst v63  }
0x4d1: {  	s16 =	simm.s32 $0x9E80  }
0x4d2: {  	[tilespmem:s16], [sflag:$0x1] =	stream.indirect_vreg.gather [hbm4b:s4+s3], $0x80, v3, vm0, $0xb8;
	[tilespmem:$0x1C680] =	vst v63  }
0x4d3: {  	v3 =	vld [tilespmem:$0x4B0];
	_ =	sdelay $0x4  }
0x4d4: {  	v41 =	vshll.u32 v3, $0x2  }
0x4d5: {  	v3 =	vand.u32 $0x7, v3;
	v4 =	vand.u32 $0xFFFFFFE0, v41  }
0x4d6: {  	v3 =	vor.u32 v3, v4  }
0x4d7: {  	v4 =	vperm.xlane v3, v0;
	_ =	sdelay $0x1  }
0x4d8: {  	v4 =	vadd.s32 v1, v4;
	_ =	sdelay $0x1  }
0x4d9: {  	v3 =	vperm.xlane v3, v2;
	_ =	sdelay $0x1  }
0x4da: {  	s31 =	simm.s32 $0xA680;
	v3 =	vadd.s32 v1, v3  }
0x4db: {  	[tilespmem:s31], [sflag:$0x1] =	stream.indirect_vreg.gather [hbm4b:s2+s3], $0x80, v4, vm0, $0xb8;
	[tilespmem:$0x1C680] =	vst v63  }
0x4dc: {  	s6 =	simm.s32 $0xAE80  }
0x4dd: {  	[tilespmem:s6], [sflag:$0x1] =	stream.indirect_vreg.gather [hbm4b:s4+s3], $0x80, v4, vm0, $0xb8;
	[tilespmem:$0x1C680] =	vst v63  }
0x4de: {  	s7 =	simm.s32 $0xB680  }
0x4df: {  	[tilespmem:s7], [sflag:$0x1] =	stream.indirect_vreg.gather [hbm4b:s2+s3], $0x80, v3, vm0, $0xb8;
	[tilespmem:$0x1C680] =	vst v63  }
0x4e0: {  	s16 =	simm.s32 $0xBE80  }
0x4e1: {  	[tilespmem:s16], [sflag:$0x1] =	stream.indirect_vreg.gather [hbm4b:s4+s3], $0x80, v3, vm0, $0xb8;
	[tilespmem:$0x1C680] =	vst v63  }
0x4e2: {  	v3 =	vld [tilespmem:$0x4C0];
	_ =	sdelay $0x4  }
0x4e3: {  	v42 =	vshll.u32 v3, $0x2  }
0x4e4: {  	v3 =	vand.u32 $0x7, v3;
	v4 =	vand.u32 $0xFFFFFFE0, v42  }
0x4e5: {  	v3 =	vor.u32 v3, v4  }
0x4e6: {  	v4 =	vperm.xlane v3, v0;
	_ =	sdelay $0x1  }
0x4e7: {  	v4 =	vadd.s32 v1, v4;
	_ =	sdelay $0x1  }
0x4e8: {  	v3 =	vperm.xlane v3, v2;
	_ =	sdelay $0x1  }
0x4e9: {  	s9 =	simm.s32 $0xC680;
	v3 =	vadd.s32 v1, v3  }
0x4ea: {  	[tilespmem:s9], [sflag:$0x1] =	stream.indirect_vreg.gather [hbm4b:s2+s3], $0x80, v4, vm0, $0xb8;
	[tilespmem:$0x1C680] =	vst v63  }
0x4eb: {  	s10 =	simm.s32 $0xCE80  }
0x4ec: {  	[tilespmem:s10], [sflag:$0x1] =	stream.indirect_vreg.gather [hbm4b:s4+s3], $0x80, v4, vm0, $0xb8;
	[tilespmem:$0x1C680] =	vst v63  }
0x4ed: {  	s17 =	simm.s32 $0xD680  }
0x4ee: {  	[tilespmem:s17], [sflag:$0x1] =	stream.indirect_vreg.gather [hbm4b:s2+s3], $0x80, v3, vm0, $0xb8;
	[tilespmem:$0x1C680] =	vst v63  }
0x4ef: {  	s17 =	simm.s32 $0xDE80  }
0x4f0: {  	[tilespmem:s17], [sflag:$0x1] =	stream.indirect_vreg.gather [hbm4b:s4+s3], $0x80, v3, vm0, $0xb8;
	[tilespmem:$0x1C680] =	vst v63  }
0x4f1: {  	_ =	swait.ge [sflag:s13], $0xE000  }
0x4f2: {  	[sflag:s13] =	ssyncset.done $0x0  }
0x4f3: {  	s17 =	rddreg [dreg:$0xf];
	[sflag:s13] =	ssyncadd.s32 $0xFFFF2000  }
0x4f4: {  	[hbm4b:s17+s3] =	stream.linear.scatter [tilespmem:s0], [sflag:$0x4], $0xE000, $0x38;
	[tilespmem:$0x1C680] =	vst v63  }
0x4f5: {  	_ =	swait.ge [sflag:s14], $0xE000  }
0x4f6: {  	[sflag:s14] =	ssyncset.done $0x0  }
0x4f7: {  	[sflag:s14] =	ssyncadd.s32 $0xFFFF2000  }
0x4f8: {  	v3 =	vld [tilespmem:$0x4D0];
	_ =	sdelay $0x4  }
0x4f9: {  	v43 =	vshll.u32 v3, $0x2  }
0x4fa: {  	v3 =	vand.u32 $0x7, v3;
	v4 =	vand.u32 $0xFFFFFFE0, v43  }
0x4fb: {  	v3 =	vor.u32 v3, v4  }
0x4fc: {  	v4 =	vperm.xlane v3, v0;
	_ =	sdelay $0x1  }
0x4fd: {  	v4 =	vadd.s32 v1, v4;
	_ =	sdelay $0x1  }
0x4fe: {  	v3 =	vperm.xlane v3, v2;
	_ =	sdelay $0x1  }
0x4ff: {  	v3 =	vadd.s32 v1, v3  }
0x500: {  	[tilespmem:s0], [sflag:$0x2] =	stream.indirect_vreg.gather [hbm4b:s2+s3], $0x80, v4, vm0, $0xb8;
	[tilespmem:$0x1C680] =	vst v63  }
0x501: {  	s17 =	simm.s32 $0xEE80  }
0x502: {  	[tilespmem:s17], [sflag:$0x2] =	stream.indirect_vreg.gather [hbm4b:s4+s3], $0x80, v4, vm0, $0xb8;
	[tilespmem:$0x1C680] =	vst v63  }
0x503: {  	s15 =	simm.s32 $0xF680  }
0x504: {  	[tilespmem:s15], [sflag:$0x2] =	stream.indirect_vreg.gather [hbm4b:s2+s3], $0x80, v3, vm0, $0xb8;
	[tilespmem:$0x1C680] =	vst v63  }
0x505: {  	s15 =	simm.s32 $0xFE80  }
0x506: {  	[tilespmem:s15], [sflag:$0x2] =	stream.indirect_vreg.gather [hbm4b:s4+s3], $0x80, v3, vm0, $0xb8;
	[tilespmem:$0x1C680] =	vst v63  }
0x507: {  	v3 =	vld [tilespmem:$0x4E0];
	_ =	sdelay $0x4  }
0x508: {  	v44 =	vshll.u32 v3, $0x2  }
0x509: {  	v3 =	vand.u32 $0x7, v3;
	v4 =	vand.u32 $0xFFFFFFE0, v44  }
0x50a: {  	v3 =	vor.u32 v3, v4  }
0x50b: {  	v4 =	vperm.xlane v3, v0;
	_ =	sdelay $0x1  }
0x50c: {  	v4 =	vadd.s32 v1, v4;
	_ =	sdelay $0x1  }
0x50d: {  	v3 =	vperm.xlane v3, v2;
	_ =	sdelay $0x1  }
0x50e: {  	s15 =	simm.s32 $0x10680;
	v3 =	vadd.s32 v1, v3  }
0x50f: {  	[tilespmem:s15], [sflag:$0x2] =	stream.indirect_vreg.gather [hbm4b:s2+s3], $0x80, v4, vm0, $0xb8;
	[tilespmem:$0x1C680] =	vst v63  }
0x510: {  	s15 =	simm.s32 $0x10E80  }
0x511: {  	[tilespmem:s15], [sflag:$0x2] =	stream.indirect_vreg.gather [hbm4b:s4+s3], $0x80, v4, vm0, $0xb8;
	[tilespmem:$0x1C680] =	vst v63  }
0x512: {  	s15 =	simm.s32 $0x11680  }
0x513: {  	[tilespmem:s15], [sflag:$0x2] =	stream.indirect_vreg.gather [hbm4b:s2+s3], $0x80, v3, vm0, $0xb8;
	[tilespmem:$0x1C680] =	vst v63  }
0x514: {  	s15 =	simm.s32 $0x11E80  }
0x515: {  	[tilespmem:s15], [sflag:$0x2] =	stream.indirect_vreg.gather [hbm4b:s4+s3], $0x80, v3, vm0, $0xb8;
	[tilespmem:$0x1C680] =	vst v63  }
0x516: {  	v3 =	vld [tilespmem:$0x4F0];
	_ =	sdelay $0x4  }
0x517: {  	v45 =	vshll.u32 v3, $0x2  }
0x518: {  	v3 =	vand.u32 $0x7, v3;
	v4 =	vand.u32 $0xFFFFFFE0, v45  }
0x519: {  	v3 =	vor.u32 v3, v4  }
0x51a: {  	v4 =	vperm.xlane v3, v0;
	_ =	sdelay $0x1  }
0x51b: {  	v4 =	vadd.s32 v1, v4;
	_ =	sdelay $0x1  }
0x51c: {  	v3 =	vperm.xlane v3, v2;
	_ =	sdelay $0x1  }
0x51d: {  	s15 =	simm.s32 $0x12680;
	v3 =	vadd.s32 v1, v3  }
0x51e: {  	[tilespmem:s15], [sflag:$0x2] =	stream.indirect_vreg.gather [hbm4b:s2+s3], $0x80, v4, vm0, $0xb8;
	[tilespmem:$0x1C680] =	vst v63  }
0x51f: {  	s15 =	simm.s32 $0x12E80  }
0x520: {  	[tilespmem:s15], [sflag:$0x2] =	stream.indirect_vreg.gather [hbm4b:s4+s3], $0x80, v4, vm0, $0xb8;
	[tilespmem:$0x1C680] =	vst v63  }
0x521: {  	s15 =	simm.s32 $0x13680  }
0x522: {  	[tilespmem:s15], [sflag:$0x2] =	stream.indirect_vreg.gather [hbm4b:s2+s3], $0x80, v3, vm0, $0xb8;
	[tilespmem:$0x1C680] =	vst v63  }
0x523: {  	s15 =	simm.s32 $0x13E80  }
0x524: {  	[tilespmem:s15], [sflag:$0x2] =	stream.indirect_vreg.gather [hbm4b:s4+s3], $0x80, v3, vm0, $0xb8;
	[tilespmem:$0x1C680] =	vst v63  }
0x525: {  	v3 =	vld [tilespmem:$0x500];
	_ =	sdelay $0x4  }
0x526: {  	v46 =	vshll.u32 v3, $0x2  }
0x527: {  	v3 =	vand.u32 $0x7, v3;
	v4 =	vand.u32 $0xFFFFFFE0, v46  }
0x528: {  	v3 =	vor.u32 v3, v4  }
0x529: {  	v4 =	vperm.xlane v3, v0;
	_ =	sdelay $0x1  }
0x52a: {  	v4 =	vadd.s32 v1, v4;
	_ =	sdelay $0x1  }
0x52b: {  	v3 =	vperm.xlane v3, v2;
	_ =	sdelay $0x1  }
0x52c: {  	s15 =	simm.s32 $0x14680;
	v3 =	vadd.s32 v1, v3  }
0x52d: {  	[tilespmem:s15], [sflag:$0x2] =	stream.indirect_vreg.gather [hbm4b:s2+s3], $0x80, v4, vm0, $0xb8;
	[tilespmem:$0x1C680] =	vst v63  }
0x52e: {  	s15 =	simm.s32 $0x14E80  }
0x52f: {  	[tilespmem:s15], [sflag:$0x2] =	stream.indirect_vreg.gather [hbm4b:s4+s3], $0x80, v4, vm0, $0xb8;
	[tilespmem:$0x1C680] =	vst v63  }
0x530: {  	s15 =	simm.s32 $0x15680  }
0x531: {  	[tilespmem:s15], [sflag:$0x2] =	stream.indirect_vreg.gather [hbm4b:s2+s3], $0x80, v3, vm0, $0xb8;
	[tilespmem:$0x1C680] =	vst v63  }
0x532: {  	s15 =	simm.s32 $0x15E80  }
0x533: {  	[tilespmem:s15], [sflag:$0x2] =	stream.indirect_vreg.gather [hbm4b:s4+s3], $0x80, v3, vm0, $0xb8;
	[tilespmem:$0x1C680] =	vst v63  }
0x534: {  	v3 =	vld [tilespmem:$0x510];
	_ =	sdelay $0x4  }
0x535: {  	v47 =	vshll.u32 v3, $0x2  }
0x536: {  	v3 =	vand.u32 $0x7, v3;
	v4 =	vand.u32 $0xFFFFFFE0, v47  }
0x537: {  	v3 =	vor.u32 v3, v4  }
0x538: {  	v4 =	vperm.xlane v3, v0;
	_ =	sdelay $0x1  }
0x539: {  	v4 =	vadd.s32 v1, v4;
	_ =	sdelay $0x1  }
0x53a: {  	v3 =	vperm.xlane v3, v2;
	_ =	sdelay $0x1  }
0x53b: {  	s15 =	simm.s32 $0x16680;
	v3 =	vadd.s32 v1, v3  }
0x53c: {  	[tilespmem:s15], [sflag:$0x2] =	stream.indirect_vreg.gather [hbm4b:s2+s3], $0x80, v4, vm0, $0xb8;
	[tilespmem:$0x1C680] =	vst v63  }
0x53d: {  	s15 =	simm.s32 $0x16E80  }
0x53e: {  	[tilespmem:s15], [sflag:$0x2] =	stream.indirect_vreg.gather [hbm4b:s4+s3], $0x80, v4, vm0, $0xb8;
	[tilespmem:$0x1C680] =	vst v63  }
0x53f: {  	s15 =	simm.s32 $0x17680  }
0x540: {  	[tilespmem:s15], [sflag:$0x2] =	stream.indirect_vreg.gather [hbm4b:s2+s3], $0x80, v3, vm0, $0xb8;
	[tilespmem:$0x1C680] =	vst v63  }
0x541: {  	s15 =	simm.s32 $0x17E80  }
0x542: {  	[tilespmem:s15], [sflag:$0x2] =	stream.indirect_vreg.gather [hbm4b:s4+s3], $0x80, v3, vm0, $0xb8;
	[tilespmem:$0x1C680] =	vst v63  }
0x543: {  	v3 =	vld [tilespmem:$0x520];
	_ =	sdelay $0x4  }
0x544: {  	v48 =	vshll.u32 v3, $0x2  }
0x545: {  	v3 =	vand.u32 $0x7, v3;
	v4 =	vand.u32 $0xFFFFFFE0, v48  }
0x546: {  	v3 =	vor.u32 v3, v4  }
0x547: {  	v4 =	vperm.xlane v3, v0;
	_ =	sdelay $0x1  }
0x548: {  	v4 =	vadd.s32 v1, v4;
	_ =	sdelay $0x1  }
0x549: {  	v3 =	vperm.xlane v3, v2;
	_ =	sdelay $0x1  }
0x54a: {  	s15 =	simm.s32 $0x18680;
	v3 =	vadd.s32 v1, v3  }
0x54b: {  	[tilespmem:s15], [sflag:$0x2] =	stream.indirect_vreg.gather [hbm4b:s2+s3], $0x80, v4, vm0, $0xb8;
	[tilespmem:$0x1C680] =	vst v63  }
0x54c: {  	s15 =	simm.s32 $0x18E80  }
0x54d: {  	[tilespmem:s15], [sflag:$0x2] =	stream.indirect_vreg.gather [hbm4b:s4+s3], $0x80, v4, vm0, $0xb8;
	[tilespmem:$0x1C680] =	vst v63  }
0x54e: {  	s15 =	simm.s32 $0x19680  }
0x54f: {  	[tilespmem:s15], [sflag:$0x2] =	stream.indirect_vreg.gather [hbm4b:s2+s3], $0x80, v3, vm0, $0xb8;
	[tilespmem:$0x1C680] =	vst v63  }
0x550: {  	s15 =	simm.s32 $0x19E80  }
0x551: {  	[tilespmem:s15], [sflag:$0x2] =	stream.indirect_vreg.gather [hbm4b:s4+s3], $0x80, v3, vm0, $0xb8;
	[tilespmem:$0x1C680] =	vst v63  }
0x552: {  	v3 =	vld [tilespmem:$0x530];
	_ =	sdelay $0x4  }
0x553: {  	v49 =	vshll.u32 v3, $0x2  }
0x554: {  	v3 =	vand.u32 $0x7, v3;
	v4 =	vand.u32 $0xFFFFFFE0, v49  }
0x555: {  	v3 =	vor.u32 v3, v4  }
0x556: {  	v4 =	vperm.xlane v3, v0;
	_ =	sdelay $0x1  }
0x557: {  	v4 =	vadd.s32 v1, v4;
	_ =	sdelay $0x1  }
0x558: {  	v3 =	vperm.xlane v3, v2;
	_ =	sdelay $0x1  }
0x559: {  	s15 =	simm.s32 $0x1A680;
	v3 =	vadd.s32 v1, v3  }
0x55a: {  	[tilespmem:s15], [sflag:$0x2] =	stream.indirect_vreg.gather [hbm4b:s2+s3], $0x80, v4, vm0, $0xb8;
	[tilespmem:$0x1C680] =	vst v63  }
0x55b: {  	s15 =	simm.s32 $0x1AE80  }
0x55c: {  	[tilespmem:s15], [sflag:$0x2] =	stream.indirect_vreg.gather [hbm4b:s4+s3], $0x80, v4, vm0, $0xb8;
	[tilespmem:$0x1C680] =	vst v63  }
0x55d: {  	s15 =	simm.s32 $0x1B680  }
0x55e: {  	[tilespmem:s15], [sflag:$0x2] =	stream.indirect_vreg.gather [hbm4b:s2+s3], $0x80, v3, vm0, $0xb8;
	[tilespmem:$0x1C680] =	vst v63  }
0x55f: {  	s15 =	simm.s32 $0x1BE80  }
0x560: {  	[tilespmem:s15], [sflag:$0x2] =	stream.indirect_vreg.gather [hbm4b:s4+s3], $0x80, v3, vm0, $0xb8;
	[tilespmem:$0x1C680] =	vst v63  }
0x561: {  	_ =	swait.ge [sflag:s11], $0xE000  }
0x562: {  	[sflag:s11] =	ssyncset.done $0x0  }
0x563: {  	s15 =	rddreg [dreg:$0x10];
	[sflag:s11] =	ssyncadd.s32 $0xFFFF2000  }
0x564: {  	[hbm4b:s15+s3] =	stream.linear.scatter [tilespmem:s8], [sflag:$0x3], $0xE000, $0x38;
	[tilespmem:$0x1C680] =	vst v63  }
0x565: {  	_ =	swait.ge [sflag:s12], $0xE000  }
0x566: {  	[sflag:s12] =	ssyncset.done $0x0  }
0x567: {  	[sflag:s12] =	ssyncadd.s32 $0xFFFF2000  }
0x568: {  	v3 =	vld [tilespmem:$0x540];
	_ =	sdelay $0x4  }
0x569: {  	v50 =	vshll.u32 v3, $0x2  }
0x56a: {  	v3 =	vand.u32 $0x7, v3;
	v4 =	vand.u32 $0xFFFFFFE0, v50  }
0x56b: {  	v3 =	vor.u32 v3, v4  }
0x56c: {  	v4 =	vperm.xlane v3, v0;
	_ =	sdelay $0x1  }
0x56d: {  	v4 =	vadd.s32 v1, v4;
	_ =	sdelay $0x1  }
0x56e: {  	v3 =	vperm.xlane v3, v2;
	_ =	sdelay $0x1  }
0x56f: {  	v3 =	vadd.s32 v1, v3  }
0x570: {  	[tilespmem:s8], [sflag:$0x1] =	stream.indirect_vreg.gather [hbm4b:s2+s3], $0x80, v4, vm0, $0xb8;
	[tilespmem:$0x1C680] =	vst v63  }
0x571: {  	s1 =	simm.s32 $0xE80  }
0x572: {  	[tilespmem:s1], [sflag:$0x1] =	stream.indirect_vreg.gather [hbm4b:s4+s3], $0x80, v4, vm0, $0xb8;
	[tilespmem:$0x1C680] =	vst v63  }
0x573: {  	s5 =	simm.s32 $0x1680  }
0x574: {  	[tilespmem:s5], [sflag:$0x1] =	stream.indirect_vreg.gather [hbm4b:s2+s3], $0x80, v3, vm0, $0xb8;
	[tilespmem:$0x1C680] =	vst v63  }
0x575: {  	s15 =	simm.s32 $0x1E80  }
0x576: {  	[tilespmem:s15], [sflag:$0x1] =	stream.indirect_vreg.gather [hbm4b:s4+s3], $0x80, v3, vm0, $0xb8;
	[tilespmem:$0x1C680] =	vst v63  }
0x577: {  	v3 =	vld [tilespmem:$0x550];
	_ =	sdelay $0x4  }
0x578: {  	v51 =	vshll.u32 v3, $0x2  }
0x579: {  	v3 =	vand.u32 $0x7, v3;
	v4 =	vand.u32 $0xFFFFFFE0, v51  }
0x57a: {  	v3 =	vor.u32 v3, v4  }
0x57b: {  	v4 =	vperm.xlane v3, v0;
	_ =	sdelay $0x1  }
0x57c: {  	v4 =	vadd.s32 v1, v4;
	_ =	sdelay $0x1  }
0x57d: {  	v3 =	vperm.xlane v3, v2;
	_ =	sdelay $0x1  }
0x57e: {  	s18 =	simm.s32 $0x2680;
	v3 =	vadd.s32 v1, v3  }
0x57f: {  	[tilespmem:s18], [sflag:$0x1] =	stream.indirect_vreg.gather [hbm4b:s2+s3], $0x80, v4, vm0, $0xb8;
	[tilespmem:$0x1C680] =	vst v63  }
0x580: {  	s19 =	simm.s32 $0x2E80  }
0x581: {  	[tilespmem:s19], [sflag:$0x1] =	stream.indirect_vreg.gather [hbm4b:s4+s3], $0x80, v4, vm0, $0xb8;
	[tilespmem:$0x1C680] =	vst v63  }
0x582: {  	s20 =	simm.s32 $0x3680  }
0x583: {  	[tilespmem:s20], [sflag:$0x1] =	stream.indirect_vreg.gather [hbm4b:s2+s3], $0x80, v3, vm0, $0xb8;
	[tilespmem:$0x1C680] =	vst v63  }
0x584: {  	s19 =	simm.s32 $0x3E80  }
0x585: {  	[tilespmem:s19], [sflag:$0x1] =	stream.indirect_vreg.gather [hbm4b:s4+s3], $0x80, v3, vm0, $0xb8;
	[tilespmem:$0x1C680] =	vst v63  }
0x586: {  	v3 =	vld [tilespmem:$0x560];
	_ =	sdelay $0x4  }
0x587: {  	v52 =	vshll.u32 v3, $0x2  }
0x588: {  	v3 =	vand.u32 $0x7, v3;
	v4 =	vand.u32 $0xFFFFFFE0, v52  }
0x589: {  	v3 =	vor.u32 v3, v4  }
0x58a: {  	v4 =	vperm.xlane v3, v0;
	_ =	sdelay $0x1  }
0x58b: {  	v4 =	vadd.s32 v1, v4;
	_ =	sdelay $0x1  }
0x58c: {  	v3 =	vperm.xlane v3, v2;
	_ =	sdelay $0x1  }
0x58d: {  	s21 =	simm.s32 $0x4680;
	v3 =	vadd.s32 v1, v3  }
0x58e: {  	[tilespmem:s21], [sflag:$0x1] =	stream.indirect_vreg.gather [hbm4b:s2+s3], $0x80, v4, vm0, $0xb8;
	[tilespmem:$0x1C680] =	vst v63  }
0x58f: {  	s22 =	simm.s32 $0x4E80  }
0x590: {  	[tilespmem:s22], [sflag:$0x1] =	stream.indirect_vreg.gather [hbm4b:s4+s3], $0x80, v4, vm0, $0xb8;
	[tilespmem:$0x1C680] =	vst v63  }
0x591: {  	s23 =	simm.s32 $0x5680  }
0x592: {  	[tilespmem:s23], [sflag:$0x1] =	stream.indirect_vreg.gather [hbm4b:s2+s3], $0x80, v3, vm0, $0xb8;
	[tilespmem:$0x1C680] =	vst v63  }
0x593: {  	s20 =	simm.s32 $0x5E80  }
0x594: {  	[tilespmem:s20], [sflag:$0x1] =	stream.indirect_vreg.gather [hbm4b:s4+s3], $0x80, v3, vm0, $0xb8;
	[tilespmem:$0x1C680] =	vst v63  }
0x595: {  	v3 =	vld [tilespmem:$0x570];
	_ =	sdelay $0x4  }
0x596: {  	v53 =	vshll.u32 v3, $0x2  }
0x597: {  	v3 =	vand.u32 $0x7, v3;
	v4 =	vand.u32 $0xFFFFFFE0, v53  }
0x598: {  	v3 =	vor.u32 v3, v4  }
0x599: {  	v4 =	vperm.xlane v3, v0;
	_ =	sdelay $0x1  }
0x59a: {  	v4 =	vadd.s32 v1, v4;
	_ =	sdelay $0x1  }
0x59b: {  	v3 =	vperm.xlane v3, v2;
	_ =	sdelay $0x1  }
0x59c: {  	s24 =	simm.s32 $0x6680;
	v3 =	vadd.s32 v1, v3  }
0x59d: {  	[tilespmem:s24], [sflag:$0x1] =	stream.indirect_vreg.gather [hbm4b:s2+s3], $0x80, v4, vm0, $0xb8;
	[tilespmem:$0x1C680] =	vst v63  }
0x59e: {  	s25 =	simm.s32 $0x6E80  }
0x59f: {  	[tilespmem:s25], [sflag:$0x1] =	stream.indirect_vreg.gather [hbm4b:s4+s3], $0x80, v4, vm0, $0xb8;
	[tilespmem:$0x1C680] =	vst v63  }
0x5a0: {  	s26 =	simm.s32 $0x7680  }
0x5a1: {  	[tilespmem:s26], [sflag:$0x1] =	stream.indirect_vreg.gather [hbm4b:s2+s3], $0x80, v3, vm0, $0xb8;
	[tilespmem:$0x1C680] =	vst v63  }
0x5a2: {  	s21 =	simm.s32 $0x7E80  }
0x5a3: {  	[tilespmem:s21], [sflag:$0x1] =	stream.indirect_vreg.gather [hbm4b:s4+s3], $0x80, v3, vm0, $0xb8;
	[tilespmem:$0x1C680] =	vst v63  }
0x5a4: {  	v3 =	vld [tilespmem:$0x580];
	_ =	sdelay $0x4  }
0x5a5: {  	v54 =	vshll.u32 v3, $0x2  }
0x5a6: {  	v3 =	vand.u32 $0x7, v3;
	v4 =	vand.u32 $0xFFFFFFE0, v54  }
0x5a7: {  	v3 =	vor.u32 v3, v4  }
0x5a8: {  	v4 =	vperm.xlane v3, v0;
	_ =	sdelay $0x1  }
0x5a9: {  	v4 =	vadd.s32 v1, v4;
	_ =	sdelay $0x1  }
0x5aa: {  	v3 =	vperm.xlane v3, v2;
	_ =	sdelay $0x1  }
0x5ab: {  	s28 =	simm.s32 $0x8680;
	v3 =	vadd.s32 v1, v3  }
0x5ac: {  	[tilespmem:s28], [sflag:$0x1] =	stream.indirect_vreg.gather [hbm4b:s2+s3], $0x80, v4, vm0, $0xb8;
	[tilespmem:$0x1C680] =	vst v63  }
0x5ad: {  	s29 =	simm.s32 $0x8E80  }
0x5ae: {  	[tilespmem:s29], [sflag:$0x1] =	stream.indirect_vreg.gather [hbm4b:s4+s3], $0x80, v4, vm0, $0xb8;
	[tilespmem:$0x1C680] =	vst v63  }
0x5af: {  	s30 =	simm.s32 $0x9680  }
0x5b0: {  	[tilespmem:s30], [sflag:$0x1] =	stream.indirect_vreg.gather [hbm4b:s2+s3], $0x80, v3, vm0, $0xb8;
	[tilespmem:$0x1C680] =	vst v63  }
0x5b1: {  	s22 =	simm.s32 $0x9E80  }
0x5b2: {  	[tilespmem:s22], [sflag:$0x1] =	stream.indirect_vreg.gather [hbm4b:s4+s3], $0x80, v3, vm0, $0xb8;
	[tilespmem:$0x1C680] =	vst v63  }
0x5b3: {  	v3 =	vld [tilespmem:$0x590];
	_ =	sdelay $0x4  }
0x5b4: {  	v55 =	vshll.u32 v3, $0x2  }
0x5b5: {  	v3 =	vand.u32 $0x7, v3;
	v4 =	vand.u32 $0xFFFFFFE0, v55  }
0x5b6: {  	v3 =	vor.u32 v3, v4  }
0x5b7: {  	v4 =	vperm.xlane v3, v0;
	_ =	sdelay $0x1  }
0x5b8: {  	v4 =	vadd.s32 v1, v4;
	_ =	sdelay $0x1  }
0x5b9: {  	v3 =	vperm.xlane v3, v2;
	_ =	sdelay $0x1  }
0x5ba: {  	s31 =	simm.s32 $0xA680;
	v3 =	vadd.s32 v1, v3  }
0x5bb: {  	[tilespmem:s31], [sflag:$0x1] =	stream.indirect_vreg.gather [hbm4b:s2+s3], $0x80, v4, vm0, $0xb8;
	[tilespmem:$0x1C680] =	vst v63  }
0x5bc: {  	s6 =	simm.s32 $0xAE80  }
0x5bd: {  	[tilespmem:s6], [sflag:$0x1] =	stream.indirect_vreg.gather [hbm4b:s4+s3], $0x80, v4, vm0, $0xb8;
	[tilespmem:$0x1C680] =	vst v63  }
0x5be: {  	s7 =	simm.s32 $0xB680  }
0x5bf: {  	[tilespmem:s7], [sflag:$0x1] =	stream.indirect_vreg.gather [hbm4b:s2+s3], $0x80, v3, vm0, $0xb8;
	[tilespmem:$0x1C680] =	vst v63  }
0x5c0: {  	s23 =	simm.s32 $0xBE80  }
0x5c1: {  	[tilespmem:s23], [sflag:$0x1] =	stream.indirect_vreg.gather [hbm4b:s4+s3], $0x80, v3, vm0, $0xb8;
	[tilespmem:$0x1C680] =	vst v63  }
0x5c2: {  	v3 =	vld [tilespmem:$0x5A0];
	_ =	sdelay $0x4  }
0x5c3: {  	v56 =	vshll.u32 v3, $0x2  }
0x5c4: {  	v3 =	vand.u32 $0x7, v3;
	v4 =	vand.u32 $0xFFFFFFE0, v56  }
0x5c5: {  	v3 =	vor.u32 v3, v4  }
0x5c6: {  	v4 =	vperm.xlane v3, v0;
	_ =	sdelay $0x1  }
0x5c7: {  	v4 =	vadd.s32 v1, v4;
	_ =	sdelay $0x1  }
0x5c8: {  	v3 =	vperm.xlane v3, v2;
	_ =	sdelay $0x1  }
0x5c9: {  	s9 =	simm.s32 $0xC680;
	v3 =	vadd.s32 v1, v3  }
0x5ca: {  	[tilespmem:s9], [sflag:$0x1] =	stream.indirect_vreg.gather [hbm4b:s2+s3], $0x80, v4, vm0, $0xb8;
	[tilespmem:$0x1C680] =	vst v63  }
0x5cb: {  	s10 =	simm.s32 $0xCE80  }
0x5cc: {  	[tilespmem:s10], [sflag:$0x1] =	stream.indirect_vreg.gather [hbm4b:s4+s3], $0x80, v4, vm0, $0xb8;
	[tilespmem:$0x1C680] =	vst v63  }
0x5cd: {  	s16 =	simm.s32 $0xD680  }
0x5ce: {  	[tilespmem:s16], [sflag:$0x1] =	stream.indirect_vreg.gather [hbm4b:s2+s3], $0x80, v3, vm0, $0xb8;
	[tilespmem:$0x1C680] =	vst v63  }
0x5cf: {  	s24 =	simm.s32 $0xDE80  }
0x5d0: {  	[tilespmem:s24], [sflag:$0x1] =	stream.indirect_vreg.gather [hbm4b:s4+s3], $0x80, v3, vm0, $0xb8;
	[tilespmem:$0x1C680] =	vst v63  }
0x5d1: {  	_ =	swait.ge [sflag:s13], $0xE000  }
0x5d2: {  	[sflag:s13] =	ssyncset.done $0x0  }
0x5d3: {  	s25 =	rddreg [dreg:$0x11];
	[sflag:s13] =	ssyncadd.s32 $0xFFFF2000  }
0x5d4: {  	[hbm4b:s25+s3] =	stream.linear.scatter [tilespmem:s0], [sflag:$0x4], $0xE000, $0x38;
	[tilespmem:$0x1C680] =	vst v63  }
0x5d5: {  	_ =	swait.ge [sflag:s14], $0xE000  }
0x5d6: {  	[sflag:s14] =	ssyncset.done $0x0  }
0x5d7: {  	[sflag:s14] =	ssyncadd.s32 $0xFFFF2000  }
0x5d8: {  	v3 =	vld [tilespmem:$0x5B0];
	_ =	sdelay $0x4  }
0x5d9: {  	v57 =	vshll.u32 v3, $0x2  }
0x5da: {  	v3 =	vand.u32 $0x7, v3;
	v4 =	vand.u32 $0xFFFFFFE0, v57  }
0x5db: {  	v3 =	vor.u32 v3, v4  }
0x5dc: {  	v4 =	vperm.xlane v3, v0;
	_ =	sdelay $0x1  }
0x5dd: {  	v4 =	vadd.s32 v1, v4;
	_ =	sdelay $0x1  }
0x5de: {  	v3 =	vperm.xlane v3, v2;
	_ =	sdelay $0x1  }
0x5df: {  	v3 =	vadd.s32 v1, v3  }
0x5e0: {  	[tilespmem:s0], [sflag:$0x2] =	stream.indirect_vreg.gather [hbm4b:s2+s3], $0x80, v4, vm0, $0xb8;
	[tilespmem:$0x1C680] =	vst v63  }
0x5e1: {  	s17 =	simm.s32 $0xEE80  }
0x5e2: {  	[tilespmem:s17], [sflag:$0x2] =	stream.indirect_vreg.gather [hbm4b:s4+s3], $0x80, v4, vm0, $0xb8;
	[tilespmem:$0x1C680] =	vst v63  }
0x5e3: {  	s26 =	simm.s32 $0xF680  }
0x5e4: {  	[tilespmem:s26], [sflag:$0x2] =	stream.indirect_vreg.gather [hbm4b:s2+s3], $0x80, v3, vm0, $0xb8;
	[tilespmem:$0x1C680] =	vst v63  }
0x5e5: {  	s28 =	simm.s32 $0xFE80  }
0x5e6: {  	[tilespmem:s28], [sflag:$0x2] =	stream.indirect_vreg.gather [hbm4b:s4+s3], $0x80, v3, vm0, $0xb8;
	[tilespmem:$0x1C680] =	vst v63  }
0x5e7: {  	v3 =	vld [tilespmem:$0x5C0];
	_ =	sdelay $0x4  }
0x5e8: {  	v58 =	vshll.u32 v3, $0x2  }
0x5e9: {  	v3 =	vand.u32 $0x7, v3;
	v4 =	vand.u32 $0xFFFFFFE0, v58  }
0x5ea: {  	v3 =	vor.u32 v3, v4  }
0x5eb: {  	v4 =	vperm.xlane v3, v0;
	_ =	sdelay $0x1  }
0x5ec: {  	v4 =	vadd.s32 v1, v4;
	_ =	sdelay $0x1  }
0x5ed: {  	v3 =	vperm.xlane v3, v2;
	_ =	sdelay $0x1  }
0x5ee: {  	s29 =	simm.s32 $0x10680;
	v3 =	vadd.s32 v1, v3  }
0x5ef: {  	[tilespmem:s29], [sflag:$0x2] =	stream.indirect_vreg.gather [hbm4b:s2+s3], $0x80, v4, vm0, $0xb8;
	[tilespmem:$0x1C680] =	vst v63  }
0x5f0: {  	s30 =	simm.s32 $0x10E80  }
0x5f1: {  	[tilespmem:s30], [sflag:$0x2] =	stream.indirect_vreg.gather [hbm4b:s4+s3], $0x80, v4, vm0, $0xb8;
	[tilespmem:$0x1C680] =	vst v63  }
0x5f2: {  	s31 =	simm.s32 $0x11680  }
0x5f3: {  	[tilespmem:s31], [sflag:$0x2] =	stream.indirect_vreg.gather [hbm4b:s2+s3], $0x80, v3, vm0, $0xb8;
	[tilespmem:$0x1C680] =	vst v63  }
0x5f4: {  	s1 =	simm.s32 $0x11E80  }
0x5f5: {  	[tilespmem:s1], [sflag:$0x2] =	stream.indirect_vreg.gather [hbm4b:s4+s3], $0x80, v3, vm0, $0xb8;
	[tilespmem:$0x1C680] =	vst v63  }
0x5f6: {  	v3 =	vld [tilespmem:$0x5D0];
	_ =	sdelay $0x4  }
0x5f7: {  	v59 =	vshll.u32 v3, $0x2  }
0x5f8: {  	v3 =	vand.u32 $0x7, v3;
	v4 =	vand.u32 $0xFFFFFFE0, v59  }
0x5f9: {  	v3 =	vor.u32 v3, v4  }
0x5fa: {  	v4 =	vperm.xlane v3, v0;
	_ =	sdelay $0x1  }
0x5fb: {  	v4 =	vadd.s32 v1, v4;
	_ =	sdelay $0x1  }
0x5fc: {  	v3 =	vperm.xlane v3, v2;
	_ =	sdelay $0x1  }
0x5fd: {  	s5 =	simm.s32 $0x12680;
	v3 =	vadd.s32 v1, v3  }
0x5fe: {  	[tilespmem:s5], [sflag:$0x2] =	stream.indirect_vreg.gather [hbm4b:s2+s3], $0x80, v4, vm0, $0xb8;
	[tilespmem:$0x1C680] =	vst v63  }
0x5ff: {  	s6 =	simm.s32 $0x12E80  }
0x600: {  	[tilespmem:s6], [sflag:$0x2] =	stream.indirect_vreg.gather [hbm4b:s4+s3], $0x80, v4, vm0, $0xb8;
	[tilespmem:$0x1C680] =	vst v63  }
0x601: {  	s7 =	simm.s32 $0x13680  }
0x602: {  	[tilespmem:s7], [sflag:$0x2] =	stream.indirect_vreg.gather [hbm4b:s2+s3], $0x80, v3, vm0, $0xb8;
	[tilespmem:$0x1C680] =	vst v63  }
0x603: {  	s9 =	simm.s32 $0x13E80  }
0x604: {  	[tilespmem:s9], [sflag:$0x2] =	stream.indirect_vreg.gather [hbm4b:s4+s3], $0x80, v3, vm0, $0xb8;
	[tilespmem:$0x1C680] =	vst v63  }
0x605: {  	v3 =	vld [tilespmem:$0x5E0];
	_ =	sdelay $0x4  }
0x606: {  	v60 =	vshll.u32 v3, $0x2  }
0x607: {  	v3 =	vand.u32 $0x7, v3;
	v4 =	vand.u32 $0xFFFFFFE0, v60  }
0x608: {  	v3 =	vor.u32 v3, v4  }
0x609: {  	v4 =	vperm.xlane v3, v0;
	_ =	sdelay $0x1  }
0x60a: {  	v4 =	vadd.s32 v1, v4;
	_ =	sdelay $0x1  }
0x60b: {  	v3 =	vperm.xlane v3, v2;
	_ =	sdelay $0x1  }
0x60c: {  	s10 =	simm.s32 $0x14680;
	v3 =	vadd.s32 v1, v3  }
0x60d: {  	[tilespmem:s10], [sflag:$0x2] =	stream.indirect_vreg.gather [hbm4b:s2+s3], $0x80, v4, vm0, $0xb8;
	[tilespmem:$0x1C680] =	vst v63  }
0x60e: {  	s15 =	simm.s32 $0x14E80  }
0x60f: {  	[tilespmem:s15], [sflag:$0x2] =	stream.indirect_vreg.gather [hbm4b:s4+s3], $0x80, v4, vm0, $0xb8;
	[tilespmem:$0x1C680] =	vst v63  }
0x610: {  	s16 =	simm.s32 $0x15680  }
0x611: {  	[tilespmem:s16], [sflag:$0x2] =	stream.indirect_vreg.gather [hbm4b:s2+s3], $0x80, v3, vm0, $0xb8;
	[tilespmem:$0x1C680] =	vst v63  }
0x612: {  	s17 =	simm.s32 $0x15E80  }
0x613: {  	[tilespmem:s17], [sflag:$0x2] =	stream.indirect_vreg.gather [hbm4b:s4+s3], $0x80, v3, vm0, $0xb8;
	[tilespmem:$0x1C680] =	vst v63  }
0x614: {  	v3 =	vld [tilespmem:$0x5F0];
	_ =	sdelay $0x4  }
0x615: {  	v61 =	vshll.u32 v3, $0x2  }
0x616: {  	v3 =	vand.u32 $0x7, v3;
	v4 =	vand.u32 $0xFFFFFFE0, v61  }
0x617: {  	v3 =	vor.u32 v3, v4  }
0x618: {  	v4 =	vperm.xlane v3, v0;
	_ =	sdelay $0x1  }
0x619: {  	v4 =	vadd.s32 v1, v4;
	_ =	sdelay $0x1  }
0x61a: {  	v3 =	vperm.xlane v3, v2;
	_ =	sdelay $0x1  }
0x61b: {  	s18 =	simm.s32 $0x16680;
	v3 =	vadd.s32 v1, v3  }
0x61c: {  	[tilespmem:s18], [sflag:$0x2] =	stream.indirect_vreg.gather [hbm4b:s2+s3], $0x80, v4, vm0, $0xb8;
	[tilespmem:$0x1C680] =	vst v63  }
0x61d: {  	s19 =	simm.s32 $0x16E80  }
0x61e: {  	[tilespmem:s19], [sflag:$0x2] =	stream.indirect_vreg.gather [hbm4b:s4+s3], $0x80, v4, vm0, $0xb8;
	[tilespmem:$0x1C680] =	vst v63  }
0x61f: {  	s20 =	simm.s32 $0x17680  }
0x620: {  	[tilespmem:s20], [sflag:$0x2] =	stream.indirect_vreg.gather [hbm4b:s2+s3], $0x80, v3, vm0, $0xb8;
	[tilespmem:$0x1C680] =	vst v63  }
0x621: {  	s21 =	simm.s32 $0x17E80  }
0x622: {  	[tilespmem:s21], [sflag:$0x2] =	stream.indirect_vreg.gather [hbm4b:s4+s3], $0x80, v3, vm0, $0xb8;
	[tilespmem:$0x1C680] =	vst v63  }
0x623: {  	v3 =	vld [tilespmem:$0x600];
	_ =	sdelay $0x4  }
0x624: {  	v62 =	vshll.u32 v3, $0x2  }
0x625: {  	v3 =	vand.u32 $0x7, v3;
	v4 =	vand.u32 $0xFFFFFFE0, v62  }
0x626: {  	v3 =	vor.u32 v3, v4  }
0x627: {  	v4 =	vperm.xlane v3, v0;
	_ =	sdelay $0x1  }
0x628: {  	v4 =	vadd.s32 v1, v4;
	_ =	sdelay $0x1  }
0x629: {  	v3 =	vperm.xlane v3, v2;
	_ =	sdelay $0x1  }
0x62a: {  	s22 =	simm.s32 $0x18680;
	v3 =	vadd.s32 v1, v3  }
0x62b: {  	[tilespmem:s22], [sflag:$0x2] =	stream.indirect_vreg.gather [hbm4b:s2+s3], $0x80, v4, vm0, $0xb8;
	[tilespmem:$0x1C680] =	vst v63  }
0x62c: {  	s23 =	simm.s32 $0x18E80  }
0x62d: {  	[tilespmem:s23], [sflag:$0x2] =	stream.indirect_vreg.gather [hbm4b:s4+s3], $0x80, v4, vm0, $0xb8;
	[tilespmem:$0x1C680] =	vst v63  }
0x62e: {  	s24 =	simm.s32 $0x19680  }
0x62f: {  	[tilespmem:s24], [sflag:$0x2] =	stream.indirect_vreg.gather [hbm4b:s2+s3], $0x80, v3, vm0, $0xb8;
	[tilespmem:$0x1C680] =	vst v63  }
0x630: {  	s25 =	simm.s32 $0x19E80  }
0x631: {  	[tilespmem:s25], [sflag:$0x2] =	stream.indirect_vreg.gather [hbm4b:s4+s3], $0x80, v3, vm0, $0xb8;
	[tilespmem:$0x1C680] =	vst v63  }
0x632: {  	v3 =	vld [tilespmem:$0x610];
	_ =	sdelay $0x4  }
0x633: {  	v63 =	vshll.u32 v3, $0x2  }
0x634: {  	v3 =	vand.u32 $0x7, v3;
	v4 =	vand.u32 $0xFFFFFFE0, v63  }
0x635: {  	v3 =	vor.u32 v3, v4  }
0x636: {  	v4 =	vperm.xlane v3, v0;
	_ =	sdelay $0x1  }
0x637: {  	v4 =	vadd.s32 v1, v4;
	_ =	sdelay $0x1  }
0x638: {  	v3 =	vperm.xlane v3, v2;
	_ =	sdelay $0x1  }
0x639: {  	s26 =	simm.s32 $0x1A680;
	v3 =	vadd.s32 v1, v3  }
0x63a: {  	[tilespmem:s26], [sflag:$0x2] =	stream.indirect_vreg.gather [hbm4b:s2+s3], $0x80, v4, vm0, $0xb8;
	[tilespmem:$0x1C680] =	vst v63  }
0x63b: {  	s28 =	simm.s32 $0x1AE80  }
0x63c: {  	[tilespmem:s28], [sflag:$0x2] =	stream.indirect_vreg.gather [hbm4b:s4+s3], $0x80, v4, vm0, $0xb8;
	[tilespmem:$0x1C680] =	vst v63  }
0x63d: {  	s29 =	simm.s32 $0x1B680  }
0x63e: {  	[tilespmem:s29], [sflag:$0x2] =	stream.indirect_vreg.gather [hbm4b:s2+s3], $0x80, v3, vm0, $0xb8;
	[tilespmem:$0x1C680] =	vst v63  }
0x63f: {  	s30 =	simm.s32 $0x1BE80  }
0x640: {  	[tilespmem:s30], [sflag:$0x2] =	stream.indirect_vreg.gather [hbm4b:s4+s3], $0x80, v3, vm0, $0xb8;
	[tilespmem:$0x1C680] =	vst v63  }
0x641: {  	_ =	swait.ge [sflag:s11], $0xE000  }
0x642: {  	s0 =	simm.s32 @p0 $0x0;
	[sflag:s11] =	ssyncset.done $0x0  }
0x643: {  	s16 =	simm.s32 @p0 $0x680;
	s15 =	rddreg [dreg:$0x14];
	[sflag:s11] =	ssyncadd.s32 $0xFFFF2000  }
0x644: {  	[hbm4b:s15+s0] =	stream.linear.scatter @p0 [tilespmem:s16], [sflag:$0x3], $0x6000, $0x38;
	[tilespmem:$0x1C680] =	vst v63  }
0x645: {  	s15 =	simm.s32 @p0 $0x2  }
0x646: {  	_ =	swait.ge @p0 [sflag:s15], $0xE000  }
0x647: {  	[sflag:s15] =	ssyncset.done @p0 $0x0  }
0x648: {  	[sflag:s15] =	ssyncadd.s32 @p0 $0xFFFF2000;
	s15 =	simm.s32 @p0 $0x3  }
0x649: {  	_ =	swait.ge @p0 [sflag:s15], $0x6000  }
0x64a: {  	s0 =	simm.s32 @!p0 $0x0;
	[sflag:s15] =	ssyncset.done @p0 $0x0  }
0x64b: {  	s16 =	rddreg [dreg:$0x12];
	[sflag:s15] =	ssyncadd.s32 @p0 $0xFFFFA000;
	s15 =	simm.s32 @!p0 $0x680  }
0x64c: {  	[hbm4b:s16+s0] =	stream.linear.scatter @!p0 [tilespmem:s15], [sflag:$0x3], $0xE000, $0x38;
	[tilespmem:$0x1C680] =	vst v63  }
0x64d: {  	s15 =	simm.s32 @!p0 $0x2  }
0x64e: {  	_ =	swait.ge @!p0 [sflag:s15], $0xE000  }
0x64f: {  	s16 =	rddreg [dreg:$0x13];
	[sflag:s15] =	ssyncset.done @!p0 $0x0  }
0x650: {  	s31 =	rddreg [dreg:$0x15];
	[sflag:s15] =	ssyncadd.s32 @!p0 $0xFFFF2000;
	s15 =	simm.s32 @!p0 $0xE680  }
0x651: {  	[hbm4b:s16+s0] =	stream.linear.scatter @!p0 [tilespmem:s15], [sflag:$0x4], $0xE000, $0x38;
	[tilespmem:$0x1C680] =	vst v63  }
0x652: {  	s15 =	simm.s32 @!p0 $0x3;
	s0 =	sadd.s32 $0xFFFFFFFF, s31  }
0x653: {  	_ =	swait.ge @!p0 [sflag:s15], $0xE000;
	p1 =	sne.s32 s0, $0x0  }
.Ltmp0:
0x654: {  	[sflag:s15] =	ssyncset.done @!p0 $0x0;
	(pc) =	sbr.rel @p1 .LBB2_1-.Ltmp0, $4  }
0x655: {  	[sflag:s15] =	ssyncadd.s32 @!p0 $0xFFFF2000;
	s15 =	simm.s32 @!p0 $0x4  }
0x656: {  	_ =	swait.ge @!p0 [sflag:s15], $0xE000  }
0x657: {  	[sflag:s15] =	ssyncset.done @!p0 $0x0  }
0x658: {  	[sflag:s15] =	ssyncadd.s32 @!p0 $0xFFFF2000  }
0x659: {  	_ =	sfence.sel $0x180000  }
0x65a: {  	[bflag:$0x0] =	sbarrier.arrive $0xFFFF  }
0x65b: {  	_ =	strace $0x90000047  }
0x65c: {  	s0 =	stileid.u32;
	[bflag:$0x2] =	sbarrier.arrive $0xFFFF  }
0x65d: {  	p0 =	sne.s32 s0, $0x0;
	s0 =	rddreg [dreg:$0x3]  }
0x65e: {  	s0 =	sadd.s32 @!p0 $0x100000, s0  }
0x65f: {  	[sflag:s0] =	ssyncadd.tile.s32 @!p0 $0x1;
	_ =	shalt  }
.Lfunc_end2:
_tile_overlayer_lowered:
.L_overlay_start_2:
0x660: {  	(tag) =	ssettag $0x2  }
0x661: {  	s0 =	rddreg [dreg:$0x0];
	s2 =	stileid.u32  }
0x662: {  	s1 =	rddreg [dreg:$0x1];
	p0 =	sne.s32 s2, $0x0  }
0x663: {  	s3 =	rddreg [dreg:$0x2];
	[bflag:$0x3] =	sbarrier.arrive $0xFFFF;
	s2 =	simm.s32 @!p0 $0x1C05  }
0x664: {  	[timem:s3], [sflag:s2] =	dma.local @!p0 [hbm:s0], s1  }
0x665: {  	s0 =	simm.s32 @!p0 $0x5  }
0x666: {  	_ =	swait.ge @!p0 [sflag:s0], s1  }
0x667: {  	s1 =	ssub.s32 @!p0 $0x0, s1;
	[sflag:s0] =	ssyncset.done @!p0 $0x0  }
0x668: {  	[sflag:s0] =	ssyncadd.s32 @!p0 s1  }
0x669: {  	[bflag:$0x3] =	sbarrier.arrive $0xFFFF  }
0x66a: {  	_ =	shalt  }

</sc_bundles>
